<compile_context>
chip_gen: v7x
topology: tpu7x:2x2x1
jax: 0.10.2.dev20260603
libtpu: 0.0.44.dev20260713+nightly
codegen_flags: <defaults>
</compile_context>

<pallas_src>
import jax
import jax.numpy as jnp
from jax import lax
from jax.experimental import pallas as pl
from jax.experimental.pallas import tpu as pltpu
from jax.experimental.pallas import tpu_sc as plsc

EMB = 64
NC, NS = 2, 16
NW = NC * NS
NT = 200
BB = 128


def _emb_body(xv_hbm, table_hbm, out_hbm, idxT, rows_v, rowsT, gsem, ssem):
    wid = lax.axis_index("s") * NC + lax.axis_index("c")

    pltpu.sync_copy(xv_hbm.at[:, wid], idxT)

    e0 = lax.broadcasted_iota(jnp.int32, (16,), 0)
    eb_vecs = [(e0 + 16 * h) // 8 for h in range(4)]
    ei_vecs = [(e0 + 16 * h) % 8 for h in range(4)]

    def fire_gather(t, s):
        td = t // 8
        tm = t % 8
        pltpu.async_copy(
            table_hbm.at[idxT.at[td, tm]], rows_v.at[s], gsem
        )

    def wait_gather(s):
        pltpu.make_async_copy(
            table_hbm.at[pl.ds(0, BB)], rows_v.at[s], gsem
        ).wait()

    def wait_store(s):
        pltpu.make_async_copy(
            rowsT.at[s, :, :, pl.ds(0, BB)], out_hbm.at[0, :, wid], ssem
        ).wait()

    zero16 = e0 * 0

    def transpose(s):
        dst = rowsT.at[s % 2]

        @plsc.parallel_loop(0, BB, 1, unroll=8)
        def _bi(bi):
            bs = zero16 + bi
            for h in range(4):
                v = rows_v[s, bi, pl.ds(16 * h, 16)]
                plsc.store_scatter(dst, [eb_vecs[h], ei_vecs[h], bs], v)

    for s in range(3):
        fire_gather(s, s)
    pltpu.async_copy(rowsT.at[0, :, :, pl.ds(0, BB)], out_hbm.at[0, :, wid], ssem)
    pltpu.async_copy(rowsT.at[1, :, :, pl.ds(0, BB)], out_hbm.at[0, :, wid], ssem)

    @pl.loop(0, NT // 4)
    def _quad(tq):
        for s in range(4):
            t = 4 * tq + s
            wait_gather(s)
            fire_gather(jnp.minimum(t + 3, NT - 1), (s + 3) % 4)
            transpose(s)
            wait_store(s % 2)
            pltpu.async_copy(
                rowsT.at[s % 2, :, :, pl.ds(0, BB)],
                out_hbm.at[t, :, wid],
                ssem,
            )

    for s in range(2):
        wait_store(s)
    for s in range(3):
        wait_gather(s)


def kernel(x, W):
    xv = (
        x.astype(jnp.int32)
        .T.reshape(NT // 8, 8, NW, BB)
        .transpose(0, 2, 1, 3)
    )
    mesh = plsc.VectorSubcoreMesh(
        core_axis_name="c", subcore_axis_name="s",
        num_cores=NC, num_subcores=NS,
    )
    out5 = pl.kernel(
        _emb_body,
        out_type=jax.ShapeDtypeStruct((NT, 8, NW, 8, BB), jnp.float32),
        mesh=mesh,
        scratch_types=[
            pltpu.VMEM((NT // 8, 8, BB), jnp.int32),
            pltpu.VMEM((4, BB, EMB), jnp.float32),
            pltpu.VMEM((2, 8, 8, BB + 1), jnp.float32),
            pltpu.SemaphoreType.DMA,
            pltpu.SemaphoreType.DMA,
        ],
        compiler_params=pltpu.CompilerParams(
            use_tc_tiling_on_sc=False,
            needs_layout_passes=False,
            disable_bounds_checks=True,
        ),
    )(xv, W)
    return out5.transpose(2, 4, 0, 1, 3).reshape(x.shape[0], NT, EMB)

# --- scband reference (transcript-rebuilt; emitter-appended) ---
"""Pipeline reference for scband-senti-embedding-23948737643242 (READ-ONLY COPY).

The authoritative reference and input builder live on the scoring server;
editing this copy changes nothing except your own understanding.
"""

import jax, jax.numpy as jnp
import numpy as np

NTOKEN = 100000
EMB_DIM = 64

def setup_inputs(seed: int = 0) -> dict:
    key = jax.random.key(seed)
    k1, k2 = jax.random.split(key)
    # indices in [0, NTOKEN+1), where NTOKEN is the padding index
    x = jax.random.randint(k1, (4096, 200), 0, NTOKEN + 1, dtype=jnp.int64)
    # embedding table of shape [ntoken + 1, emb_dim]; padding row zeroed like nn.Embedding(padding_idx=ntoken)
    W = jax.random.normal(k2, (NTOKEN + 1, EMB_DIM), dtype=jnp.float32)
    W = W.at[NTOKEN].set(0.0)
    return {"x": x, "W": W}

def reference(x, W):
    # emb = self.emb(x): gather rows; padding_idx row yields zeros.
    emb = jnp.take(W, x, axis=0)
    # enforce padding semantics explicitly (row is zero, mask keeps it exact)
    emb = emb * (x != NTOKEN)[..., None].astype(emb.dtype)
    # dropout in eval/inference mode is the identity
    return emb

if __name__ == "__main__":
    import jax
    _d = setup_inputs()
    print(jax.jit(kernel)(*tuple(_d.values())))

</pallas_src>

<mosaic_0001>
#map = affine_map<(d0, d1) -> (0, 0, 0, 0)>
#map1 = affine_map<(d0, d1) -> (0, 0)>
#map2 = affine_map<(d0, d1) -> (0, 0, 0, 0, 0)>
module attributes {stable_mosaic.version = 14 : i64} {
  func.func @_emb_body(%arg0: i32, %arg1: i32, %arg2: memref<25x32x8x128xi32, #tpu.memory_space<hbm>>, %arg3: memref<100001x64xf32, #tpu.memory_space<hbm>>, %arg4: memref<200x8x32x8x128xf32, #tpu.memory_space<hbm>>, %arg5: memref<25x8x128xi32, #tpu.memory_space<vmem>>, %arg6: memref<4x128x64xf32, #tpu.memory_space<vmem>>, %arg7: memref<2x8x8x129xf32, #tpu.memory_space<vmem>>, %arg8: memref<!tpu.dma_semaphore, #tpu.memory_space<semaphore_mem>>, %arg9: memref<!tpu.dma_semaphore, #tpu.memory_space<semaphore_mem>>) attributes {dimension_semantics = [#tpu.dimension_semantics<core_parallel>, #tpu.dimension_semantics<subcore_parallel>], iteration_bounds = array<i64: 2, 16>, scalar_prefetch = 0 : i64, scratch_operands = 5 : i64, tpu.core_type = #tpu.core_type<sc_vector_subcore>, window_params = [{transform_indices = #map}, {transform_indices = #map1}, {transform_indices = #map2}]} {
    %mul3A = arith.constant 2 : i32
    %mul3A_0 = arith.muli %arg1, %mul3A : i32
    %add3A = arith.addi %mul3A_0, %arg0 : i32
    "tpu.region"() ({
      %run_scoped3A = tpu.sem_alloc : memref<!tpu.dma_semaphore, #tpu.memory_space<semaphore_mem>>
      %dma_start3A_404 = arith.constant 0 : i32
      %dma_start3A_405 = arith.constant 0 : i32
      %dma_start3A_406 = arith.constant 0 : i32
      %dma_start3A_407 = tpu.memref_slice %arg2[%dma_start3A_404, %add3A, %dma_start3A_405, %dma_start3A_406] : memref<25x32x8x128xi32, #tpu.memory_space<hbm>> -> memref<25x1x8x128xi32, #tpu.memory_space<hbm>>
      %dma_start3A_408 = tpu.memref_squeeze %dma_start3A_407 : memref<25x1x8x128xi32, #tpu.memory_space<hbm>> -> memref<25x8x128xi32, #tpu.memory_space<hbm>>
      %dma_start3A_409 = arith.constant 0 : i32
      %dma_start3A_410 = arith.constant 0 : i32
      %dma_start3A_411 = arith.constant 0 : i32
      %dma_start3A_412 = tpu.memref_slice %arg2[%dma_start3A_409, %add3A, %dma_start3A_410, %dma_start3A_411] : memref<25x32x8x128xi32, #tpu.memory_space<hbm>> -> memref<25x1x8x128xi32, #tpu.memory_space<hbm>>
      %dma_start3A_413 = tpu.memref_squeeze %dma_start3A_412 : memref<25x1x8x128xi32, #tpu.memory_space<hbm>> -> memref<25x8x128xi32, #tpu.memory_space<hbm>>
      tpu.enqueue_dma source(%dma_start3A_413 : memref<25x8x128xi32, #tpu.memory_space<hbm>>) target(%arg5 : memref<25x8x128xi32, #tpu.memory_space<vmem>>) target_semaphore(%run_scoped3A : memref<!tpu.dma_semaphore, #tpu.memory_space<semaphore_mem>>)
      %dma_wait3A_414 = arith.constant 0 : i32
      %dma_wait3A_415 = arith.constant 0 : i32
      %dma_wait3A_416 = arith.constant 0 : i32
      %dma_wait3A_417 = tpu.memref_slice %arg2[%dma_wait3A_414, %add3A, %dma_wait3A_415, %dma_wait3A_416] : memref<25x32x8x128xi32, #tpu.memory_space<hbm>> -> memref<25x1x8x128xi32, #tpu.memory_space<hbm>>
      %dma_wait3A_418 = tpu.memref_squeeze %dma_wait3A_417 : memref<25x1x8x128xi32, #tpu.memory_space<hbm>> -> memref<25x8x128xi32, #tpu.memory_space<hbm>>
      %dma_wait3A_419 = arith.constant 0 : i32
      %dma_wait3A_420 = arith.constant 0 : i32
      %dma_wait3A_421 = arith.constant 0 : i32
      %dma_wait3A_422 = tpu.memref_slice %arg2[%dma_wait3A_419, %add3A, %dma_wait3A_420, %dma_wait3A_421] : memref<25x32x8x128xi32, #tpu.memory_space<hbm>> -> memref<25x1x8x128xi32, #tpu.memory_space<hbm>>
      %dma_wait3A_423 = tpu.memref_squeeze %dma_wait3A_422 : memref<25x1x8x128xi32, #tpu.memory_space<hbm>> -> memref<25x8x128xi32, #tpu.memory_space<hbm>>
      tpu.wait_dma2 semaphore(%run_scoped3A : memref<!tpu.dma_semaphore, #tpu.memory_space<semaphore_mem>>) src(%dma_wait3A_423 : memref<25x8x128xi32, #tpu.memory_space<hbm>>) dst(%arg5 : memref<25x8x128xi32, #tpu.memory_space<vmem>>)
      tpu.yield
    }) : () -> ()
    %iota3A = tpu.iota {dimensions = array<i32: 0>} : vector<16xi32>
    %add3A_1 = arith.constant 0 : i32
    %add3A_2 = vector.broadcast %add3A_1 : i32 to vector<16xi32>
    %add3A_3 = arith.addi %iota3A, %add3A_2 : vector<16xi32>
    %jit3A = arith.constant 8 : i32
    %div3A = vector.broadcast %jit3A : i32 to vector<16xi32>
    %div3A_4 = arith.divsi %add3A_3, %div3A : vector<16xi32>
    %sign3A = arith.constant 0 : i32
    %sign3A_5 = vector.broadcast %sign3A : i32 to vector<16xi32>
    %sign3A_6 = arith.cmpi sgt, %add3A_3, %sign3A_5 : vector<16xi32>
    %sign3A_7 = arith.extui %sign3A_6 : vector<16xi1> to vector<16xi32>
    %sign3A_8 = arith.constant 0 : i32
    %sign3A_9 = vector.broadcast %sign3A_8 : i32 to vector<16xi32>
    %sign3A_10 = arith.cmpi slt, %add3A_3, %sign3A_9 : vector<16xi32>
    %sign3A_11 = arith.extui %sign3A_10 : vector<16xi1> to vector<16xi32>
    %sign3A_12 = arith.subi %sign3A_7, %sign3A_11 : vector<16xi32>
    %sign3A_13 = arith.constant 0 : i32
    %sign3A_14 = arith.cmpi sgt, %jit3A, %sign3A_13 : i32
    %sign3A_15 = arith.extui %sign3A_14 : i1 to i32
    %sign3A_16 = arith.constant 0 : i32
    %sign3A_17 = arith.cmpi slt, %jit3A, %sign3A_16 : i32
    %sign3A_18 = arith.extui %sign3A_17 : i1 to i32
    %sign3A_19 = arith.subi %sign3A_15, %sign3A_18 : i32
    %ne3A = vector.broadcast %sign3A_19 : i32 to vector<16xi32>
    %ne3A_20 = arith.cmpi ne, %sign3A_12, %ne3A : vector<16xi32>
    %rem3A = vector.broadcast %jit3A : i32 to vector<16xi32>
    %rem3A_21 = arith.remsi %add3A_3, %rem3A : vector<16xi32>
    %ne3A_22 = arith.constant 0 : i32
    %ne3A_23 = vector.broadcast %ne3A_22 : i32 to vector<16xi32>
    %ne3A_24 = arith.cmpi ne, %rem3A_21, %ne3A_23 : vector<16xi32>
    %and3A = arith.andi %ne3A_20, %ne3A_24 : vector<16xi1>
    %sub3A = arith.constant 1 : i32
    %sub3A_25 = vector.broadcast %sub3A : i32 to vector<16xi32>
    %sub3A_26 = arith.subi %div3A_4, %sub3A_25 : vector<16xi32>
    %select_n3A = arith.select %and3A, %sub3A_26, %div3A_4 : vector<16xi1>, vector<16xi32>
    %add3A_27 = arith.constant 16 : i32
    %add3A_28 = vector.broadcast %add3A_27 : i32 to vector<16xi32>
    %add3A_29 = arith.addi %iota3A, %add3A_28 : vector<16xi32>
    %jit3A_30 = arith.constant 8 : i32
    %div3A_31 = vector.broadcast %jit3A_30 : i32 to vector<16xi32>
    %div3A_32 = arith.divsi %add3A_29, %div3A_31 : vector<16xi32>
    %sign3A_33 = arith.constant 0 : i32
    %sign3A_34 = vector.broadcast %sign3A_33 : i32 to vector<16xi32>
    %sign3A_35 = arith.cmpi sgt, %add3A_29, %sign3A_34 : vector<16xi32>
    %sign3A_36 = arith.extui %sign3A_35 : vector<16xi1> to vector<16xi32>
    %sign3A_37 = arith.constant 0 : i32
    %sign3A_38 = vector.broadcast %sign3A_37 : i32 to vector<16xi32>
    %sign3A_39 = arith.cmpi slt, %add3A_29, %sign3A_38 : vector<16xi32>
    %sign3A_40 = arith.extui %sign3A_39 : vector<16xi1> to vector<16xi32>
    %sign3A_41 = arith.subi %sign3A_36, %sign3A_40 : vector<16xi32>
    %sign3A_42 = arith.constant 0 : i32
    %sign3A_43 = arith.cmpi sgt, %jit3A_30, %sign3A_42 : i32
    %sign3A_44 = arith.extui %sign3A_43 : i1 to i32
    %sign3A_45 = arith.constant 0 : i32
    %sign3A_46 = arith.cmpi slt, %jit3A_30, %sign3A_45 : i32
    %sign3A_47 = arith.extui %sign3A_46 : i1 to i32
    %sign3A_48 = arith.subi %sign3A_44, %sign3A_47 : i32
    %ne3A_49 = vector.broadcast %sign3A_48 : i32 to vector<16xi32>
    %ne3A_50 = arith.cmpi ne, %sign3A_41, %ne3A_49 : vector<16xi32>
    %rem3A_51 = vector.broadcast %jit3A_30 : i32 to vector<16xi32>
    %rem3A_52 = arith.remsi %add3A_29, %rem3A_51 : vector<16xi32>
    %ne3A_53 = arith.constant 0 : i32
    %ne3A_54 = vector.broadcast %ne3A_53 : i32 to vector<16xi32>
    %ne3A_55 = arith.cmpi ne, %rem3A_52, %ne3A_54 : vector<16xi32>
    %and3A_56 = arith.andi %ne3A_50, %ne3A_55 : vector<16xi1>
    %sub3A_57 = arith.constant 1 : i32
    %sub3A_58 = vector.broadcast %sub3A_57 : i32 to vector<16xi32>
    %sub3A_59 = arith.subi %div3A_32, %sub3A_58 : vector<16xi32>
    %select_n3A_60 = arith.select %and3A_56, %sub3A_59, %div3A_32 : vector<16xi1>, vector<16xi32>
    %add3A_61 = arith.constant 32 : i32
    %add3A_62 = vector.broadcast %add3A_61 : i32 to vector<16xi32>
    %add3A_63 = arith.addi %iota3A, %add3A_62 : vector<16xi32>
    %jit3A_64 = arith.constant 8 : i32
    %div3A_65 = vector.broadcast %jit3A_64 : i32 to vector<16xi32>
    %div3A_66 = arith.divsi %add3A_63, %div3A_65 : vector<16xi32>
    %sign3A_67 = arith.constant 0 : i32
    %sign3A_68 = vector.broadcast %sign3A_67 : i32 to vector<16xi32>
    %sign3A_69 = arith.cmpi sgt, %add3A_63, %sign3A_68 : vector<16xi32>
    %sign3A_70 = arith.extui %sign3A_69 : vector<16xi1> to vector<16xi32>
    %sign3A_71 = arith.constant 0 : i32
    %sign3A_72 = vector.broadcast %sign3A_71 : i32 to vector<16xi32>
    %sign3A_73 = arith.cmpi slt, %add3A_63, %sign3A_72 : vector<16xi32>
    %sign3A_74 = arith.extui %sign3A_73 : vector<16xi1> to vector<16xi32>
    %sign3A_75 = arith.subi %sign3A_70, %sign3A_74 : vector<16xi32>
    %sign3A_76 = arith.constant 0 : i32
    %sign3A_77 = arith.cmpi sgt, %jit3A_64, %sign3A_76 : i32
    %sign3A_78 = arith.extui %sign3A_77 : i1 to i32
    %sign3A_79 = arith.constant 0 : i32
    %sign3A_80 = arith.cmpi slt, %jit3A_64, %sign3A_79 : i32
    %sign3A_81 = arith.extui %sign3A_80 : i1 to i32
    %sign3A_82 = arith.subi %sign3A_78, %sign3A_81 : i32
    %ne3A_83 = vector.broadcast %sign3A_82 : i32 to vector<16xi32>
    %ne3A_84 = arith.cmpi ne, %sign3A_75, %ne3A_83 : vector<16xi32>
    %rem3A_85 = vector.broadcast %jit3A_64 : i32 to vector<16xi32>
    %rem3A_86 = arith.remsi %add3A_63, %rem3A_85 : vector<16xi32>
    %ne3A_87 = arith.constant 0 : i32
    %ne3A_88 = vector.broadcast %ne3A_87 : i32 to vector<16xi32>
    %ne3A_89 = arith.cmpi ne, %rem3A_86, %ne3A_88 : vector<16xi32>
    %and3A_90 = arith.andi %ne3A_84, %ne3A_89 : vector<16xi1>
    %sub3A_91 = arith.constant 1 : i32
    %sub3A_92 = vector.broadcast %sub3A_91 : i32 to vector<16xi32>
    %sub3A_93 = arith.subi %div3A_66, %sub3A_92 : vector<16xi32>
    %select_n3A_94 = arith.select %and3A_90, %sub3A_93, %div3A_66 : vector<16xi1>, vector<16xi32>
    %add3A_95 = arith.constant 48 : i32
    %add3A_96 = vector.broadcast %add3A_95 : i32 to vector<16xi32>
    %add3A_97 = arith.addi %iota3A, %add3A_96 : vector<16xi32>
    %jit3A_98 = arith.constant 8 : i32
    %div3A_99 = vector.broadcast %jit3A_98 : i32 to vector<16xi32>
    %div3A_100 = arith.divsi %add3A_97, %div3A_99 : vector<16xi32>
    %sign3A_101 = arith.constant 0 : i32
    %sign3A_102 = vector.broadcast %sign3A_101 : i32 to vector<16xi32>
    %sign3A_103 = arith.cmpi sgt, %add3A_97, %sign3A_102 : vector<16xi32>
    %sign3A_104 = arith.extui %sign3A_103 : vector<16xi1> to vector<16xi32>
    %sign3A_105 = arith.constant 0 : i32
    %sign3A_106 = vector.broadcast %sign3A_105 : i32 to vector<16xi32>
    %sign3A_107 = arith.cmpi slt, %add3A_97, %sign3A_106 : vector<16xi32>
    %sign3A_108 = arith.extui %sign3A_107 : vector<16xi1> to vector<16xi32>
    %sign3A_109 = arith.subi %sign3A_104, %sign3A_108 : vector<16xi32>
    %sign3A_110 = arith.constant 0 : i32
    %sign3A_111 = arith.cmpi sgt, %jit3A_98, %sign3A_110 : i32
    %sign3A_112 = arith.extui %sign3A_111 : i1 to i32
    %sign3A_113 = arith.constant 0 : i32
    %sign3A_114 = arith.cmpi slt, %jit3A_98, %sign3A_113 : i32
    %sign3A_115 = arith.extui %sign3A_114 : i1 to i32
    %sign3A_116 = arith.subi %sign3A_112, %sign3A_115 : i32
    %ne3A_117 = vector.broadcast %sign3A_116 : i32 to vector<16xi32>
    %ne3A_118 = arith.cmpi ne, %sign3A_109, %ne3A_117 : vector<16xi32>
    %rem3A_119 = vector.broadcast %jit3A_98 : i32 to vector<16xi32>
    %rem3A_120 = arith.remsi %add3A_97, %rem3A_119 : vector<16xi32>
    %ne3A_121 = arith.constant 0 : i32
    %ne3A_122 = vector.broadcast %ne3A_121 : i32 to vector<16xi32>
    %ne3A_123 = arith.cmpi ne, %rem3A_120, %ne3A_122 : vector<16xi32>
    %and3A_124 = arith.andi %ne3A_118, %ne3A_123 : vector<16xi1>
    %sub3A_125 = arith.constant 1 : i32
    %sub3A_126 = vector.broadcast %sub3A_125 : i32 to vector<16xi32>
    %sub3A_127 = arith.subi %div3A_100, %sub3A_126 : vector<16xi32>
    %select_n3A_128 = arith.select %and3A_124, %sub3A_127, %div3A_100 : vector<16xi1>, vector<16xi32>
    %add3A_129 = arith.constant 0 : i32
    %add3A_130 = vector.broadcast %add3A_129 : i32 to vector<16xi32>
    %add3A_131 = arith.addi %iota3A, %add3A_130 : vector<16xi32>
    %jit3A_132 = arith.constant 8 : i32
    %eq3A = arith.constant 0 : i32
    %eq3A_133 = arith.cmpi eq, %jit3A_132, %eq3A : i32
    %jit3A_134 = arith.constant 1 : i32
    %select_n3A_135 = arith.select %eq3A_133, %jit3A_134, %jit3A_132 : i32
    %rem3A_136 = vector.broadcast %select_n3A_135 : i32 to vector<16xi32>
    %rem3A_137 = arith.remsi %add3A_131, %rem3A_136 : vector<16xi32>
    %ne3A_138 = arith.constant 0 : i32
    %ne3A_139 = vector.broadcast %ne3A_138 : i32 to vector<16xi32>
    %ne3A_140 = arith.cmpi ne, %rem3A_137, %ne3A_139 : vector<16xi32>
    %lt3A = arith.constant 0 : i32
    %lt3A_141 = vector.broadcast %lt3A : i32 to vector<16xi32>
    %lt3A_142 = arith.cmpi slt, %rem3A_137, %lt3A_141 : vector<16xi32>
    %lt3A_143 = arith.constant 0 : i32
    %lt3A_144 = arith.cmpi slt, %select_n3A_135, %lt3A_143 : i32
    %ne3A_145 = vector.broadcast %lt3A_144 : i1 to vector<16xi1>
    %ne3A_146 = vector.broadcast %ne3A_145 : vector<16xi1> to vector<16xi1>
    %ne3A_147 = arith.xori %lt3A_142, %ne3A_146 : vector<16xi1>
    %and3A_148 = arith.andi %ne3A_147, %ne3A_140 : vector<16xi1>
    %add3A_149 = vector.broadcast %select_n3A_135 : i32 to vector<16xi32>
    %add3A_150 = arith.addi %rem3A_137, %add3A_149 : vector<16xi32>
    %select_n3A_151 = arith.select %and3A_148, %add3A_150, %rem3A_137 : vector<16xi1>, vector<16xi32>
    %add3A_152 = arith.constant 16 : i32
    %add3A_153 = vector.broadcast %add3A_152 : i32 to vector<16xi32>
    %add3A_154 = arith.addi %iota3A, %add3A_153 : vector<16xi32>
    %jit3A_155 = arith.constant 8 : i32
    %eq3A_156 = arith.constant 0 : i32
    %eq3A_157 = arith.cmpi eq, %jit3A_155, %eq3A_156 : i32
    %jit3A_158 = arith.constant 1 : i32
    %select_n3A_159 = arith.select %eq3A_157, %jit3A_158, %jit3A_155 : i32
    %rem3A_160 = vector.broadcast %select_n3A_159 : i32 to vector<16xi32>
    %rem3A_161 = arith.remsi %add3A_154, %rem3A_160 : vector<16xi32>
    %ne3A_162 = arith.constant 0 : i32
    %ne3A_163 = vector.broadcast %ne3A_162 : i32 to vector<16xi32>
    %ne3A_164 = arith.cmpi ne, %rem3A_161, %ne3A_163 : vector<16xi32>
    %lt3A_165 = arith.constant 0 : i32
    %lt3A_166 = vector.broadcast %lt3A_165 : i32 to vector<16xi32>
    %lt3A_167 = arith.cmpi slt, %rem3A_161, %lt3A_166 : vector<16xi32>
    %lt3A_168 = arith.constant 0 : i32
    %lt3A_169 = arith.cmpi slt, %select_n3A_159, %lt3A_168 : i32
    %ne3A_170 = vector.broadcast %lt3A_169 : i1 to vector<16xi1>
    %ne3A_171 = vector.broadcast %ne3A_170 : vector<16xi1> to vector<16xi1>
    %ne3A_172 = arith.xori %lt3A_167, %ne3A_171 : vector<16xi1>
    %and3A_173 = arith.andi %ne3A_172, %ne3A_164 : vector<16xi1>
    %add3A_174 = vector.broadcast %select_n3A_159 : i32 to vector<16xi32>
    %add3A_175 = arith.addi %rem3A_161, %add3A_174 : vector<16xi32>
    %select_n3A_176 = arith.select %and3A_173, %add3A_175, %rem3A_161 : vector<16xi1>, vector<16xi32>
    %add3A_177 = arith.constant 32 : i32
    %add3A_178 = vector.broadcast %add3A_177 : i32 to vector<16xi32>
    %add3A_179 = arith.addi %iota3A, %add3A_178 : vector<16xi32>
    %jit3A_180 = arith.constant 8 : i32
    %eq3A_181 = arith.constant 0 : i32
    %eq3A_182 = arith.cmpi eq, %jit3A_180, %eq3A_181 : i32
    %jit3A_183 = arith.constant 1 : i32
    %select_n3A_184 = arith.select %eq3A_182, %jit3A_183, %jit3A_180 : i32
    %rem3A_185 = vector.broadcast %select_n3A_184 : i32 to vector<16xi32>
    %rem3A_186 = arith.remsi %add3A_179, %rem3A_185 : vector<16xi32>
    %ne3A_187 = arith.constant 0 : i32
    %ne3A_188 = vector.broadcast %ne3A_187 : i32 to vector<16xi32>
    %ne3A_189 = arith.cmpi ne, %rem3A_186, %ne3A_188 : vector<16xi32>
    %lt3A_190 = arith.constant 0 : i32
    %lt3A_191 = vector.broadcast %lt3A_190 : i32 to vector<16xi32>
    %lt3A_192 = arith.cmpi slt, %rem3A_186, %lt3A_191 : vector<16xi32>
    %lt3A_193 = arith.constant 0 : i32
    %lt3A_194 = arith.cmpi slt, %select_n3A_184, %lt3A_193 : i32
    %ne3A_195 = vector.broadcast %lt3A_194 : i1 to vector<16xi1>
    %ne3A_196 = vector.broadcast %ne3A_195 : vector<16xi1> to vector<16xi1>
    %ne3A_197 = arith.xori %lt3A_192, %ne3A_196 : vector<16xi1>
    %and3A_198 = arith.andi %ne3A_197, %ne3A_189 : vector<16xi1>
    %add3A_199 = vector.broadcast %select_n3A_184 : i32 to vector<16xi32>
    %add3A_200 = arith.addi %rem3A_186, %add3A_199 : vector<16xi32>
    %select_n3A_201 = arith.select %and3A_198, %add3A_200, %rem3A_186 : vector<16xi1>, vector<16xi32>
    %add3A_202 = arith.constant 48 : i32
    %add3A_203 = vector.broadcast %add3A_202 : i32 to vector<16xi32>
    %add3A_204 = arith.addi %iota3A, %add3A_203 : vector<16xi32>
    %jit3A_205 = arith.constant 8 : i32
    %eq3A_206 = arith.constant 0 : i32
    %eq3A_207 = arith.cmpi eq, %jit3A_205, %eq3A_206 : i32
    %jit3A_208 = arith.constant 1 : i32
    %select_n3A_209 = arith.select %eq3A_207, %jit3A_208, %jit3A_205 : i32
    %rem3A_210 = vector.broadcast %select_n3A_209 : i32 to vector<16xi32>
    %rem3A_211 = arith.remsi %add3A_204, %rem3A_210 : vector<16xi32>
    %ne3A_212 = arith.constant 0 : i32
    %ne3A_213 = vector.broadcast %ne3A_212 : i32 to vector<16xi32>
    %ne3A_214 = arith.cmpi ne, %rem3A_211, %ne3A_213 : vector<16xi32>
    %lt3A_215 = arith.constant 0 : i32
    %lt3A_216 = vector.broadcast %lt3A_215 : i32 to vector<16xi32>
    %lt3A_217 = arith.cmpi slt, %rem3A_211, %lt3A_216 : vector<16xi32>
    %lt3A_218 = arith.constant 0 : i32
    %lt3A_219 = arith.cmpi slt, %select_n3A_209, %lt3A_218 : i32
    %ne3A_220 = vector.broadcast %lt3A_219 : i1 to vector<16xi1>
    %ne3A_221 = vector.broadcast %ne3A_220 : vector<16xi1> to vector<16xi1>
    %ne3A_222 = arith.xori %lt3A_217, %ne3A_221 : vector<16xi1>
    %and3A_223 = arith.andi %ne3A_222, %ne3A_214 : vector<16xi1>
    %add3A_224 = vector.broadcast %select_n3A_209 : i32 to vector<16xi32>
    %add3A_225 = arith.addi %rem3A_211, %add3A_224 : vector<16xi32>
    %select_n3A_226 = arith.select %and3A_223, %add3A_225, %rem3A_211 : vector<16xi1>, vector<16xi32>
    %mul3A_227 = arith.constant 0 : i32
    %mul3A_228 = vector.broadcast %mul3A_227 : i32 to vector<16xi32>
    %mul3A_229 = arith.muli %iota3A, %mul3A_228 : vector<16xi32>
    %dma_start3A = arith.constant 0 : i32
    %dma_start3A_230 = arith.constant 0 : i32
    %dma_start3A_231 = arith.constant 0 : i32
    %dma_start3A_232 = arith.constant 0 : i32
    %dma_start3A_233 = arith.constant 0 : i32
    %dma_start3A_234 = tpu.memref_slice %arg6[%dma_start3A_231, %dma_start3A_232, %dma_start3A_233] : memref<4x128x64xf32, #tpu.memory_space<vmem>> -> memref<1x128x64xf32, #tpu.memory_space<vmem>>
    %dma_start3A_235 = tpu.memref_squeeze %dma_start3A_234 : memref<1x128x64xf32, #tpu.memory_space<vmem>> -> memref<128x64xf32, #tpu.memory_space<vmem>>
    %dma_start3A_236 = arith.constant 0 : i32
    %dma_start3A_237 = tpu.memref_slice %arg5[%dma_start3A, %dma_start3A_230, %dma_start3A_236] : memref<25x8x128xi32, #tpu.memory_space<vmem>> -> memref<1x1x128xi32, #tpu.memory_space<vmem>>
    %dma_start3A_238 = tpu.memref_squeeze %dma_start3A_237 : memref<1x1x128xi32, #tpu.memory_space<vmem>> -> memref<128xi32, #tpu.memory_space<vmem>>
    %dma_start3A_239 = arith.constant 0 : i32
    %dma_start3A_240 = arith.constant 0 : i32
    %dma_start3A_241 = tpu.memref_slice %arg3[%dma_start3A_239, %dma_start3A_240] : memref<100001x64xf32, #tpu.memory_space<hbm>> -> memref<100001x64xf32, #tpu.memory_space<hbm>>
    tpu.enqueue_indirect_dma source(%dma_start3A_241 : memref<100001x64xf32, #tpu.memory_space<hbm>>) target(%dma_start3A_235 : memref<128x64xf32, #tpu.memory_space<vmem>>) offsets(%dma_start3A_238 : memref<128xi32, #tpu.memory_space<vmem>>) semaphore(%arg8 : memref<!tpu.dma_semaphore, #tpu.memory_space<semaphore_mem>>)
    %dma_start3A_242 = arith.constant 0 : i32
    %dma_start3A_243 = arith.constant 1 : i32
    %dma_start3A_244 = arith.constant 1 : i32
    %dma_start3A_245 = arith.constant 0 : i32
    %dma_start3A_246 = arith.constant 0 : i32
    %dma_start3A_247 = tpu.memref_slice %arg6[%dma_start3A_244, %dma_start3A_245, %dma_start3A_246] : memref<4x128x64xf32, #tpu.memory_space<vmem>> -> memref<1x128x64xf32, #tpu.memory_space<vmem>>
    %dma_start3A_248 = tpu.memref_squeeze %dma_start3A_247 : memref<1x128x64xf32, #tpu.memory_space<vmem>> -> memref<128x64xf32, #tpu.memory_space<vmem>>
    %dma_start3A_249 = arith.constant 0 : i32
    %dma_start3A_250 = tpu.memref_slice %arg5[%dma_start3A_242, %dma_start3A_243, %dma_start3A_249] : memref<25x8x128xi32, #tpu.memory_space<vmem>> -> memref<1x1x128xi32, #tpu.memory_space<vmem>>
    %dma_start3A_251 = tpu.memref_squeeze %dma_start3A_250 : memref<1x1x128xi32, #tpu.memory_space<vmem>> -> memref<128xi32, #tpu.memory_space<vmem>>
    %dma_start3A_252 = arith.constant 0 : i32
    %dma_start3A_253 = arith.constant 0 : i32
    %dma_start3A_254 = tpu.memref_slice %arg3[%dma_start3A_252, %dma_start3A_253] : memref<100001x64xf32, #tpu.memory_space<hbm>> -> memref<100001x64xf32, #tpu.memory_space<hbm>>
    tpu.enqueue_indirect_dma source(%dma_start3A_254 : memref<100001x64xf32, #tpu.memory_space<hbm>>) target(%dma_start3A_248 : memref<128x64xf32, #tpu.memory_space<vmem>>) offsets(%dma_start3A_251 : memref<128xi32, #tpu.memory_space<vmem>>) semaphore(%arg8 : memref<!tpu.dma_semaphore, #tpu.memory_space<semaphore_mem>>)
    %dma_start3A_255 = arith.constant 0 : i32
    %dma_start3A_256 = arith.constant 2 : i32
    %dma_start3A_257 = arith.constant 2 : i32
    %dma_start3A_258 = arith.constant 0 : i32
    %dma_start3A_259 = arith.constant 0 : i32
    %dma_start3A_260 = tpu.memref_slice %arg6[%dma_start3A_257, %dma_start3A_258, %dma_start3A_259] : memref<4x128x64xf32, #tpu.memory_space<vmem>> -> memref<1x128x64xf32, #tpu.memory_space<vmem>>
    %dma_start3A_261 = tpu.memref_squeeze %dma_start3A_260 : memref<1x128x64xf32, #tpu.memory_space<vmem>> -> memref<128x64xf32, #tpu.memory_space<vmem>>
    %dma_start3A_262 = arith.constant 0 : i32
    %dma_start3A_263 = tpu.memref_slice %arg5[%dma_start3A_255, %dma_start3A_256, %dma_start3A_262] : memref<25x8x128xi32, #tpu.memory_space<vmem>> -> memref<1x1x128xi32, #tpu.memory_space<vmem>>
    %dma_start3A_264 = tpu.memref_squeeze %dma_start3A_263 : memref<1x1x128xi32, #tpu.memory_space<vmem>> -> memref<128xi32, #tpu.memory_space<vmem>>
    %dma_start3A_265 = arith.constant 0 : i32
    %dma_start3A_266 = arith.constant 0 : i32
    %dma_start3A_267 = tpu.memref_slice %arg3[%dma_start3A_265, %dma_start3A_266] : memref<100001x64xf32, #tpu.memory_space<hbm>> -> memref<100001x64xf32, #tpu.memory_space<hbm>>
    tpu.enqueue_indirect_dma source(%dma_start3A_267 : memref<100001x64xf32, #tpu.memory_space<hbm>>) target(%dma_start3A_261 : memref<128x64xf32, #tpu.memory_space<vmem>>) offsets(%dma_start3A_264 : memref<128xi32, #tpu.memory_space<vmem>>) semaphore(%arg8 : memref<!tpu.dma_semaphore, #tpu.memory_space<semaphore_mem>>)
    %dma_start3A_268 = arith.constant 0 : i32
    %dma_start3A_269 = arith.constant 0 : i32
    %dma_start3A_270 = arith.constant 0 : i32
    %dma_start3A_271 = arith.constant 0 : i32
    %dma_start3A_272 = arith.constant 0 : i32
    %dma_start3A_273 = tpu.memref_slice %arg7[%dma_start3A_268, %dma_start3A_270, %dma_start3A_271, %dma_start3A_272] : memref<2x8x8x129xf32, #tpu.memory_space<vmem>> -> memref<1x8x8x128xf32, #tpu.memory_space<vmem>>
    %dma_start3A_274 = tpu.memref_squeeze %dma_start3A_273 : memref<1x8x8x128xf32, #tpu.memory_space<vmem>> -> memref<8x8x128xf32, #tpu.memory_space<vmem>>
    %dma_start3A_275 = arith.constant 0 : i32
    %dma_start3A_276 = arith.constant 0 : i32
    %dma_start3A_277 = arith.constant 0 : i32
    %dma_start3A_278 = tpu.memref_slice %arg4[%dma_start3A_269, %dma_start3A_275, %add3A, %dma_start3A_276, %dma_start3A_277] : memref<200x8x32x8x128xf32, #tpu.memory_space<hbm>> -> memref<1x8x1x8x128xf32, #tpu.memory_space<hbm>>
    %dma_start3A_279 = tpu.memref_squeeze %dma_start3A_278 : memref<1x8x1x8x128xf32, #tpu.memory_space<hbm>> -> memref<8x8x128xf32, #tpu.memory_space<hbm>>
    %dma_start3A_280 = arith.constant 0 : i32
    %dma_start3A_281 = arith.constant 0 : i32
    %dma_start3A_282 = arith.constant 0 : i32
    %dma_start3A_283 = tpu.memref_slice %arg4[%dma_start3A_269, %dma_start3A_280, %add3A, %dma_start3A_281, %dma_start3A_282] : memref<200x8x32x8x128xf32, #tpu.memory_space<hbm>> -> memref<1x8x1x8x128xf32, #tpu.memory_space<hbm>>
    %dma_start3A_284 = tpu.memref_squeeze %dma_start3A_283 : memref<1x8x1x8x128xf32, #tpu.memory_space<hbm>> -> memref<8x8x128xf32, #tpu.memory_space<hbm>>
    %dma_start3A_285 = arith.constant 0 : i32
    %dma_start3A_286 = arith.constant 0 : i32
    %dma_start3A_287 = arith.constant 0 : i32
    %dma_start3A_288 = tpu.memref_slice %arg7[%dma_start3A_268, %dma_start3A_285, %dma_start3A_286, %dma_start3A_287] : memref<2x8x8x129xf32, #tpu.memory_space<vmem>> -> memref<1x8x8x128xf32, #tpu.memory_space<vmem>>
    %dma_start3A_289 = tpu.memref_squeeze %dma_start3A_288 : memref<1x8x8x128xf32, #tpu.memory_space<vmem>> -> memref<8x8x128xf32, #tpu.memory_space<vmem>>
    tpu.enqueue_dma source(%dma_start3A_289 : memref<8x8x128xf32, #tpu.memory_space<vmem>>) target(%dma_start3A_284 : memref<8x8x128xf32, #tpu.memory_space<hbm>>) target_semaphore(%arg9 : memref<!tpu.dma_semaphore, #tpu.memory_space<semaphore_mem>>)
    %dma_start3A_290 = arith.constant 1 : i32
    %dma_start3A_291 = arith.constant 0 : i32
    %dma_start3A_292 = arith.constant 0 : i32
    %dma_start3A_293 = arith.constant 0 : i32
    %dma_start3A_294 = arith.constant 0 : i32
    %dma_start3A_295 = tpu.memref_slice %arg7[%dma_start3A_290, %dma_start3A_292, %dma_start3A_293, %dma_start3A_294] : memref<2x8x8x129xf32, #tpu.memory_space<vmem>> -> memref<1x8x8x128xf32, #tpu.memory_space<vmem>>
    %dma_start3A_296 = tpu.memref_squeeze %dma_start3A_295 : memref<1x8x8x128xf32, #tpu.memory_space<vmem>> -> memref<8x8x128xf32, #tpu.memory_space<vmem>>
    %dma_start3A_297 = arith.constant 0 : i32
    %dma_start3A_298 = arith.constant 0 : i32
    %dma_start3A_299 = arith.constant 0 : i32
    %dma_start3A_300 = tpu.memref_slice %arg4[%dma_start3A_291, %dma_start3A_297, %add3A, %dma_start3A_298, %dma_start3A_299] : memref<200x8x32x8x128xf32, #tpu.memory_space<hbm>> -> memref<1x8x1x8x128xf32, #tpu.memory_space<hbm>>
    %dma_start3A_301 = tpu.memref_squeeze %dma_start3A_300 : memref<1x8x1x8x128xf32, #tpu.memory_space<hbm>> -> memref<8x8x128xf32, #tpu.memory_space<hbm>>
    %dma_start3A_302 = arith.constant 0 : i32
    %dma_start3A_303 = arith.constant 0 : i32
    %dma_start3A_304 = arith.constant 0 : i32
    %dma_start3A_305 = tpu.memref_slice %arg4[%dma_start3A_291, %dma_start3A_302, %add3A, %dma_start3A_303, %dma_start3A_304] : memref<200x8x32x8x128xf32, #tpu.memory_space<hbm>> -> memref<1x8x1x8x128xf32, #tpu.memory_space<hbm>>
    %dma_start3A_306 = tpu.memref_squeeze %dma_start3A_305 : memref<1x8x1x8x128xf32, #tpu.memory_space<hbm>> -> memref<8x8x128xf32, #tpu.memory_space<hbm>>
    %dma_start3A_307 = arith.constant 0 : i32
    %dma_start3A_308 = arith.constant 0 : i32
    %dma_start3A_309 = arith.constant 0 : i32
    %dma_start3A_310 = tpu.memref_slice %arg7[%dma_start3A_290, %dma_start3A_307, %dma_start3A_308, %dma_start3A_309] : memref<2x8x8x129xf32, #tpu.memory_space<vmem>> -> memref<1x8x8x128xf32, #tpu.memory_space<vmem>>
    %dma_start3A_311 = tpu.memref_squeeze %dma_start3A_310 : memref<1x8x8x128xf32, #tpu.memory_space<vmem>> -> memref<8x8x128xf32, #tpu.memory_space<vmem>>
    tpu.enqueue_dma source(%dma_start3A_311 : memref<8x8x128xf32, #tpu.memory_space<vmem>>) target(%dma_start3A_306 : memref<8x8x128xf32, #tpu.memory_space<hbm>>) target_semaphore(%arg9 : memref<!tpu.dma_semaphore, #tpu.memory_space<semaphore_mem>>)
    %scan3A = arith.constant 0 : i32
    %scan3A_312 = arith.constant 50 : i32
    %scan3A_313 = arith.addi %scan3A, %scan3A_312 : i32
    %scan3A_314 = arith.constant 1 : i32
    scf.for %scan3A_404 = %scan3A to %scan3A_313 step %scan3A_314  : i32 {
      %mul3A_405 = arith.constant 1 : i32
      %mul3A_406 = arith.muli %scan3A_404, %mul3A_405 : i32
      %add3A_407 = arith.constant 0 : i32
      %add3A_408 = arith.addi %add3A_407, %mul3A_406 : i32
      %mul3A_409 = arith.constant 4 : i32
      %mul3A_410 = arith.muli %mul3A_409, %add3A_408 : i32
      %add3A_411 = arith.constant 0 : i32
      %add3A_412 = arith.addi %mul3A_410, %add3A_411 : i32
      %dma_wait3A_413 = arith.constant 0 : i32
      %dma_wait3A_414 = arith.constant 0 : i32
      %dma_wait3A_415 = arith.constant 0 : i32
      %dma_wait3A_416 = tpu.memref_slice %arg6[%dma_wait3A_413, %dma_wait3A_414, %dma_wait3A_415] : memref<4x128x64xf32, #tpu.memory_space<vmem>> -> memref<1x128x64xf32, #tpu.memory_space<vmem>>
      %dma_wait3A_417 = tpu.memref_squeeze %dma_wait3A_416 : memref<1x128x64xf32, #tpu.memory_space<vmem>> -> memref<128x64xf32, #tpu.memory_space<vmem>>
      %dma_wait3A_418 = arith.constant 0 : i32
      %dma_wait3A_419 = arith.constant 0 : i32
      %dma_wait3A_420 = tpu.memref_slice %arg3[%dma_wait3A_418, %dma_wait3A_419] : memref<100001x64xf32, #tpu.memory_space<hbm>> -> memref<128x64xf32, #tpu.memory_space<hbm>>
      %dma_wait3A_421 = arith.constant 0 : i32
      %dma_wait3A_422 = arith.constant 0 : i32
      %dma_wait3A_423 = tpu.memref_slice %arg6[%dma_wait3A_413, %dma_wait3A_421, %dma_wait3A_422] : memref<4x128x64xf32, #tpu.memory_space<vmem>> -> memref<1x128x64xf32, #tpu.memory_space<vmem>>
      %dma_wait3A_424 = tpu.memref_squeeze %dma_wait3A_423 : memref<1x128x64xf32, #tpu.memory_space<vmem>> -> memref<128x64xf32, #tpu.memory_space<vmem>>
      %dma_wait3A_425 = arith.constant 0 : i32
      %dma_wait3A_426 = arith.constant 0 : i32
      %dma_wait3A_427 = tpu.memref_slice %arg3[%dma_wait3A_425, %dma_wait3A_426] : memref<100001x64xf32, #tpu.memory_space<hbm>> -> memref<128x64xf32, #tpu.memory_space<hbm>>
      tpu.wait_dma2 semaphore(%arg8 : memref<!tpu.dma_semaphore, #tpu.memory_space<semaphore_mem>>) src(%dma_wait3A_427 : memref<128x64xf32, #tpu.memory_space<hbm>>) dst(%dma_wait3A_424 : memref<128x64xf32, #tpu.memory_space<vmem>>)
      %add3A_428 = arith.constant 3 : i32
      %add3A_429 = arith.addi %add3A_412, %add3A_428 : i32
      %min3A = arith.constant 199 : i32
      %min3A_430 = arith.minsi %add3A_429, %min3A : i32
      %jit3A_431 = arith.constant 8 : i32
      %div3A_432 = arith.divsi %min3A_430, %jit3A_431 : i32
      %sign3A_433 = arith.constant 0 : i32
      %sign3A_434 = arith.cmpi sgt, %min3A_430, %sign3A_433 : i32
      %sign3A_435 = arith.extui %sign3A_434 : i1 to i32
      %sign3A_436 = arith.constant 0 : i32
      %sign3A_437 = arith.cmpi slt, %min3A_430, %sign3A_436 : i32
      %sign3A_438 = arith.extui %sign3A_437 : i1 to i32
      %sign3A_439 = arith.subi %sign3A_435, %sign3A_438 : i32
      %sign3A_440 = arith.constant 0 : i32
      %sign3A_441 = arith.cmpi sgt, %jit3A_431, %sign3A_440 : i32
      %sign3A_442 = arith.extui %sign3A_441 : i1 to i32
      %sign3A_443 = arith.constant 0 : i32
      %sign3A_444 = arith.cmpi slt, %jit3A_431, %sign3A_443 : i32
      %sign3A_445 = arith.extui %sign3A_444 : i1 to i32
      %sign3A_446 = arith.subi %sign3A_442, %sign3A_445 : i32
      %ne3A_447 = arith.cmpi ne, %sign3A_439, %sign3A_446 : i32
      %rem3A_448 = arith.remsi %min3A_430, %jit3A_431 : i32
      %ne3A_449 = arith.constant 0 : i32
      %ne3A_450 = arith.cmpi ne, %rem3A_448, %ne3A_449 : i32
      %and3A_451 = arith.andi %ne3A_447, %ne3A_450 : i1
      %sub3A_452 = arith.constant 1 : i32
      %sub3A_453 = arith.subi %div3A_432, %sub3A_452 : i32
      %select_n3A_454 = arith.select %and3A_451, %sub3A_453, %div3A_432 : i32
      %jit3A_455 = arith.constant 8 : i32
      %eq3A_456 = arith.constant 0 : i32
      %eq3A_457 = arith.cmpi eq, %jit3A_455, %eq3A_456 : i32
      %jit3A_458 = arith.constant 1 : i32
      %select_n3A_459 = arith.select %eq3A_457, %jit3A_458, %jit3A_455 : i32
      %rem3A_460 = arith.remsi %min3A_430, %select_n3A_459 : i32
      %ne3A_461 = arith.constant 0 : i32
      %ne3A_462 = arith.cmpi ne, %rem3A_460, %ne3A_461 : i32
      %lt3A_463 = arith.constant 0 : i32
      %lt3A_464 = arith.cmpi slt, %rem3A_460, %lt3A_463 : i32
      %lt3A_465 = arith.constant 0 : i32
      %lt3A_466 = arith.cmpi slt, %select_n3A_459, %lt3A_465 : i32
      %ne3A_467 = arith.xori %lt3A_464, %lt3A_466 : i1
      %and3A_468 = arith.andi %ne3A_467, %ne3A_462 : i1
      %add3A_469 = arith.addi %rem3A_460, %select_n3A_459 : i32
      %select_n3A_470 = arith.select %and3A_468, %add3A_469, %rem3A_460 : i32
      %dma_start3A_471 = arith.constant 3 : i32
      %dma_start3A_472 = arith.constant 0 : i32
      %dma_start3A_473 = arith.constant 0 : i32
      %dma_start3A_474 = tpu.memref_slice %arg6[%dma_start3A_471, %dma_start3A_472, %dma_start3A_473] : memref<4x128x64xf32, #tpu.memory_space<vmem>> -> memref<1x128x64xf32, #tpu.memory_space<vmem>>
      %dma_start3A_475 = tpu.memref_squeeze %dma_start3A_474 : memref<1x128x64xf32, #tpu.memory_space<vmem>> -> memref<128x64xf32, #tpu.memory_space<vmem>>
      %dma_start3A_476 = arith.constant 0 : i32
      %dma_start3A_477 = tpu.memref_slice %arg5[%select_n3A_454, %select_n3A_470, %dma_start3A_476] : memref<25x8x128xi32, #tpu.memory_space<vmem>> -> memref<1x1x128xi32, #tpu.memory_space<vmem>>
      %dma_start3A_478 = tpu.memref_squeeze %dma_start3A_477 : memref<1x1x128xi32, #tpu.memory_space<vmem>> -> memref<128xi32, #tpu.memory_space<vmem>>
      %dma_start3A_479 = arith.constant 0 : i32
      %dma_start3A_480 = arith.constant 0 : i32
      %dma_start3A_481 = tpu.memref_slice %arg3[%dma_start3A_479, %dma_start3A_480] : memref<100001x64xf32, #tpu.memory_space<hbm>> -> memref<100001x64xf32, #tpu.memory_space<hbm>>
      tpu.enqueue_indirect_dma source(%dma_start3A_481 : memref<100001x64xf32, #tpu.memory_space<hbm>>) target(%dma_start3A_475 : memref<128x64xf32, #tpu.memory_space<vmem>>) offsets(%dma_start3A_478 : memref<128xi32, #tpu.memory_space<vmem>>) semaphore(%arg8 : memref<!tpu.dma_semaphore, #tpu.memory_space<semaphore_mem>>)
      %parallel_loop3A = arith.constant 0 : i32
      %parallel_loop3A_482 = arith.constant 128 : i32
      %parallel_loop3A_483 = arith.constant 1 : i32
      %parallel_loop3A_484 = arith.constant 0 : i32
      scf.for %parallel_loop3A_891 = %parallel_loop3A to %parallel_loop3A_482 step %parallel_loop3A_483  : i32 {
        %parallel_loop3A_892 = vector.broadcast %parallel_loop3A_891 : i32 to vector<16xi32>
        %parallel_loop3A_893 = arith.addi %mul3A_229, %parallel_loop3A_892 : vector<16xi32>
        %parallel_loop3A_894 = arith.constant 0 : i32
        %parallel_loop3A_895 = arith.index_cast %parallel_loop3A_894 : i32 to index
        %parallel_loop3A_896 = arith.index_cast %parallel_loop3A_891 : i32 to index
        %parallel_loop3A_897 = arith.constant 0 : index
        %parallel_loop3A_898 = tpu.vector_load %arg6[%parallel_loop3A_895, %parallel_loop3A_896, %parallel_loop3A_897] {strides = array<i32>} : memref<4x128x64xf32, #tpu.memory_space<vmem>>, vector<16xf32>,
        %parallel_loop3A_899 = arith.constant 0 : i32
        %parallel_loop3A_900 = arith.constant 0 : i32
        %parallel_loop3A_901 = arith.constant 0 : i32
        %parallel_loop3A_902 = tpu.memref_slice %arg7[%parallel_loop3A_484, %parallel_loop3A_899, %parallel_loop3A_900, %parallel_loop3A_901] : memref<2x8x8x129xf32, #tpu.memory_space<vmem>> -> memref<1x8x8x129xf32, #tpu.memory_space<vmem>>
        %parallel_loop3A_903 = tpu.memref_squeeze %parallel_loop3A_902 : memref<1x8x8x129xf32, #tpu.memory_space<vmem>> -> memref<8x8x129xf32, #tpu.memory_space<vmem>>
        tpu.vector_store_idx %parallel_loop3A_903[%select_n3A, %select_n3A_151, %parallel_loop3A_893], %parallel_loop3A_898 : memref<8x8x129xf32, #tpu.memory_space<vmem>>[vector<16xi32>, vector<16xi32>, vector<16xi32>], vector<16xf32>,
        %parallel_loop3A_904 = arith.constant 0 : i32
        %parallel_loop3A_905 = arith.index_cast %parallel_loop3A_904 : i32 to index
        %parallel_loop3A_906 = arith.index_cast %parallel_loop3A_891 : i32 to index
        %parallel_loop3A_907 = arith.constant 16 : index
        %parallel_loop3A_908 = tpu.vector_load %arg6[%parallel_loop3A_905, %parallel_loop3A_906, %parallel_loop3A_907] {strides = array<i32>} : memref<4x128x64xf32, #tpu.memory_space<vmem>>, vector<16xf32>,
        %parallel_loop3A_909 = arith.constant 0 : i32
        %parallel_loop3A_910 = arith.constant 0 : i32
        %parallel_loop3A_911 = arith.constant 0 : i32
        %parallel_loop3A_912 = tpu.memref_slice %arg7[%parallel_loop3A_484, %parallel_loop3A_909, %parallel_loop3A_910, %parallel_loop3A_911] : memref<2x8x8x129xf32, #tpu.memory_space<vmem>> -> memref<1x8x8x129xf32, #tpu.memory_space<vmem>>
        %parallel_loop3A_913 = tpu.memref_squeeze %parallel_loop3A_912 : memref<1x8x8x129xf32, #tpu.memory_space<vmem>> -> memref<8x8x129xf32, #tpu.memory_space<vmem>>
        tpu.vector_store_idx %parallel_loop3A_913[%select_n3A_60, %select_n3A_176, %parallel_loop3A_893], %parallel_loop3A_908 : memref<8x8x129xf32, #tpu.memory_space<vmem>>[vector<16xi32>, vector<16xi32>, vector<16xi32>], vector<16xf32>,
        %parallel_loop3A_914 = arith.constant 0 : i32
        %parallel_loop3A_915 = arith.index_cast %parallel_loop3A_914 : i32 to index
        %parallel_loop3A_916 = arith.index_cast %parallel_loop3A_891 : i32 to index
        %parallel_loop3A_917 = arith.constant 32 : index
        %parallel_loop3A_918 = tpu.vector_load %arg6[%parallel_loop3A_915, %parallel_loop3A_916, %parallel_loop3A_917] {strides = array<i32>} : memref<4x128x64xf32, #tpu.memory_space<vmem>>, vector<16xf32>,
        %parallel_loop3A_919 = arith.constant 0 : i32
        %parallel_loop3A_920 = arith.constant 0 : i32
        %parallel_loop3A_921 = arith.constant 0 : i32
        %parallel_loop3A_922 = tpu.memref_slice %arg7[%parallel_loop3A_484, %parallel_loop3A_919, %parallel_loop3A_920, %parallel_loop3A_921] : memref<2x8x8x129xf32, #tpu.memory_space<vmem>> -> memref<1x8x8x129xf32, #tpu.memory_space<vmem>>
        %parallel_loop3A_923 = tpu.memref_squeeze %parallel_loop3A_922 : memref<1x8x8x129xf32, #tpu.memory_space<vmem>> -> memref<8x8x129xf32, #tpu.memory_space<vmem>>
        tpu.vector_store_idx %parallel_loop3A_923[%select_n3A_94, %select_n3A_201, %parallel_loop3A_893], %parallel_loop3A_918 : memref<8x8x129xf32, #tpu.memory_space<vmem>>[vector<16xi32>, vector<16xi32>, vector<16xi32>], vector<16xf32>,
        %parallel_loop3A_924 = arith.constant 0 : i32
        %parallel_loop3A_925 = arith.index_cast %parallel_loop3A_924 : i32 to index
        %parallel_loop3A_926 = arith.index_cast %parallel_loop3A_891 : i32 to index
        %parallel_loop3A_927 = arith.constant 48 : index
        %parallel_loop3A_928 = tpu.vector_load %arg6[%parallel_loop3A_925, %parallel_loop3A_926, %parallel_loop3A_927] {strides = array<i32>} : memref<4x128x64xf32, #tpu.memory_space<vmem>>, vector<16xf32>,
        %parallel_loop3A_929 = arith.constant 0 : i32
        %parallel_loop3A_930 = arith.constant 0 : i32
        %parallel_loop3A_931 = arith.constant 0 : i32
        %parallel_loop3A_932 = tpu.memref_slice %arg7[%parallel_loop3A_484, %parallel_loop3A_929, %parallel_loop3A_930, %parallel_loop3A_931] : memref<2x8x8x129xf32, #tpu.memory_space<vmem>> -> memref<1x8x8x129xf32, #tpu.memory_space<vmem>>
        %parallel_loop3A_933 = tpu.memref_squeeze %parallel_loop3A_932 : memref<1x8x8x129xf32, #tpu.memory_space<vmem>> -> memref<8x8x129xf32, #tpu.memory_space<vmem>>
        tpu.vector_store_idx %parallel_loop3A_933[%select_n3A_128, %select_n3A_226, %parallel_loop3A_893], %parallel_loop3A_928 : memref<8x8x129xf32, #tpu.memory_space<vmem>>[vector<16xi32>, vector<16xi32>, vector<16xi32>], vector<16xf32>,
      } {sc.loop_unroll_factor = 8 : i64, sc.parallel_access}
      %dma_wait3A_485 = arith.constant 0 : i32
      %dma_wait3A_486 = arith.constant 0 : i32
      %dma_wait3A_487 = arith.constant 0 : i32
      %dma_wait3A_488 = arith.constant 0 : i32
      %dma_wait3A_489 = arith.constant 0 : i32
      %dma_wait3A_490 = tpu.memref_slice %arg7[%dma_wait3A_485, %dma_wait3A_487, %dma_wait3A_488, %dma_wait3A_489] : memref<2x8x8x129xf32, #tpu.memory_space<vmem>> -> memref<1x8x8x128xf32, #tpu.memory_space<vmem>>
      %dma_wait3A_491 = tpu.memref_squeeze %dma_wait3A_490 : memref<1x8x8x128xf32, #tpu.memory_space<vmem>> -> memref<8x8x128xf32, #tpu.memory_space<vmem>>
      %dma_wait3A_492 = arith.constant 0 : i32
      %dma_wait3A_493 = arith.constant 0 : i32
      %dma_wait3A_494 = arith.constant 0 : i32
      %dma_wait3A_495 = tpu.memref_slice %arg4[%dma_wait3A_486, %dma_wait3A_492, %add3A, %dma_wait3A_493, %dma_wait3A_494] : memref<200x8x32x8x128xf32, #tpu.memory_space<hbm>> -> memref<1x8x1x8x128xf32, #tpu.memory_space<hbm>>
      %dma_wait3A_496 = tpu.memref_squeeze %dma_wait3A_495 : memref<1x8x1x8x128xf32, #tpu.memory_space<hbm>> -> memref<8x8x128xf32, #tpu.memory_space<hbm>>
      %dma_wait3A_497 = arith.constant 0 : i32
      %dma_wait3A_498 = arith.constant 0 : i32
      %dma_wait3A_499 = arith.constant 0 : i32
      %dma_wait3A_500 = tpu.memref_slice %arg4[%dma_wait3A_486, %dma_wait3A_497, %add3A, %dma_wait3A_498, %dma_wait3A_499] : memref<200x8x32x8x128xf32, #tpu.memory_space<hbm>> -> memref<1x8x1x8x128xf32, #tpu.memory_space<hbm>>
      %dma_wait3A_501 = tpu.memref_squeeze %dma_wait3A_500 : memref<1x8x1x8x128xf32, #tpu.memory_space<hbm>> -> memref<8x8x128xf32, #tpu.memory_space<hbm>>
      %dma_wait3A_502 = arith.constant 0 : i32
      %dma_wait3A_503 = arith.constant 0 : i32
      %dma_wait3A_504 = arith.constant 0 : i32
      %dma_wait3A_505 = tpu.memref_slice %arg7[%dma_wait3A_485, %dma_wait3A_502, %dma_wait3A_503, %dma_wait3A_504] : memref<2x8x8x129xf32, #tpu.memory_space<vmem>> -> memref<1x8x8x128xf32, #tpu.memory_space<vmem>>
      %dma_wait3A_506 = tpu.memref_squeeze %dma_wait3A_505 : memref<1x8x8x128xf32, #tpu.memory_space<vmem>> -> memref<8x8x128xf32, #tpu.memory_space<vmem>>
      tpu.wait_dma2 semaphore(%arg9 : memref<!tpu.dma_semaphore, #tpu.memory_space<semaphore_mem>>) src(%dma_wait3A_506 : memref<8x8x128xf32, #tpu.memory_space<vmem>>) dst(%dma_wait3A_501 : memref<8x8x128xf32, #tpu.memory_space<hbm>>)
      %dma_start3A_507 = arith.constant 0 : i32
      %dma_start3A_508 = arith.constant 0 : i32
      %dma_start3A_509 = arith.constant 0 : i32
      %dma_start3A_510 = arith.constant 0 : i32
      %dma_start3A_511 = tpu.memref_slice %arg7[%dma_start3A_507, %dma_start3A_508, %dma_start3A_509, %dma_start3A_510] : memref<2x8x8x129xf32, #tpu.memory_space<vmem>> -> memref<1x8x8x128xf32, #tpu.memory_space<vmem>>
      %dma_start3A_512 = tpu.memref_squeeze %dma_start3A_511 : memref<1x8x8x128xf32, #tpu.memory_space<vmem>> -> memref<8x8x128xf32, #tpu.memory_space<vmem>>
      %dma_start3A_513 = arith.constant 0 : i32
      %dma_start3A_514 = arith.constant 0 : i32
      %dma_start3A_515 = arith.constant 0 : i32
      %dma_start3A_516 = tpu.memref_slice %arg4[%add3A_412, %dma_start3A_513, %add3A, %dma_start3A_514, %dma_start3A_515] : memref<200x8x32x8x128xf32, #tpu.memory_space<hbm>> -> memref<1x8x1x8x128xf32, #tpu.memory_space<hbm>>
      %dma_start3A_517 = tpu.memref_squeeze %dma_start3A_516 : memref<1x8x1x8x128xf32, #tpu.memory_space<hbm>> -> memref<8x8x128xf32, #tpu.memory_space<hbm>>
      %dma_start3A_518 = arith.constant 0 : i32
      %dma_start3A_519 = arith.constant 0 : i32
      %dma_start3A_520 = arith.constant 0 : i32
      %dma_start3A_521 = tpu.memref_slice %arg4[%add3A_412, %dma_start3A_518, %add3A, %dma_start3A_519, %dma_start3A_520] : memref<200x8x32x8x128xf32, #tpu.memory_space<hbm>> -> memref<1x8x1x8x128xf32, #tpu.memory_space<hbm>>
      %dma_start3A_522 = tpu.memref_squeeze %dma_start3A_521 : memref<1x8x1x8x128xf32, #tpu.memory_space<hbm>> -> memref<8x8x128xf32, #tpu.memory_space<hbm>>
      %dma_start3A_523 = arith.constant 0 : i32
      %dma_start3A_524 = arith.constant 0 : i32
      %dma_start3A_525 = arith.constant 0 : i32
      %dma_start3A_526 = tpu.memref_slice %arg7[%dma_start3A_507, %dma_start3A_523, %dma_start3A_524, %dma_start3A_525] : memref<2x8x8x129xf32, #tpu.memory_space<vmem>> -> memref<1x8x8x128xf32, #tpu.memory_space<vmem>>
      %dma_start3A_527 = tpu.memref_squeeze %dma_start3A_526 : memref<1x8x8x128xf32, #tpu.memory_space<vmem>> -> memref<8x8x128xf32, #tpu.memory_space<vmem>>
      tpu.enqueue_dma source(%dma_start3A_527 : memref<8x8x128xf32, #tpu.memory_space<vmem>>) target(%dma_start3A_522 : memref<8x8x128xf32, #tpu.memory_space<hbm>>) target_semaphore(%arg9 : memref<!tpu.dma_semaphore, #tpu.memory_space<semaphore_mem>>)
      %mul3A_528 = arith.constant 4 : i32
      %mul3A_529 = arith.muli %mul3A_528, %add3A_408 : i32
      %add3A_530 = arith.constant 1 : i32
      %add3A_531 = arith.addi %mul3A_529, %add3A_530 : i32
      %dma_wait3A_532 = arith.constant 1 : i32
      %dma_wait3A_533 = arith.constant 0 : i32
      %dma_wait3A_534 = arith.constant 0 : i32
      %dma_wait3A_535 = tpu.memref_slice %arg6[%dma_wait3A_532, %dma_wait3A_533, %dma_wait3A_534] : memref<4x128x64xf32, #tpu.memory_space<vmem>> -> memref<1x128x64xf32, #tpu.memory_space<vmem>>
      %dma_wait3A_536 = tpu.memref_squeeze %dma_wait3A_535 : memref<1x128x64xf32, #tpu.memory_space<vmem>> -> memref<128x64xf32, #tpu.memory_space<vmem>>
      %dma_wait3A_537 = arith.constant 0 : i32
      %dma_wait3A_538 = arith.constant 0 : i32
      %dma_wait3A_539 = tpu.memref_slice %arg3[%dma_wait3A_537, %dma_wait3A_538] : memref<100001x64xf32, #tpu.memory_space<hbm>> -> memref<128x64xf32, #tpu.memory_space<hbm>>
      %dma_wait3A_540 = arith.constant 0 : i32
      %dma_wait3A_541 = arith.constant 0 : i32
      %dma_wait3A_542 = tpu.memref_slice %arg6[%dma_wait3A_532, %dma_wait3A_540, %dma_wait3A_541] : memref<4x128x64xf32, #tpu.memory_space<vmem>> -> memref<1x128x64xf32, #tpu.memory_space<vmem>>
      %dma_wait3A_543 = tpu.memref_squeeze %dma_wait3A_542 : memref<1x128x64xf32, #tpu.memory_space<vmem>> -> memref<128x64xf32, #tpu.memory_space<vmem>>
      %dma_wait3A_544 = arith.constant 0 : i32
      %dma_wait3A_545 = arith.constant 0 : i32
      %dma_wait3A_546 = tpu.memref_slice %arg3[%dma_wait3A_544, %dma_wait3A_545] : memref<100001x64xf32, #tpu.memory_space<hbm>> -> memref<128x64xf32, #tpu.memory_space<hbm>>
      tpu.wait_dma2 semaphore(%arg8 : memref<!tpu.dma_semaphore, #tpu.memory_space<semaphore_mem>>) src(%dma_wait3A_546 : memref<128x64xf32, #tpu.memory_space<hbm>>) dst(%dma_wait3A_543 : memref<128x64xf32, #tpu.memory_space<vmem>>)
      %add3A_547 = arith.constant 3 : i32
      %add3A_548 = arith.addi %add3A_531, %add3A_547 : i32
      %min3A_549 = arith.constant 199 : i32
      %min3A_550 = arith.minsi %add3A_548, %min3A_549 : i32
      %jit3A_551 = arith.constant 8 : i32
      %div3A_552 = arith.divsi %min3A_550, %jit3A_551 : i32
      %sign3A_553 = arith.constant 0 : i32
      %sign3A_554 = arith.cmpi sgt, %min3A_550, %sign3A_553 : i32
      %sign3A_555 = arith.extui %sign3A_554 : i1 to i32
      %sign3A_556 = arith.constant 0 : i32
      %sign3A_557 = arith.cmpi slt, %min3A_550, %sign3A_556 : i32
      %sign3A_558 = arith.extui %sign3A_557 : i1 to i32
      %sign3A_559 = arith.subi %sign3A_555, %sign3A_558 : i32
      %sign3A_560 = arith.constant 0 : i32
      %sign3A_561 = arith.cmpi sgt, %jit3A_551, %sign3A_560 : i32
      %sign3A_562 = arith.extui %sign3A_561 : i1 to i32
      %sign3A_563 = arith.constant 0 : i32
      %sign3A_564 = arith.cmpi slt, %jit3A_551, %sign3A_563 : i32
      %sign3A_565 = arith.extui %sign3A_564 : i1 to i32
      %sign3A_566 = arith.subi %sign3A_562, %sign3A_565 : i32
      %ne3A_567 = arith.cmpi ne, %sign3A_559, %sign3A_566 : i32
      %rem3A_568 = arith.remsi %min3A_550, %jit3A_551 : i32
      %ne3A_569 = arith.constant 0 : i32
      %ne3A_570 = arith.cmpi ne, %rem3A_568, %ne3A_569 : i32
      %and3A_571 = arith.andi %ne3A_567, %ne3A_570 : i1
      %sub3A_572 = arith.constant 1 : i32
      %sub3A_573 = arith.subi %div3A_552, %sub3A_572 : i32
      %select_n3A_574 = arith.select %and3A_571, %sub3A_573, %div3A_552 : i32
      %jit3A_575 = arith.constant 8 : i32
      %eq3A_576 = arith.constant 0 : i32
      %eq3A_577 = arith.cmpi eq, %jit3A_575, %eq3A_576 : i32
      %jit3A_578 = arith.constant 1 : i32
      %select_n3A_579 = arith.select %eq3A_577, %jit3A_578, %jit3A_575 : i32
      %rem3A_580 = arith.remsi %min3A_550, %select_n3A_579 : i32
      %ne3A_581 = arith.constant 0 : i32
      %ne3A_582 = arith.cmpi ne, %rem3A_580, %ne3A_581 : i32
      %lt3A_583 = arith.constant 0 : i32
      %lt3A_584 = arith.cmpi slt, %rem3A_580, %lt3A_583 : i32
      %lt3A_585 = arith.constant 0 : i32
      %lt3A_586 = arith.cmpi slt, %select_n3A_579, %lt3A_585 : i32
      %ne3A_587 = arith.xori %lt3A_584, %lt3A_586 : i1
      %and3A_588 = arith.andi %ne3A_587, %ne3A_582 : i1
      %add3A_589 = arith.addi %rem3A_580, %select_n3A_579 : i32
      %select_n3A_590 = arith.select %and3A_588, %add3A_589, %rem3A_580 : i32
      %dma_start3A_591 = arith.constant 0 : i32
      %dma_start3A_592 = arith.constant 0 : i32
      %dma_start3A_593 = arith.constant 0 : i32
      %dma_start3A_594 = tpu.memref_slice %arg6[%dma_start3A_591, %dma_start3A_592, %dma_start3A_593] : memref<4x128x64xf32, #tpu.memory_space<vmem>> -> memref<1x128x64xf32, #tpu.memory_space<vmem>>
      %dma_start3A_595 = tpu.memref_squeeze %dma_start3A_594 : memref<1x128x64xf32, #tpu.memory_space<vmem>> -> memref<128x64xf32, #tpu.memory_space<vmem>>
      %dma_start3A_596 = arith.constant 0 : i32
      %dma_start3A_597 = tpu.memref_slice %arg5[%select_n3A_574, %select_n3A_590, %dma_start3A_596] : memref<25x8x128xi32, #tpu.memory_space<vmem>> -> memref<1x1x128xi32, #tpu.memory_space<vmem>>
      %dma_start3A_598 = tpu.memref_squeeze %dma_start3A_597 : memref<1x1x128xi32, #tpu.memory_space<vmem>> -> memref<128xi32, #tpu.memory_space<vmem>>
      %dma_start3A_599 = arith.constant 0 : i32
      %dma_start3A_600 = arith.constant 0 : i32
      %dma_start3A_601 = tpu.memref_slice %arg3[%dma_start3A_599, %dma_start3A_600] : memref<100001x64xf32, #tpu.memory_space<hbm>> -> memref<100001x64xf32, #tpu.memory_space<hbm>>
      tpu.enqueue_indirect_dma source(%dma_start3A_601 : memref<100001x64xf32, #tpu.memory_space<hbm>>) target(%dma_start3A_595 : memref<128x64xf32, #tpu.memory_space<vmem>>) offsets(%dma_start3A_598 : memref<128xi32, #tpu.memory_space<vmem>>) semaphore(%arg8 : memref<!tpu.dma_semaphore, #tpu.memory_space<semaphore_mem>>)
      %parallel_loop3A_602 = arith.constant 0 : i32
      %parallel_loop3A_603 = arith.constant 128 : i32
      %parallel_loop3A_604 = arith.constant 1 : i32
      %parallel_loop3A_605 = arith.constant 1 : i32
      scf.for %parallel_loop3A_891 = %parallel_loop3A_602 to %parallel_loop3A_603 step %parallel_loop3A_604  : i32 {
        %parallel_loop3A_892 = vector.broadcast %parallel_loop3A_891 : i32 to vector<16xi32>
        %parallel_loop3A_893 = arith.addi %mul3A_229, %parallel_loop3A_892 : vector<16xi32>
        %parallel_loop3A_894 = arith.constant 1 : i32
        %parallel_loop3A_895 = arith.index_cast %parallel_loop3A_894 : i32 to index
        %parallel_loop3A_896 = arith.index_cast %parallel_loop3A_891 : i32 to index
        %parallel_loop3A_897 = arith.constant 0 : index
        %parallel_loop3A_898 = tpu.vector_load %arg6[%parallel_loop3A_895, %parallel_loop3A_896, %parallel_loop3A_897] {strides = array<i32>} : memref<4x128x64xf32, #tpu.memory_space<vmem>>, vector<16xf32>,
        %parallel_loop3A_899 = arith.constant 0 : i32
        %parallel_loop3A_900 = arith.constant 0 : i32
        %parallel_loop3A_901 = arith.constant 0 : i32
        %parallel_loop3A_902 = tpu.memref_slice %arg7[%parallel_loop3A_605, %parallel_loop3A_899, %parallel_loop3A_900, %parallel_loop3A_901] : memref<2x8x8x129xf32, #tpu.memory_space<vmem>> -> memref<1x8x8x129xf32, #tpu.memory_space<vmem>>
        %parallel_loop3A_903 = tpu.memref_squeeze %parallel_loop3A_902 : memref<1x8x8x129xf32, #tpu.memory_space<vmem>> -> memref<8x8x129xf32, #tpu.memory_space<vmem>>
        tpu.vector_store_idx %parallel_loop3A_903[%select_n3A, %select_n3A_151, %parallel_loop3A_893], %parallel_loop3A_898 : memref<8x8x129xf32, #tpu.memory_space<vmem>>[vector<16xi32>, vector<16xi32>, vector<16xi32>], vector<16xf32>,
        %parallel_loop3A_904 = arith.constant 1 : i32
        %parallel_loop3A_905 = arith.index_cast %parallel_loop3A_904 : i32 to index
        %parallel_loop3A_906 = arith.index_cast %parallel_loop3A_891 : i32 to index
        %parallel_loop3A_907 = arith.constant 16 : index
        %parallel_loop3A_908 = tpu.vector_load %arg6[%parallel_loop3A_905, %parallel_loop3A_906, %parallel_loop3A_907] {strides = array<i32>} : memref<4x128x64xf32, #tpu.memory_space<vmem>>, vector<16xf32>,
        %parallel_loop3A_909 = arith.constant 0 : i32
        %parallel_loop3A_910 = arith.constant 0 : i32
        %parallel_loop3A_911 = arith.constant 0 : i32
        %parallel_loop3A_912 = tpu.memref_slice %arg7[%parallel_loop3A_605, %parallel_loop3A_909, %parallel_loop3A_910, %parallel_loop3A_911] : memref<2x8x8x129xf32, #tpu.memory_space<vmem>> -> memref<1x8x8x129xf32, #tpu.memory_space<vmem>>
        %parallel_loop3A_913 = tpu.memref_squeeze %parallel_loop3A_912 : memref<1x8x8x129xf32, #tpu.memory_space<vmem>> -> memref<8x8x129xf32, #tpu.memory_space<vmem>>
        tpu.vector_store_idx %parallel_loop3A_913[%select_n3A_60, %select_n3A_176, %parallel_loop3A_893], %parallel_loop3A_908 : memref<8x8x129xf32, #tpu.memory_space<vmem>>[vector<16xi32>, vector<16xi32>, vector<16xi32>], vector<16xf32>,
        %parallel_loop3A_914 = arith.constant 1 : i32
        %parallel_loop3A_915 = arith.index_cast %parallel_loop3A_914 : i32 to index
        %parallel_loop3A_916 = arith.index_cast %parallel_loop3A_891 : i32 to index
        %parallel_loop3A_917 = arith.constant 32 : index
        %parallel_loop3A_918 = tpu.vector_load %arg6[%parallel_loop3A_915, %parallel_loop3A_916, %parallel_loop3A_917] {strides = array<i32>} : memref<4x128x64xf32, #tpu.memory_space<vmem>>, vector<16xf32>,
        %parallel_loop3A_919 = arith.constant 0 : i32
        %parallel_loop3A_920 = arith.constant 0 : i32
        %parallel_loop3A_921 = arith.constant 0 : i32
        %parallel_loop3A_922 = tpu.memref_slice %arg7[%parallel_loop3A_605, %parallel_loop3A_919, %parallel_loop3A_920, %parallel_loop3A_921] : memref<2x8x8x129xf32, #tpu.memory_space<vmem>> -> memref<1x8x8x129xf32, #tpu.memory_space<vmem>>
        %parallel_loop3A_923 = tpu.memref_squeeze %parallel_loop3A_922 : memref<1x8x8x129xf32, #tpu.memory_space<vmem>> -> memref<8x8x129xf32, #tpu.memory_space<vmem>>
        tpu.vector_store_idx %parallel_loop3A_923[%select_n3A_94, %select_n3A_201, %parallel_loop3A_893], %parallel_loop3A_918 : memref<8x8x129xf32, #tpu.memory_space<vmem>>[vector<16xi32>, vector<16xi32>, vector<16xi32>], vector<16xf32>,
        %parallel_loop3A_924 = arith.constant 1 : i32
        %parallel_loop3A_925 = arith.index_cast %parallel_loop3A_924 : i32 to index
        %parallel_loop3A_926 = arith.index_cast %parallel_loop3A_891 : i32 to index
        %parallel_loop3A_927 = arith.constant 48 : index
        %parallel_loop3A_928 = tpu.vector_load %arg6[%parallel_loop3A_925, %parallel_loop3A_926, %parallel_loop3A_927] {strides = array<i32>} : memref<4x128x64xf32, #tpu.memory_space<vmem>>, vector<16xf32>,
        %parallel_loop3A_929 = arith.constant 0 : i32
        %parallel_loop3A_930 = arith.constant 0 : i32
        %parallel_loop3A_931 = arith.constant 0 : i32
        %parallel_loop3A_932 = tpu.memref_slice %arg7[%parallel_loop3A_605, %parallel_loop3A_929, %parallel_loop3A_930, %parallel_loop3A_931] : memref<2x8x8x129xf32, #tpu.memory_space<vmem>> -> memref<1x8x8x129xf32, #tpu.memory_space<vmem>>
        %parallel_loop3A_933 = tpu.memref_squeeze %parallel_loop3A_932 : memref<1x8x8x129xf32, #tpu.memory_space<vmem>> -> memref<8x8x129xf32, #tpu.memory_space<vmem>>
        tpu.vector_store_idx %parallel_loop3A_933[%select_n3A_128, %select_n3A_226, %parallel_loop3A_893], %parallel_loop3A_928 : memref<8x8x129xf32, #tpu.memory_space<vmem>>[vector<16xi32>, vector<16xi32>, vector<16xi32>], vector<16xf32>,
      } {sc.loop_unroll_factor = 8 : i64, sc.parallel_access}
      %dma_wait3A_606 = arith.constant 1 : i32
      %dma_wait3A_607 = arith.constant 0 : i32
      %dma_wait3A_608 = arith.constant 0 : i32
      %dma_wait3A_609 = arith.constant 0 : i32
      %dma_wait3A_610 = arith.constant 0 : i32
      %dma_wait3A_611 = tpu.memref_slice %arg7[%dma_wait3A_606, %dma_wait3A_608, %dma_wait3A_609, %dma_wait3A_610] : memref<2x8x8x129xf32, #tpu.memory_space<vmem>> -> memref<1x8x8x128xf32, #tpu.memory_space<vmem>>
      %dma_wait3A_612 = tpu.memref_squeeze %dma_wait3A_611 : memref<1x8x8x128xf32, #tpu.memory_space<vmem>> -> memref<8x8x128xf32, #tpu.memory_space<vmem>>
      %dma_wait3A_613 = arith.constant 0 : i32
      %dma_wait3A_614 = arith.constant 0 : i32
      %dma_wait3A_615 = arith.constant 0 : i32
      %dma_wait3A_616 = tpu.memref_slice %arg4[%dma_wait3A_607, %dma_wait3A_613, %add3A, %dma_wait3A_614, %dma_wait3A_615] : memref<200x8x32x8x128xf32, #tpu.memory_space<hbm>> -> memref<1x8x1x8x128xf32, #tpu.memory_space<hbm>>
      %dma_wait3A_617 = tpu.memref_squeeze %dma_wait3A_616 : memref<1x8x1x8x128xf32, #tpu.memory_space<hbm>> -> memref<8x8x128xf32, #tpu.memory_space<hbm>>
      %dma_wait3A_618 = arith.constant 0 : i32
      %dma_wait3A_619 = arith.constant 0 : i32
      %dma_wait3A_620 = arith.constant 0 : i32
      %dma_wait3A_621 = tpu.memref_slice %arg4[%dma_wait3A_607, %dma_wait3A_618, %add3A, %dma_wait3A_619, %dma_wait3A_620] : memref<200x8x32x8x128xf32, #tpu.memory_space<hbm>> -> memref<1x8x1x8x128xf32, #tpu.memory_space<hbm>>
      %dma_wait3A_622 = tpu.memref_squeeze %dma_wait3A_621 : memref<1x8x1x8x128xf32, #tpu.memory_space<hbm>> -> memref<8x8x128xf32, #tpu.memory_space<hbm>>
      %dma_wait3A_623 = arith.constant 0 : i32
      %dma_wait3A_624 = arith.constant 0 : i32
      %dma_wait3A_625 = arith.constant 0 : i32
      %dma_wait3A_626 = tpu.memref_slice %arg7[%dma_wait3A_606, %dma_wait3A_623, %dma_wait3A_624, %dma_wait3A_625] : memref<2x8x8x129xf32, #tpu.memory_space<vmem>> -> memref<1x8x8x128xf32, #tpu.memory_space<vmem>>
      %dma_wait3A_627 = tpu.memref_squeeze %dma_wait3A_626 : memref<1x8x8x128xf32, #tpu.memory_space<vmem>> -> memref<8x8x128xf32, #tpu.memory_space<vmem>>
      tpu.wait_dma2 semaphore(%arg9 : memref<!tpu.dma_semaphore, #tpu.memory_space<semaphore_mem>>) src(%dma_wait3A_627 : memref<8x8x128xf32, #tpu.memory_space<vmem>>) dst(%dma_wait3A_622 : memref<8x8x128xf32, #tpu.memory_space<hbm>>)
      %dma_start3A_628 = arith.constant 1 : i32
      %dma_start3A_629 = arith.constant 0 : i32
      %dma_start3A_630 = arith.constant 0 : i32
      %dma_start3A_631 = arith.constant 0 : i32
      %dma_start3A_632 = tpu.memref_slice %arg7[%dma_start3A_628, %dma_start3A_629, %dma_start3A_630, %dma_start3A_631] : memref<2x8x8x129xf32, #tpu.memory_space<vmem>> -> memref<1x8x8x128xf32, #tpu.memory_space<vmem>>
      %dma_start3A_633 = tpu.memref_squeeze %dma_start3A_632 : memref<1x8x8x128xf32, #tpu.memory_space<vmem>> -> memref<8x8x128xf32, #tpu.memory_space<vmem>>
      %dma_start3A_634 = arith.constant 0 : i32
      %dma_start3A_635 = arith.constant 0 : i32
      %dma_start3A_636 = arith.constant 0 : i32
      %dma_start3A_637 = tpu.memref_slice %arg4[%add3A_531, %dma_start3A_634, %add3A, %dma_start3A_635, %dma_start3A_636] : memref<200x8x32x8x128xf32, #tpu.memory_space<hbm>> -> memref<1x8x1x8x128xf32, #tpu.memory_space<hbm>>
      %dma_start3A_638 = tpu.memref_squeeze %dma_start3A_637 : memref<1x8x1x8x128xf32, #tpu.memory_space<hbm>> -> memref<8x8x128xf32, #tpu.memory_space<hbm>>
      %dma_start3A_639 = arith.constant 0 : i32
      %dma_start3A_640 = arith.constant 0 : i32
      %dma_start3A_641 = arith.constant 0 : i32
      %dma_start3A_642 = tpu.memref_slice %arg4[%add3A_531, %dma_start3A_639, %add3A, %dma_start3A_640, %dma_start3A_641] : memref<200x8x32x8x128xf32, #tpu.memory_space<hbm>> -> memref<1x8x1x8x128xf32, #tpu.memory_space<hbm>>
      %dma_start3A_643 = tpu.memref_squeeze %dma_start3A_642 : memref<1x8x1x8x128xf32, #tpu.memory_space<hbm>> -> memref<8x8x128xf32, #tpu.memory_space<hbm>>
      %dma_start3A_644 = arith.constant 0 : i32
      %dma_start3A_645 = arith.constant 0 : i32
      %dma_start3A_646 = arith.constant 0 : i32
      %dma_start3A_647 = tpu.memref_slice %arg7[%dma_start3A_628, %dma_start3A_644, %dma_start3A_645, %dma_start3A_646] : memref<2x8x8x129xf32, #tpu.memory_space<vmem>> -> memref<1x8x8x128xf32, #tpu.memory_space<vmem>>
      %dma_start3A_648 = tpu.memref_squeeze %dma_start3A_647 : memref<1x8x8x128xf32, #tpu.memory_space<vmem>> -> memref<8x8x128xf32, #tpu.memory_space<vmem>>
      tpu.enqueue_dma source(%dma_start3A_648 : memref<8x8x128xf32, #tpu.memory_space<vmem>>) target(%dma_start3A_643 : memref<8x8x128xf32, #tpu.memory_space<hbm>>) target_semaphore(%arg9 : memref<!tpu.dma_semaphore, #tpu.memory_space<semaphore_mem>>)
      %mul3A_649 = arith.constant 4 : i32
      %mul3A_650 = arith.muli %mul3A_649, %add3A_408 : i32
      %add3A_651 = arith.constant 2 : i32
      %add3A_652 = arith.addi %mul3A_650, %add3A_651 : i32
      %dma_wait3A_653 = arith.constant 2 : i32
      %dma_wait3A_654 = arith.constant 0 : i32
      %dma_wait3A_655 = arith.constant 0 : i32
      %dma_wait3A_656 = tpu.memref_slice %arg6[%dma_wait3A_653, %dma_wait3A_654, %dma_wait3A_655] : memref<4x128x64xf32, #tpu.memory_space<vmem>> -> memref<1x128x64xf32, #tpu.memory_space<vmem>>
      %dma_wait3A_657 = tpu.memref_squeeze %dma_wait3A_656 : memref<1x128x64xf32, #tpu.memory_space<vmem>> -> memref<128x64xf32, #tpu.memory_space<vmem>>
      %dma_wait3A_658 = arith.constant 0 : i32
      %dma_wait3A_659 = arith.constant 0 : i32
      %dma_wait3A_660 = tpu.memref_slice %arg3[%dma_wait3A_658, %dma_wait3A_659] : memref<100001x64xf32, #tpu.memory_space<hbm>> -> memref<128x64xf32, #tpu.memory_space<hbm>>
      %dma_wait3A_661 = arith.constant 0 : i32
      %dma_wait3A_662 = arith.constant 0 : i32
      %dma_wait3A_663 = tpu.memref_slice %arg6[%dma_wait3A_653, %dma_wait3A_661, %dma_wait3A_662] : memref<4x128x64xf32, #tpu.memory_space<vmem>> -> memref<1x128x64xf32, #tpu.memory_space<vmem>>
      %dma_wait3A_664 = tpu.memref_squeeze %dma_wait3A_663 : memref<1x128x64xf32, #tpu.memory_space<vmem>> -> memref<128x64xf32, #tpu.memory_space<vmem>>
      %dma_wait3A_665 = arith.constant 0 : i32
      %dma_wait3A_666 = arith.constant 0 : i32
      %dma_wait3A_667 = tpu.memref_slice %arg3[%dma_wait3A_665, %dma_wait3A_666] : memref<100001x64xf32, #tpu.memory_space<hbm>> -> memref<128x64xf32, #tpu.memory_space<hbm>>
      tpu.wait_dma2 semaphore(%arg8 : memref<!tpu.dma_semaphore, #tpu.memory_space<semaphore_mem>>) src(%dma_wait3A_667 : memref<128x64xf32, #tpu.memory_space<hbm>>) dst(%dma_wait3A_664 : memref<128x64xf32, #tpu.memory_space<vmem>>)
      %add3A_668 = arith.constant 3 : i32
      %add3A_669 = arith.addi %add3A_652, %add3A_668 : i32
      %min3A_670 = arith.constant 199 : i32
      %min3A_671 = arith.minsi %add3A_669, %min3A_670 : i32
      %jit3A_672 = arith.constant 8 : i32
      %div3A_673 = arith.divsi %min3A_671, %jit3A_672 : i32
      %sign3A_674 = arith.constant 0 : i32
      %sign3A_675 = arith.cmpi sgt, %min3A_671, %sign3A_674 : i32
      %sign3A_676 = arith.extui %sign3A_675 : i1 to i32
      %sign3A_677 = arith.constant 0 : i32
      %sign3A_678 = arith.cmpi slt, %min3A_671, %sign3A_677 : i32
      %sign3A_679 = arith.extui %sign3A_678 : i1 to i32
      %sign3A_680 = arith.subi %sign3A_676, %sign3A_679 : i32
      %sign3A_681 = arith.constant 0 : i32
      %sign3A_682 = arith.cmpi sgt, %jit3A_672, %sign3A_681 : i32
      %sign3A_683 = arith.extui %sign3A_682 : i1 to i32
      %sign3A_684 = arith.constant 0 : i32
      %sign3A_685 = arith.cmpi slt, %jit3A_672, %sign3A_684 : i32
      %sign3A_686 = arith.extui %sign3A_685 : i1 to i32
      %sign3A_687 = arith.subi %sign3A_683, %sign3A_686 : i32
      %ne3A_688 = arith.cmpi ne, %sign3A_680, %sign3A_687 : i32
      %rem3A_689 = arith.remsi %min3A_671, %jit3A_672 : i32
      %ne3A_690 = arith.constant 0 : i32
      %ne3A_691 = arith.cmpi ne, %rem3A_689, %ne3A_690 : i32
      %and3A_692 = arith.andi %ne3A_688, %ne3A_691 : i1
      %sub3A_693 = arith.constant 1 : i32
      %sub3A_694 = arith.subi %div3A_673, %sub3A_693 : i32
      %select_n3A_695 = arith.select %and3A_692, %sub3A_694, %div3A_673 : i32
      %jit3A_696 = arith.constant 8 : i32
      %eq3A_697 = arith.constant 0 : i32
      %eq3A_698 = arith.cmpi eq, %jit3A_696, %eq3A_697 : i32
      %jit3A_699 = arith.constant 1 : i32
      %select_n3A_700 = arith.select %eq3A_698, %jit3A_699, %jit3A_696 : i32
      %rem3A_701 = arith.remsi %min3A_671, %select_n3A_700 : i32
      %ne3A_702 = arith.constant 0 : i32
      %ne3A_703 = arith.cmpi ne, %rem3A_701, %ne3A_702 : i32
      %lt3A_704 = arith.constant 0 : i32
      %lt3A_705 = arith.cmpi slt, %rem3A_701, %lt3A_704 : i32
      %lt3A_706 = arith.constant 0 : i32
      %lt3A_707 = arith.cmpi slt, %select_n3A_700, %lt3A_706 : i32
      %ne3A_708 = arith.xori %lt3A_705, %lt3A_707 : i1
      %and3A_709 = arith.andi %ne3A_708, %ne3A_703 : i1
      %add3A_710 = arith.addi %rem3A_701, %select_n3A_700 : i32
      %select_n3A_711 = arith.select %and3A_709, %add3A_710, %rem3A_701 : i32
      %dma_start3A_712 = arith.constant 1 : i32
      %dma_start3A_713 = arith.constant 0 : i32
      %dma_start3A_714 = arith.constant 0 : i32
      %dma_start3A_715 = tpu.memref_slice %arg6[%dma_start3A_712, %dma_start3A_713, %dma_start3A_714] : memref<4x128x64xf32, #tpu.memory_space<vmem>> -> memref<1x128x64xf32, #tpu.memory_space<vmem>>
      %dma_start3A_716 = tpu.memref_squeeze %dma_start3A_715 : memref<1x128x64xf32, #tpu.memory_space<vmem>> -> memref<128x64xf32, #tpu.memory_space<vmem>>
      %dma_start3A_717 = arith.constant 0 : i32
      %dma_start3A_718 = tpu.memref_slice %arg5[%select_n3A_695, %select_n3A_711, %dma_start3A_717] : memref<25x8x128xi32, #tpu.memory_space<vmem>> -> memref<1x1x128xi32, #tpu.memory_space<vmem>>
      %dma_start3A_719 = tpu.memref_squeeze %dma_start3A_718 : memref<1x1x128xi32, #tpu.memory_space<vmem>> -> memref<128xi32, #tpu.memory_space<vmem>>
      %dma_start3A_720 = arith.constant 0 : i32
      %dma_start3A_721 = arith.constant 0 : i32
      %dma_start3A_722 = tpu.memref_slice %arg3[%dma_start3A_720, %dma_start3A_721] : memref<100001x64xf32, #tpu.memory_space<hbm>> -> memref<100001x64xf32, #tpu.memory_space<hbm>>
      tpu.enqueue_indirect_dma source(%dma_start3A_722 : memref<100001x64xf32, #tpu.memory_space<hbm>>) target(%dma_start3A_716 : memref<128x64xf32, #tpu.memory_space<vmem>>) offsets(%dma_start3A_719 : memref<128xi32, #tpu.memory_space<vmem>>) semaphore(%arg8 : memref<!tpu.dma_semaphore, #tpu.memory_space<semaphore_mem>>)
      %parallel_loop3A_723 = arith.constant 0 : i32
      %parallel_loop3A_724 = arith.constant 128 : i32
      %parallel_loop3A_725 = arith.constant 1 : i32
      %parallel_loop3A_726 = arith.constant 0 : i32
      scf.for %parallel_loop3A_891 = %parallel_loop3A_723 to %parallel_loop3A_724 step %parallel_loop3A_725  : i32 {
        %parallel_loop3A_892 = vector.broadcast %parallel_loop3A_891 : i32 to vector<16xi32>
        %parallel_loop3A_893 = arith.addi %mul3A_229, %parallel_loop3A_892 : vector<16xi32>
        %parallel_loop3A_894 = arith.constant 2 : i32
        %parallel_loop3A_895 = arith.index_cast %parallel_loop3A_894 : i32 to index
        %parallel_loop3A_896 = arith.index_cast %parallel_loop3A_891 : i32 to index
        %parallel_loop3A_897 = arith.constant 0 : index
        %parallel_loop3A_898 = tpu.vector_load %arg6[%parallel_loop3A_895, %parallel_loop3A_896, %parallel_loop3A_897] {strides = array<i32>} : memref<4x128x64xf32, #tpu.memory_space<vmem>>, vector<16xf32>,
        %parallel_loop3A_899 = arith.constant 0 : i32
        %parallel_loop3A_900 = arith.constant 0 : i32
        %parallel_loop3A_901 = arith.constant 0 : i32
        %parallel_loop3A_902 = tpu.memref_slice %arg7[%parallel_loop3A_726, %parallel_loop3A_899, %parallel_loop3A_900, %parallel_loop3A_901] : memref<2x8x8x129xf32, #tpu.memory_space<vmem>> -> memref<1x8x8x129xf32, #tpu.memory_space<vmem>>
        %parallel_loop3A_903 = tpu.memref_squeeze %parallel_loop3A_902 : memref<1x8x8x129xf32, #tpu.memory_space<vmem>> -> memref<8x8x129xf32, #tpu.memory_space<vmem>>
        tpu.vector_store_idx %parallel_loop3A_903[%select_n3A, %select_n3A_151, %parallel_loop3A_893], %parallel_loop3A_898 : memref<8x8x129xf32, #tpu.memory_space<vmem>>[vector<16xi32>, vector<16xi32>, vector<16xi32>], vector<16xf32>,
        %parallel_loop3A_904 = arith.constant 2 : i32
        %parallel_loop3A_905 = arith.index_cast %parallel_loop3A_904 : i32 to index
        %parallel_loop3A_906 = arith.index_cast %parallel_loop3A_891 : i32 to index
        %parallel_loop3A_907 = arith.constant 16 : index
        %parallel_loop3A_908 = tpu.vector_load %arg6[%parallel_loop3A_905, %parallel_loop3A_906, %parallel_loop3A_907] {strides = array<i32>} : memref<4x128x64xf32, #tpu.memory_space<vmem>>, vector<16xf32>,
        %parallel_loop3A_909 = arith.constant 0 : i32
        %parallel_loop3A_910 = arith.constant 0 : i32
        %parallel_loop3A_911 = arith.constant 0 : i32
        %parallel_loop3A_912 = tpu.memref_slice %arg7[%parallel_loop3A_726, %parallel_loop3A_909, %parallel_loop3A_910, %parallel_loop3A_911] : memref<2x8x8x129xf32, #tpu.memory_space<vmem>> -> memref<1x8x8x129xf32, #tpu.memory_space<vmem>>
        %parallel_loop3A_913 = tpu.memref_squeeze %parallel_loop3A_912 : memref<1x8x8x129xf32, #tpu.memory_space<vmem>> -> memref<8x8x129xf32, #tpu.memory_space<vmem>>
        tpu.vector_store_idx %parallel_loop3A_913[%select_n3A_60, %select_n3A_176, %parallel_loop3A_893], %parallel_loop3A_908 : memref<8x8x129xf32, #tpu.memory_space<vmem>>[vector<16xi32>, vector<16xi32>, vector<16xi32>], vector<16xf32>,
        %parallel_loop3A_914 = arith.constant 2 : i32
        %parallel_loop3A_915 = arith.index_cast %parallel_loop3A_914 : i32 to index
        %parallel_loop3A_916 = arith.index_cast %parallel_loop3A_891 : i32 to index
        %parallel_loop3A_917 = arith.constant 32 : index
        %parallel_loop3A_918 = tpu.vector_load %arg6[%parallel_loop3A_915, %parallel_loop3A_916, %parallel_loop3A_917] {strides = array<i32>} : memref<4x128x64xf32, #tpu.memory_space<vmem>>, vector<16xf32>,
        %parallel_loop3A_919 = arith.constant 0 : i32
        %parallel_loop3A_920 = arith.constant 0 : i32
        %parallel_loop3A_921 = arith.constant 0 : i32
        %parallel_loop3A_922 = tpu.memref_slice %arg7[%parallel_loop3A_726, %parallel_loop3A_919, %parallel_loop3A_920, %parallel_loop3A_921] : memref<2x8x8x129xf32, #tpu.memory_space<vmem>> -> memref<1x8x8x129xf32, #tpu.memory_space<vmem>>
        %parallel_loop3A_923 = tpu.memref_squeeze %parallel_loop3A_922 : memref<1x8x8x129xf32, #tpu.memory_space<vmem>> -> memref<8x8x129xf32, #tpu.memory_space<vmem>>
        tpu.vector_store_idx %parallel_loop3A_923[%select_n3A_94, %select_n3A_201, %parallel_loop3A_893], %parallel_loop3A_918 : memref<8x8x129xf32, #tpu.memory_space<vmem>>[vector<16xi32>, vector<16xi32>, vector<16xi32>], vector<16xf32>,
        %parallel_loop3A_924 = arith.constant 2 : i32
        %parallel_loop3A_925 = arith.index_cast %parallel_loop3A_924 : i32 to index
        %parallel_loop3A_926 = arith.index_cast %parallel_loop3A_891 : i32 to index
        %parallel_loop3A_927 = arith.constant 48 : index
        %parallel_loop3A_928 = tpu.vector_load %arg6[%parallel_loop3A_925, %parallel_loop3A_926, %parallel_loop3A_927] {strides = array<i32>} : memref<4x128x64xf32, #tpu.memory_space<vmem>>, vector<16xf32>,
        %parallel_loop3A_929 = arith.constant 0 : i32
        %parallel_loop3A_930 = arith.constant 0 : i32
        %parallel_loop3A_931 = arith.constant 0 : i32
        %parallel_loop3A_932 = tpu.memref_slice %arg7[%parallel_loop3A_726, %parallel_loop3A_929, %parallel_loop3A_930, %parallel_loop3A_931] : memref<2x8x8x129xf32, #tpu.memory_space<vmem>> -> memref<1x8x8x129xf32, #tpu.memory_space<vmem>>
        %parallel_loop3A_933 = tpu.memref_squeeze %parallel_loop3A_932 : memref<1x8x8x129xf32, #tpu.memory_space<vmem>> -> memref<8x8x129xf32, #tpu.memory_space<vmem>>
        tpu.vector_store_idx %parallel_loop3A_933[%select_n3A_128, %select_n3A_226, %parallel_loop3A_893], %parallel_loop3A_928 : memref<8x8x129xf32, #tpu.memory_space<vmem>>[vector<16xi32>, vector<16xi32>, vector<16xi32>], vector<16xf32>,
      } {sc.loop_unroll_factor = 8 : i64, sc.parallel_access}
      %dma_wait3A_727 = arith.constant 0 : i32
      %dma_wait3A_728 = arith.constant 0 : i32
      %dma_wait3A_729 = arith.constant 0 : i32
      %dma_wait3A_730 = arith.constant 0 : i32
      %dma_wait3A_731 = arith.constant 0 : i32
      %dma_wait3A_732 = tpu.memref_slice %arg7[%dma_wait3A_727, %dma_wait3A_729, %dma_wait3A_730, %dma_wait3A_731] : memref<2x8x8x129xf32, #tpu.memory_space<vmem>> -> memref<1x8x8x128xf32, #tpu.memory_space<vmem>>
      %dma_wait3A_733 = tpu.memref_squeeze %dma_wait3A_732 : memref<1x8x8x128xf32, #tpu.memory_space<vmem>> -> memref<8x8x128xf32, #tpu.memory_space<vmem>>
      %dma_wait3A_734 = arith.constant 0 : i32
      %dma_wait3A_735 = arith.constant 0 : i32
      %dma_wait3A_736 = arith.constant 0 : i32
      %dma_wait3A_737 = tpu.memref_slice %arg4[%dma_wait3A_728, %dma_wait3A_734, %add3A, %dma_wait3A_735, %dma_wait3A_736] : memref<200x8x32x8x128xf32, #tpu.memory_space<hbm>> -> memref<1x8x1x8x128xf32, #tpu.memory_space<hbm>>
      %dma_wait3A_738 = tpu.memref_squeeze %dma_wait3A_737 : memref<1x8x1x8x128xf32, #tpu.memory_space<hbm>> -> memref<8x8x128xf32, #tpu.memory_space<hbm>>
      %dma_wait3A_739 = arith.constant 0 : i32
      %dma_wait3A_740 = arith.constant 0 : i32
      %dma_wait3A_741 = arith.constant 0 : i32
      %dma_wait3A_742 = tpu.memref_slice %arg4[%dma_wait3A_728, %dma_wait3A_739, %add3A, %dma_wait3A_740, %dma_wait3A_741] : memref<200x8x32x8x128xf32, #tpu.memory_space<hbm>> -> memref<1x8x1x8x128xf32, #tpu.memory_space<hbm>>
      %dma_wait3A_743 = tpu.memref_squeeze %dma_wait3A_742 : memref<1x8x1x8x128xf32, #tpu.memory_space<hbm>> -> memref<8x8x128xf32, #tpu.memory_space<hbm>>
      %dma_wait3A_744 = arith.constant 0 : i32
      %dma_wait3A_745 = arith.constant 0 : i32
      %dma_wait3A_746 = arith.constant 0 : i32
      %dma_wait3A_747 = tpu.memref_slice %arg7[%dma_wait3A_727, %dma_wait3A_744, %dma_wait3A_745, %dma_wait3A_746] : memref<2x8x8x129xf32, #tpu.memory_space<vmem>> -> memref<1x8x8x128xf32, #tpu.memory_space<vmem>>
      %dma_wait3A_748 = tpu.memref_squeeze %dma_wait3A_747 : memref<1x8x8x128xf32, #tpu.memory_space<vmem>> -> memref<8x8x128xf32, #tpu.memory_space<vmem>>
      tpu.wait_dma2 semaphore(%arg9 : memref<!tpu.dma_semaphore, #tpu.memory_space<semaphore_mem>>) src(%dma_wait3A_748 : memref<8x8x128xf32, #tpu.memory_space<vmem>>) dst(%dma_wait3A_743 : memref<8x8x128xf32, #tpu.memory_space<hbm>>)
      %dma_start3A_749 = arith.constant 0 : i32
      %dma_start3A_750 = arith.constant 0 : i32
      %dma_start3A_751 = arith.constant 0 : i32
      %dma_start3A_752 = arith.constant 0 : i32
      %dma_start3A_753 = tpu.memref_slice %arg7[%dma_start3A_749, %dma_start3A_750, %dma_start3A_751, %dma_start3A_752] : memref<2x8x8x129xf32, #tpu.memory_space<vmem>> -> memref<1x8x8x128xf32, #tpu.memory_space<vmem>>
      %dma_start3A_754 = tpu.memref_squeeze %dma_start3A_753 : memref<1x8x8x128xf32, #tpu.memory_space<vmem>> -> memref<8x8x128xf32, #tpu.memory_space<vmem>>
      %dma_start3A_755 = arith.constant 0 : i32
      %dma_start3A_756 = arith.constant 0 : i32
      %dma_start3A_757 = arith.constant 0 : i32
      %dma_start3A_758 = tpu.memref_slice %arg4[%add3A_652, %dma_start3A_755, %add3A, %dma_start3A_756, %dma_start3A_757] : memref<200x8x32x8x128xf32, #tpu.memory_space<hbm>> -> memref<1x8x1x8x128xf32, #tpu.memory_space<hbm>>
      %dma_start3A_759 = tpu.memref_squeeze %dma_start3A_758 : memref<1x8x1x8x128xf32, #tpu.memory_space<hbm>> -> memref<8x8x128xf32, #tpu.memory_space<hbm>>
      %dma_start3A_760 = arith.constant 0 : i32
      %dma_start3A_761 = arith.constant 0 : i32
      %dma_start3A_762 = arith.constant 0 : i32
      %dma_start3A_763 = tpu.memref_slice %arg4[%add3A_652, %dma_start3A_760, %add3A, %dma_start3A_761, %dma_start3A_762] : memref<200x8x32x8x128xf32, #tpu.memory_space<hbm>> -> memref<1x8x1x8x128xf32, #tpu.memory_space<hbm>>
      %dma_start3A_764 = tpu.memref_squeeze %dma_start3A_763 : memref<1x8x1x8x128xf32, #tpu.memory_space<hbm>> -> memref<8x8x128xf32, #tpu.memory_space<hbm>>
      %dma_start3A_765 = arith.constant 0 : i32
      %dma_start3A_766 = arith.constant 0 : i32
      %dma_start3A_767 = arith.constant 0 : i32
      %dma_start3A_768 = tpu.memref_slice %arg7[%dma_start3A_749, %dma_start3A_765, %dma_start3A_766, %dma_start3A_767] : memref<2x8x8x129xf32, #tpu.memory_space<vmem>> -> memref<1x8x8x128xf32, #tpu.memory_space<vmem>>
      %dma_start3A_769 = tpu.memref_squeeze %dma_start3A_768 : memref<1x8x8x128xf32, #tpu.memory_space<vmem>> -> memref<8x8x128xf32, #tpu.memory_space<vmem>>
      tpu.enqueue_dma source(%dma_start3A_769 : memref<8x8x128xf32, #tpu.memory_space<vmem>>) target(%dma_start3A_764 : memref<8x8x128xf32, #tpu.memory_space<hbm>>) target_semaphore(%arg9 : memref<!tpu.dma_semaphore, #tpu.memory_space<semaphore_mem>>)
      %mul3A_770 = arith.constant 4 : i32
      %mul3A_771 = arith.muli %mul3A_770, %add3A_408 : i32
      %add3A_772 = arith.constant 3 : i32
      %add3A_773 = arith.addi %mul3A_771, %add3A_772 : i32
      %dma_wait3A_774 = arith.constant 3 : i32
      %dma_wait3A_775 = arith.constant 0 : i32
      %dma_wait3A_776 = arith.constant 0 : i32
      %dma_wait3A_777 = tpu.memref_slice %arg6[%dma_wait3A_774, %dma_wait3A_775, %dma_wait3A_776] : memref<4x128x64xf32, #tpu.memory_space<vmem>> -> memref<1x128x64xf32, #tpu.memory_space<vmem>>
      %dma_wait3A_778 = tpu.memref_squeeze %dma_wait3A_777 : memref<1x128x64xf32, #tpu.memory_space<vmem>> -> memref<128x64xf32, #tpu.memory_space<vmem>>
      %dma_wait3A_779 = arith.constant 0 : i32
      %dma_wait3A_780 = arith.constant 0 : i32
      %dma_wait3A_781 = tpu.memref_slice %arg3[%dma_wait3A_779, %dma_wait3A_780] : memref<100001x64xf32, #tpu.memory_space<hbm>> -> memref<128x64xf32, #tpu.memory_space<hbm>>
      %dma_wait3A_782 = arith.constant 0 : i32
      %dma_wait3A_783 = arith.constant 0 : i32
      %dma_wait3A_784 = tpu.memref_slice %arg6[%dma_wait3A_774, %dma_wait3A_782, %dma_wait3A_783] : memref<4x128x64xf32, #tpu.memory_space<vmem>> -> memref<1x128x64xf32, #tpu.memory_space<vmem>>
      %dma_wait3A_785 = tpu.memref_squeeze %dma_wait3A_784 : memref<1x128x64xf32, #tpu.memory_space<vmem>> -> memref<128x64xf32, #tpu.memory_space<vmem>>
      %dma_wait3A_786 = arith.constant 0 : i32
      %dma_wait3A_787 = arith.constant 0 : i32
      %dma_wait3A_788 = tpu.memref_slice %arg3[%dma_wait3A_786, %dma_wait3A_787] : memref<100001x64xf32, #tpu.memory_space<hbm>> -> memref<128x64xf32, #tpu.memory_space<hbm>>
      tpu.wait_dma2 semaphore(%arg8 : memref<!tpu.dma_semaphore, #tpu.memory_space<semaphore_mem>>) src(%dma_wait3A_788 : memref<128x64xf32, #tpu.memory_space<hbm>>) dst(%dma_wait3A_785 : memref<128x64xf32, #tpu.memory_space<vmem>>)
      %add3A_789 = arith.constant 3 : i32
      %add3A_790 = arith.addi %add3A_773, %add3A_789 : i32
      %min3A_791 = arith.constant 199 : i32
      %min3A_792 = arith.minsi %add3A_790, %min3A_791 : i32
      %jit3A_793 = arith.constant 8 : i32
      %div3A_794 = arith.divsi %min3A_792, %jit3A_793 : i32
      %sign3A_795 = arith.constant 0 : i32
      %sign3A_796 = arith.cmpi sgt, %min3A_792, %sign3A_795 : i32
      %sign3A_797 = arith.extui %sign3A_796 : i1 to i32
      %sign3A_798 = arith.constant 0 : i32
      %sign3A_799 = arith.cmpi slt, %min3A_792, %sign3A_798 : i32
      %sign3A_800 = arith.extui %sign3A_799 : i1 to i32
      %sign3A_801 = arith.subi %sign3A_797, %sign3A_800 : i32
      %sign3A_802 = arith.constant 0 : i32
      %sign3A_803 = arith.cmpi sgt, %jit3A_793, %sign3A_802 : i32
      %sign3A_804 = arith.extui %sign3A_803 : i1 to i32
      %sign3A_805 = arith.constant 0 : i32
      %sign3A_806 = arith.cmpi slt, %jit3A_793, %sign3A_805 : i32
      %sign3A_807 = arith.extui %sign3A_806 : i1 to i32
      %sign3A_808 = arith.subi %sign3A_804, %sign3A_807 : i32
      %ne3A_809 = arith.cmpi ne, %sign3A_801, %sign3A_808 : i32
      %rem3A_810 = arith.remsi %min3A_792, %jit3A_793 : i32
      %ne3A_811 = arith.constant 0 : i32
      %ne3A_812 = arith.cmpi ne, %rem3A_810, %ne3A_811 : i32
      %and3A_813 = arith.andi %ne3A_809, %ne3A_812 : i1
      %sub3A_814 = arith.constant 1 : i32
      %sub3A_815 = arith.subi %div3A_794, %sub3A_814 : i32
      %select_n3A_816 = arith.select %and3A_813, %sub3A_815, %div3A_794 : i32
      %jit3A_817 = arith.constant 8 : i32
      %eq3A_818 = arith.constant 0 : i32
      %eq3A_819 = arith.cmpi eq, %jit3A_817, %eq3A_818 : i32
      %jit3A_820 = arith.constant 1 : i32
      %select_n3A_821 = arith.select %eq3A_819, %jit3A_820, %jit3A_817 : i32
      %rem3A_822 = arith.remsi %min3A_792, %select_n3A_821 : i32
      %ne3A_823 = arith.constant 0 : i32
      %ne3A_824 = arith.cmpi ne, %rem3A_822, %ne3A_823 : i32
      %lt3A_825 = arith.constant 0 : i32
      %lt3A_826 = arith.cmpi slt, %rem3A_822, %lt3A_825 : i32
      %lt3A_827 = arith.constant 0 : i32
      %lt3A_828 = arith.cmpi slt, %select_n3A_821, %lt3A_827 : i32
      %ne3A_829 = arith.xori %lt3A_826, %lt3A_828 : i1
      %and3A_830 = arith.andi %ne3A_829, %ne3A_824 : i1
      %add3A_831 = arith.addi %rem3A_822, %select_n3A_821 : i32
      %select_n3A_832 = arith.select %and3A_830, %add3A_831, %rem3A_822 : i32
      %dma_start3A_833 = arith.constant 2 : i32
      %dma_start3A_834 = arith.constant 0 : i32
      %dma_start3A_835 = arith.constant 0 : i32
      %dma_start3A_836 = tpu.memref_slice %arg6[%dma_start3A_833, %dma_start3A_834, %dma_start3A_835] : memref<4x128x64xf32, #tpu.memory_space<vmem>> -> memref<1x128x64xf32, #tpu.memory_space<vmem>>
      %dma_start3A_837 = tpu.memref_squeeze %dma_start3A_836 : memref<1x128x64xf32, #tpu.memory_space<vmem>> -> memref<128x64xf32, #tpu.memory_space<vmem>>
      %dma_start3A_838 = arith.constant 0 : i32
      %dma_start3A_839 = tpu.memref_slice %arg5[%select_n3A_816, %select_n3A_832, %dma_start3A_838] : memref<25x8x128xi32, #tpu.memory_space<vmem>> -> memref<1x1x128xi32, #tpu.memory_space<vmem>>
      %dma_start3A_840 = tpu.memref_squeeze %dma_start3A_839 : memref<1x1x128xi32, #tpu.memory_space<vmem>> -> memref<128xi32, #tpu.memory_space<vmem>>
      %dma_start3A_841 = arith.constant 0 : i32
      %dma_start3A_842 = arith.constant 0 : i32
      %dma_start3A_843 = tpu.memref_slice %arg3[%dma_start3A_841, %dma_start3A_842] : memref<100001x64xf32, #tpu.memory_space<hbm>> -> memref<100001x64xf32, #tpu.memory_space<hbm>>
      tpu.enqueue_indirect_dma source(%dma_start3A_843 : memref<100001x64xf32, #tpu.memory_space<hbm>>) target(%dma_start3A_837 : memref<128x64xf32, #tpu.memory_space<vmem>>) offsets(%dma_start3A_840 : memref<128xi32, #tpu.memory_space<vmem>>) semaphore(%arg8 : memref<!tpu.dma_semaphore, #tpu.memory_space<semaphore_mem>>)
      %parallel_loop3A_844 = arith.constant 0 : i32
      %parallel_loop3A_845 = arith.constant 128 : i32
      %parallel_loop3A_846 = arith.constant 1 : i32
      %parallel_loop3A_847 = arith.constant 1 : i32
      scf.for %parallel_loop3A_891 = %parallel_loop3A_844 to %parallel_loop3A_845 step %parallel_loop3A_846  : i32 {
        %parallel_loop3A_892 = vector.broadcast %parallel_loop3A_891 : i32 to vector<16xi32>
        %parallel_loop3A_893 = arith.addi %mul3A_229, %parallel_loop3A_892 : vector<16xi32>
        %parallel_loop3A_894 = arith.constant 3 : i32
        %parallel_loop3A_895 = arith.index_cast %parallel_loop3A_894 : i32 to index
        %parallel_loop3A_896 = arith.index_cast %parallel_loop3A_891 : i32 to index
        %parallel_loop3A_897 = arith.constant 0 : index
        %parallel_loop3A_898 = tpu.vector_load %arg6[%parallel_loop3A_895, %parallel_loop3A_896, %parallel_loop3A_897] {strides = array<i32>} : memref<4x128x64xf32, #tpu.memory_space<vmem>>, vector<16xf32>,
        %parallel_loop3A_899 = arith.constant 0 : i32
        %parallel_loop3A_900 = arith.constant 0 : i32
        %parallel_loop3A_901 = arith.constant 0 : i32
        %parallel_loop3A_902 = tpu.memref_slice %arg7[%parallel_loop3A_847, %parallel_loop3A_899, %parallel_loop3A_900, %parallel_loop3A_901] : memref<2x8x8x129xf32, #tpu.memory_space<vmem>> -> memref<1x8x8x129xf32, #tpu.memory_space<vmem>>
        %parallel_loop3A_903 = tpu.memref_squeeze %parallel_loop3A_902 : memref<1x8x8x129xf32, #tpu.memory_space<vmem>> -> memref<8x8x129xf32, #tpu.memory_space<vmem>>
        tpu.vector_store_idx %parallel_loop3A_903[%select_n3A, %select_n3A_151, %parallel_loop3A_893], %parallel_loop3A_898 : memref<8x8x129xf32, #tpu.memory_space<vmem>>[vector<16xi32>, vector<16xi32>, vector<16xi32>], vector<16xf32>,
        %parallel_loop3A_904 = arith.constant 3 : i32
        %parallel_loop3A_905 = arith.index_cast %parallel_loop3A_904 : i32 to index
        %parallel_loop3A_906 = arith.index_cast %parallel_loop3A_891 : i32 to index
        %parallel_loop3A_907 = arith.constant 16 : index
        %parallel_loop3A_908 = tpu.vector_load %arg6[%parallel_loop3A_905, %parallel_loop3A_906, %parallel_loop3A_907] {strides = array<i32>} : memref<4x128x64xf32, #tpu.memory_space<vmem>>, vector<16xf32>,
        %parallel_loop3A_909 = arith.constant 0 : i32
        %parallel_loop3A_910 = arith.constant 0 : i32
        %parallel_loop3A_911 = arith.constant 0 : i32
        %parallel_loop3A_912 = tpu.memref_slice %arg7[%parallel_loop3A_847, %parallel_loop3A_909, %parallel_loop3A_910, %parallel_loop3A_911] : memref<2x8x8x129xf32, #tpu.memory_space<vmem>> -> memref<1x8x8x129xf32, #tpu.memory_space<vmem>>
        %parallel_loop3A_913 = tpu.memref_squeeze %parallel_loop3A_912 : memref<1x8x8x129xf32, #tpu.memory_space<vmem>> -> memref<8x8x129xf32, #tpu.memory_space<vmem>>
        tpu.vector_store_idx %parallel_loop3A_913[%select_n3A_60, %select_n3A_176, %parallel_loop3A_893], %parallel_loop3A_908 : memref<8x8x129xf32, #tpu.memory_space<vmem>>[vector<16xi32>, vector<16xi32>, vector<16xi32>], vector<16xf32>,
        %parallel_loop3A_914 = arith.constant 3 : i32
        %parallel_loop3A_915 = arith.index_cast %parallel_loop3A_914 : i32 to index
        %parallel_loop3A_916 = arith.index_cast %parallel_loop3A_891 : i32 to index
        %parallel_loop3A_917 = arith.constant 32 : index
        %parallel_loop3A_918 = tpu.vector_load %arg6[%parallel_loop3A_915, %parallel_loop3A_916, %parallel_loop3A_917] {strides = array<i32>} : memref<4x128x64xf32, #tpu.memory_space<vmem>>, vector<16xf32>,
        %parallel_loop3A_919 = arith.constant 0 : i32
        %parallel_loop3A_920 = arith.constant 0 : i32
        %parallel_loop3A_921 = arith.constant 0 : i32
        %parallel_loop3A_922 = tpu.memref_slice %arg7[%parallel_loop3A_847, %parallel_loop3A_919, %parallel_loop3A_920, %parallel_loop3A_921] : memref<2x8x8x129xf32, #tpu.memory_space<vmem>> -> memref<1x8x8x129xf32, #tpu.memory_space<vmem>>
        %parallel_loop3A_923 = tpu.memref_squeeze %parallel_loop3A_922 : memref<1x8x8x129xf32, #tpu.memory_space<vmem>> -> memref<8x8x129xf32, #tpu.memory_space<vmem>>
        tpu.vector_store_idx %parallel_loop3A_923[%select_n3A_94, %select_n3A_201, %parallel_loop3A_893], %parallel_loop3A_918 : memref<8x8x129xf32, #tpu.memory_space<vmem>>[vector<16xi32>, vector<16xi32>, vector<16xi32>], vector<16xf32>,
        %parallel_loop3A_924 = arith.constant 3 : i32
        %parallel_loop3A_925 = arith.index_cast %parallel_loop3A_924 : i32 to index
        %parallel_loop3A_926 = arith.index_cast %parallel_loop3A_891 : i32 to index
        %parallel_loop3A_927 = arith.constant 48 : index
        %parallel_loop3A_928 = tpu.vector_load %arg6[%parallel_loop3A_925, %parallel_loop3A_926, %parallel_loop3A_927] {strides = array<i32>} : memref<4x128x64xf32, #tpu.memory_space<vmem>>, vector<16xf32>,
        %parallel_loop3A_929 = arith.constant 0 : i32
        %parallel_loop3A_930 = arith.constant 0 : i32
        %parallel_loop3A_931 = arith.constant 0 : i32
        %parallel_loop3A_932 = tpu.memref_slice %arg7[%parallel_loop3A_847, %parallel_loop3A_929, %parallel_loop3A_930, %parallel_loop3A_931] : memref<2x8x8x129xf32, #tpu.memory_space<vmem>> -> memref<1x8x8x129xf32, #tpu.memory_space<vmem>>
        %parallel_loop3A_933 = tpu.memref_squeeze %parallel_loop3A_932 : memref<1x8x8x129xf32, #tpu.memory_space<vmem>> -> memref<8x8x129xf32, #tpu.memory_space<vmem>>
        tpu.vector_store_idx %parallel_loop3A_933[%select_n3A_128, %select_n3A_226, %parallel_loop3A_893], %parallel_loop3A_928 : memref<8x8x129xf32, #tpu.memory_space<vmem>>[vector<16xi32>, vector<16xi32>, vector<16xi32>], vector<16xf32>,
      } {sc.loop_unroll_factor = 8 : i64, sc.parallel_access}
      %dma_wait3A_848 = arith.constant 1 : i32
      %dma_wait3A_849 = arith.constant 0 : i32
      %dma_wait3A_850 = arith.constant 0 : i32
      %dma_wait3A_851 = arith.constant 0 : i32
      %dma_wait3A_852 = arith.constant 0 : i32
      %dma_wait3A_853 = tpu.memref_slice %arg7[%dma_wait3A_848, %dma_wait3A_850, %dma_wait3A_851, %dma_wait3A_852] : memref<2x8x8x129xf32, #tpu.memory_space<vmem>> -> memref<1x8x8x128xf32, #tpu.memory_space<vmem>>
      %dma_wait3A_854 = tpu.memref_squeeze %dma_wait3A_853 : memref<1x8x8x128xf32, #tpu.memory_space<vmem>> -> memref<8x8x128xf32, #tpu.memory_space<vmem>>
      %dma_wait3A_855 = arith.constant 0 : i32
      %dma_wait3A_856 = arith.constant 0 : i32
      %dma_wait3A_857 = arith.constant 0 : i32
      %dma_wait3A_858 = tpu.memref_slice %arg4[%dma_wait3A_849, %dma_wait3A_855, %add3A, %dma_wait3A_856, %dma_wait3A_857] : memref<200x8x32x8x128xf32, #tpu.memory_space<hbm>> -> memref<1x8x1x8x128xf32, #tpu.memory_space<hbm>>
      %dma_wait3A_859 = tpu.memref_squeeze %dma_wait3A_858 : memref<1x8x1x8x128xf32, #tpu.memory_space<hbm>> -> memref<8x8x128xf32, #tpu.memory_space<hbm>>
      %dma_wait3A_860 = arith.constant 0 : i32
      %dma_wait3A_861 = arith.constant 0 : i32
      %dma_wait3A_862 = arith.constant 0 : i32
      %dma_wait3A_863 = tpu.memref_slice %arg4[%dma_wait3A_849, %dma_wait3A_860, %add3A, %dma_wait3A_861, %dma_wait3A_862] : memref<200x8x32x8x128xf32, #tpu.memory_space<hbm>> -> memref<1x8x1x8x128xf32, #tpu.memory_space<hbm>>
      %dma_wait3A_864 = tpu.memref_squeeze %dma_wait3A_863 : memref<1x8x1x8x128xf32, #tpu.memory_space<hbm>> -> memref<8x8x128xf32, #tpu.memory_space<hbm>>
      %dma_wait3A_865 = arith.constant 0 : i32
      %dma_wait3A_866 = arith.constant 0 : i32
      %dma_wait3A_867 = arith.constant 0 : i32
      %dma_wait3A_868 = tpu.memref_slice %arg7[%dma_wait3A_848, %dma_wait3A_865, %dma_wait3A_866, %dma_wait3A_867] : memref<2x8x8x129xf32, #tpu.memory_space<vmem>> -> memref<1x8x8x128xf32, #tpu.memory_space<vmem>>
      %dma_wait3A_869 = tpu.memref_squeeze %dma_wait3A_868 : memref<1x8x8x128xf32, #tpu.memory_space<vmem>> -> memref<8x8x128xf32, #tpu.memory_space<vmem>>
      tpu.wait_dma2 semaphore(%arg9 : memref<!tpu.dma_semaphore, #tpu.memory_space<semaphore_mem>>) src(%dma_wait3A_869 : memref<8x8x128xf32, #tpu.memory_space<vmem>>) dst(%dma_wait3A_864 : memref<8x8x128xf32, #tpu.memory_space<hbm>>)
      %dma_start3A_870 = arith.constant 1 : i32
      %dma_start3A_871 = arith.constant 0 : i32
      %dma_start3A_872 = arith.constant 0 : i32
      %dma_start3A_873 = arith.constant 0 : i32
      %dma_start3A_874 = tpu.memref_slice %arg7[%dma_start3A_870, %dma_start3A_871, %dma_start3A_872, %dma_start3A_873] : memref<2x8x8x129xf32, #tpu.memory_space<vmem>> -> memref<1x8x8x128xf32, #tpu.memory_space<vmem>>
      %dma_start3A_875 = tpu.memref_squeeze %dma_start3A_874 : memref<1x8x8x128xf32, #tpu.memory_space<vmem>> -> memref<8x8x128xf32, #tpu.memory_space<vmem>>
      %dma_start3A_876 = arith.constant 0 : i32
      %dma_start3A_877 = arith.constant 0 : i32
      %dma_start3A_878 = arith.constant 0 : i32
      %dma_start3A_879 = tpu.memref_slice %arg4[%add3A_773, %dma_start3A_876, %add3A, %dma_start3A_877, %dma_start3A_878] : memref<200x8x32x8x128xf32, #tpu.memory_space<hbm>> -> memref<1x8x1x8x128xf32, #tpu.memory_space<hbm>>
      %dma_start3A_880 = tpu.memref_squeeze %dma_start3A_879 : memref<1x8x1x8x128xf32, #tpu.memory_space<hbm>> -> memref<8x8x128xf32, #tpu.memory_space<hbm>>
      %dma_start3A_881 = arith.constant 0 : i32
      %dma_start3A_882 = arith.constant 0 : i32
      %dma_start3A_883 = arith.constant 0 : i32
      %dma_start3A_884 = tpu.memref_slice %arg4[%add3A_773, %dma_start3A_881, %add3A, %dma_start3A_882, %dma_start3A_883] : memref<200x8x32x8x128xf32, #tpu.memory_space<hbm>> -> memref<1x8x1x8x128xf32, #tpu.memory_space<hbm>>
      %dma_start3A_885 = tpu.memref_squeeze %dma_start3A_884 : memref<1x8x1x8x128xf32, #tpu.memory_space<hbm>> -> memref<8x8x128xf32, #tpu.memory_space<hbm>>
      %dma_start3A_886 = arith.constant 0 : i32
      %dma_start3A_887 = arith.constant 0 : i32
      %dma_start3A_888 = arith.constant 0 : i32
      %dma_start3A_889 = tpu.memref_slice %arg7[%dma_start3A_870, %dma_start3A_886, %dma_start3A_887, %dma_start3A_888] : memref<2x8x8x129xf32, #tpu.memory_space<vmem>> -> memref<1x8x8x128xf32, #tpu.memory_space<vmem>>
      %dma_start3A_890 = tpu.memref_squeeze %dma_start3A_889 : memref<1x8x8x128xf32, #tpu.memory_space<vmem>> -> memref<8x8x128xf32, #tpu.memory_space<vmem>>
      tpu.enqueue_dma source(%dma_start3A_890 : memref<8x8x128xf32, #tpu.memory_space<vmem>>) target(%dma_start3A_885 : memref<8x8x128xf32, #tpu.memory_space<hbm>>) target_semaphore(%arg9 : memref<!tpu.dma_semaphore, #tpu.memory_space<semaphore_mem>>)
    }
    %scan3A_315 = arith.constant 50 : i32
    %dma_wait3A = arith.constant 0 : i32
    %dma_wait3A_316 = arith.constant 0 : i32
    %dma_wait3A_317 = arith.constant 0 : i32
    %dma_wait3A_318 = arith.constant 0 : i32
    %dma_wait3A_319 = arith.constant 0 : i32
    %dma_wait3A_320 = tpu.memref_slice %arg7[%dma_wait3A, %dma_wait3A_317, %dma_wait3A_318, %dma_wait3A_319] : memref<2x8x8x129xf32, #tpu.memory_space<vmem>> -> memref<1x8x8x128xf32, #tpu.memory_space<vmem>>
    %dma_wait3A_321 = tpu.memref_squeeze %dma_wait3A_320 : memref<1x8x8x128xf32, #tpu.memory_space<vmem>> -> memref<8x8x128xf32, #tpu.memory_space<vmem>>
    %dma_wait3A_322 = arith.constant 0 : i32
    %dma_wait3A_323 = arith.constant 0 : i32
    %dma_wait3A_324 = arith.constant 0 : i32
    %dma_wait3A_325 = tpu.memref_slice %arg4[%dma_wait3A_316, %dma_wait3A_322, %add3A, %dma_wait3A_323, %dma_wait3A_324] : memref<200x8x32x8x128xf32, #tpu.memory_space<hbm>> -> memref<1x8x1x8x128xf32, #tpu.memory_space<hbm>>
    %dma_wait3A_326 = tpu.memref_squeeze %dma_wait3A_325 : memref<1x8x1x8x128xf32, #tpu.memory_space<hbm>> -> memref<8x8x128xf32, #tpu.memory_space<hbm>>
    %dma_wait3A_327 = arith.constant 0 : i32
    %dma_wait3A_328 = arith.constant 0 : i32
    %dma_wait3A_329 = arith.constant 0 : i32
    %dma_wait3A_330 = tpu.memref_slice %arg4[%dma_wait3A_316, %dma_wait3A_327, %add3A, %dma_wait3A_328, %dma_wait3A_329] : memref<200x8x32x8x128xf32, #tpu.memory_space<hbm>> -> memref<1x8x1x8x128xf32, #tpu.memory_space<hbm>>
    %dma_wait3A_331 = tpu.memref_squeeze %dma_wait3A_330 : memref<1x8x1x8x128xf32, #tpu.memory_space<hbm>> -> memref<8x8x128xf32, #tpu.memory_space<hbm>>
    %dma_wait3A_332 = arith.constant 0 : i32
    %dma_wait3A_333 = arith.constant 0 : i32
    %dma_wait3A_334 = arith.constant 0 : i32
    %dma_wait3A_335 = tpu.memref_slice %arg7[%dma_wait3A, %dma_wait3A_332, %dma_wait3A_333, %dma_wait3A_334] : memref<2x8x8x129xf32, #tpu.memory_space<vmem>> -> memref<1x8x8x128xf32, #tpu.memory_space<vmem>>
    %dma_wait3A_336 = tpu.memref_squeeze %dma_wait3A_335 : memref<1x8x8x128xf32, #tpu.memory_space<vmem>> -> memref<8x8x128xf32, #tpu.memory_space<vmem>>
    tpu.wait_dma2 semaphore(%arg9 : memref<!tpu.dma_semaphore, #tpu.memory_space<semaphore_mem>>) src(%dma_wait3A_336 : memref<8x8x128xf32, #tpu.memory_space<vmem>>) dst(%dma_wait3A_331 : memref<8x8x128xf32, #tpu.memory_space<hbm>>)
    %dma_wait3A_337 = arith.constant 1 : i32
    %dma_wait3A_338 = arith.constant 0 : i32
    %dma_wait3A_339 = arith.constant 0 : i32
    %dma_wait3A_340 = arith.constant 0 : i32
    %dma_wait3A_341 = arith.constant 0 : i32
    %dma_wait3A_342 = tpu.memref_slice %arg7[%dma_wait3A_337, %dma_wait3A_339, %dma_wait3A_340, %dma_wait3A_341] : memref<2x8x8x129xf32, #tpu.memory_space<vmem>> -> memref<1x8x8x128xf32, #tpu.memory_space<vmem>>
    %dma_wait3A_343 = tpu.memref_squeeze %dma_wait3A_342 : memref<1x8x8x128xf32, #tpu.memory_space<vmem>> -> memref<8x8x128xf32, #tpu.memory_space<vmem>>
    %dma_wait3A_344 = arith.constant 0 : i32
    %dma_wait3A_345 = arith.constant 0 : i32
    %dma_wait3A_346 = arith.constant 0 : i32
    %dma_wait3A_347 = tpu.memref_slice %arg4[%dma_wait3A_338, %dma_wait3A_344, %add3A, %dma_wait3A_345, %dma_wait3A_346] : memref<200x8x32x8x128xf32, #tpu.memory_space<hbm>> -> memref<1x8x1x8x128xf32, #tpu.memory_space<hbm>>
    %dma_wait3A_348 = tpu.memref_squeeze %dma_wait3A_347 : memref<1x8x1x8x128xf32, #tpu.memory_space<hbm>> -> memref<8x8x128xf32, #tpu.memory_space<hbm>>
    %dma_wait3A_349 = arith.constant 0 : i32
    %dma_wait3A_350 = arith.constant 0 : i32
    %dma_wait3A_351 = arith.constant 0 : i32
    %dma_wait3A_352 = tpu.memref_slice %arg4[%dma_wait3A_338, %dma_wait3A_349, %add3A, %dma_wait3A_350, %dma_wait3A_351] : memref<200x8x32x8x128xf32, #tpu.memory_space<hbm>> -> memref<1x8x1x8x128xf32, #tpu.memory_space<hbm>>
    %dma_wait3A_353 = tpu.memref_squeeze %dma_wait3A_352 : memref<1x8x1x8x128xf32, #tpu.memory_space<hbm>> -> memref<8x8x128xf32, #tpu.memory_space<hbm>>
    %dma_wait3A_354 = arith.constant 0 : i32
    %dma_wait3A_355 = arith.constant 0 : i32
    %dma_wait3A_356 = arith.constant 0 : i32
    %dma_wait3A_357 = tpu.memref_slice %arg7[%dma_wait3A_337, %dma_wait3A_354, %dma_wait3A_355, %dma_wait3A_356] : memref<2x8x8x129xf32, #tpu.memory_space<vmem>> -> memref<1x8x8x128xf32, #tpu.memory_space<vmem>>
    %dma_wait3A_358 = tpu.memref_squeeze %dma_wait3A_357 : memref<1x8x8x128xf32, #tpu.memory_space<vmem>> -> memref<8x8x128xf32, #tpu.memory_space<vmem>>
    tpu.wait_dma2 semaphore(%arg9 : memref<!tpu.dma_semaphore, #tpu.memory_space<semaphore_mem>>) src(%dma_wait3A_358 : memref<8x8x128xf32, #tpu.memory_space<vmem>>) dst(%dma_wait3A_353 : memref<8x8x128xf32, #tpu.memory_space<hbm>>)
    %dma_wait3A_359 = arith.constant 0 : i32
    %dma_wait3A_360 = arith.constant 0 : i32
    %dma_wait3A_361 = arith.constant 0 : i32
    %dma_wait3A_362 = tpu.memref_slice %arg6[%dma_wait3A_359, %dma_wait3A_360, %dma_wait3A_361] : memref<4x128x64xf32, #tpu.memory_space<vmem>> -> memref<1x128x64xf32, #tpu.memory_space<vmem>>
    %dma_wait3A_363 = tpu.memref_squeeze %dma_wait3A_362 : memref<1x128x64xf32, #tpu.memory_space<vmem>> -> memref<128x64xf32, #tpu.memory_space<vmem>>
    %dma_wait3A_364 = arith.constant 0 : i32
    %dma_wait3A_365 = arith.constant 0 : i32
    %dma_wait3A_366 = tpu.memref_slice %arg3[%dma_wait3A_364, %dma_wait3A_365] : memref<100001x64xf32, #tpu.memory_space<hbm>> -> memref<128x64xf32, #tpu.memory_space<hbm>>
    %dma_wait3A_367 = arith.constant 0 : i32
    %dma_wait3A_368 = arith.constant 0 : i32
    %dma_wait3A_369 = tpu.memref_slice %arg6[%dma_wait3A_359, %dma_wait3A_367, %dma_wait3A_368] : memref<4x128x64xf32, #tpu.memory_space<vmem>> -> memref<1x128x64xf32, #tpu.memory_space<vmem>>
    %dma_wait3A_370 = tpu.memref_squeeze %dma_wait3A_369 : memref<1x128x64xf32, #tpu.memory_space<vmem>> -> memref<128x64xf32, #tpu.memory_space<vmem>>
    %dma_wait3A_371 = arith.constant 0 : i32
    %dma_wait3A_372 = arith.constant 0 : i32
    %dma_wait3A_373 = tpu.memref_slice %arg3[%dma_wait3A_371, %dma_wait3A_372] : memref<100001x64xf32, #tpu.memory_space<hbm>> -> memref<128x64xf32, #tpu.memory_space<hbm>>
    tpu.wait_dma2 semaphore(%arg8 : memref<!tpu.dma_semaphore, #tpu.memory_space<semaphore_mem>>) src(%dma_wait3A_373 : memref<128x64xf32, #tpu.memory_space<hbm>>) dst(%dma_wait3A_370 : memref<128x64xf32, #tpu.memory_space<vmem>>)
    %dma_wait3A_374 = arith.constant 1 : i32
    %dma_wait3A_375 = arith.constant 0 : i32
    %dma_wait3A_376 = arith.constant 0 : i32
    %dma_wait3A_377 = tpu.memref_slice %arg6[%dma_wait3A_374, %dma_wait3A_375, %dma_wait3A_376] : memref<4x128x64xf32, #tpu.memory_space<vmem>> -> memref<1x128x64xf32, #tpu.memory_space<vmem>>
    %dma_wait3A_378 = tpu.memref_squeeze %dma_wait3A_377 : memref<1x128x64xf32, #tpu.memory_space<vmem>> -> memref<128x64xf32, #tpu.memory_space<vmem>>
    %dma_wait3A_379 = arith.constant 0 : i32
    %dma_wait3A_380 = arith.constant 0 : i32
    %dma_wait3A_381 = tpu.memref_slice %arg3[%dma_wait3A_379, %dma_wait3A_380] : memref<100001x64xf32, #tpu.memory_space<hbm>> -> memref<128x64xf32, #tpu.memory_space<hbm>>
    %dma_wait3A_382 = arith.constant 0 : i32
    %dma_wait3A_383 = arith.constant 0 : i32
    %dma_wait3A_384 = tpu.memref_slice %arg6[%dma_wait3A_374, %dma_wait3A_382, %dma_wait3A_383] : memref<4x128x64xf32, #tpu.memory_space<vmem>> -> memref<1x128x64xf32, #tpu.memory_space<vmem>>
    %dma_wait3A_385 = tpu.memref_squeeze %dma_wait3A_384 : memref<1x128x64xf32, #tpu.memory_space<vmem>> -> memref<128x64xf32, #tpu.memory_space<vmem>>
    %dma_wait3A_386 = arith.constant 0 : i32
    %dma_wait3A_387 = arith.constant 0 : i32
    %dma_wait3A_388 = tpu.memref_slice %arg3[%dma_wait3A_386, %dma_wait3A_387] : memref<100001x64xf32, #tpu.memory_space<hbm>> -> memref<128x64xf32, #tpu.memory_space<hbm>>
    tpu.wait_dma2 semaphore(%arg8 : memref<!tpu.dma_semaphore, #tpu.memory_space<semaphore_mem>>) src(%dma_wait3A_388 : memref<128x64xf32, #tpu.memory_space<hbm>>) dst(%dma_wait3A_385 : memref<128x64xf32, #tpu.memory_space<vmem>>)
    %dma_wait3A_389 = arith.constant 2 : i32
    %dma_wait3A_390 = arith.constant 0 : i32
    %dma_wait3A_391 = arith.constant 0 : i32
    %dma_wait3A_392 = tpu.memref_slice %arg6[%dma_wait3A_389, %dma_wait3A_390, %dma_wait3A_391] : memref<4x128x64xf32, #tpu.memory_space<vmem>> -> memref<1x128x64xf32, #tpu.memory_space<vmem>>
    %dma_wait3A_393 = tpu.memref_squeeze %dma_wait3A_392 : memref<1x128x64xf32, #tpu.memory_space<vmem>> -> memref<128x64xf32, #tpu.memory_space<vmem>>
    %dma_wait3A_394 = arith.constant 0 : i32
    %dma_wait3A_395 = arith.constant 0 : i32
    %dma_wait3A_396 = tpu.memref_slice %arg3[%dma_wait3A_394, %dma_wait3A_395] : memref<100001x64xf32, #tpu.memory_space<hbm>> -> memref<128x64xf32, #tpu.memory_space<hbm>>
    %dma_wait3A_397 = arith.constant 0 : i32
    %dma_wait3A_398 = arith.constant 0 : i32
    %dma_wait3A_399 = tpu.memref_slice %arg6[%dma_wait3A_389, %dma_wait3A_397, %dma_wait3A_398] : memref<4x128x64xf32, #tpu.memory_space<vmem>> -> memref<1x128x64xf32, #tpu.memory_space<vmem>>
    %dma_wait3A_400 = tpu.memref_squeeze %dma_wait3A_399 : memref<1x128x64xf32, #tpu.memory_space<vmem>> -> memref<128x64xf32, #tpu.memory_space<vmem>>
    %dma_wait3A_401 = arith.constant 0 : i32
    %dma_wait3A_402 = arith.constant 0 : i32
    %dma_wait3A_403 = tpu.memref_slice %arg3[%dma_wait3A_401, %dma_wait3A_402] : memref<100001x64xf32, #tpu.memory_space<hbm>> -> memref<128x64xf32, #tpu.memory_space<hbm>>
    tpu.wait_dma2 semaphore(%arg8 : memref<!tpu.dma_semaphore, #tpu.memory_space<semaphore_mem>>) src(%dma_wait3A_403 : memref<128x64xf32, #tpu.memory_space<hbm>>) dst(%dma_wait3A_400 : memref<128x64xf32, #tpu.memory_space<vmem>>)
    return
  }
}

</mosaic_0001>

<sc_bundles>
// kernel: kernel.3.cloned.1.call-start
scs
__scs_entry_jumppad:
0x0: {  	(pc) =	sbr.rel $0x88, $3  }
0x1: {  	(tag) =	ssettag $0x0;
	lr =	simm.s32 $0x1  }
0x2: {  	[smem:$0x3F9F] =	sst lr;
	_ =	strace $0xD0000000  }
0x3: {  	_ = 	snop  }
0x4: {  	_ = 	snop  }
0x5: {  	_ = 	snop  }
0x6: {  	_ = 	snop  }
0x7: {  	_ = 	snop  }
__scs_overlays_trampoline_lowered:
0x8: {  	[smem:$0x3FAE] =	sst s0  }
0x9: {  	[smem:$0x3FAF] =	sst s1  }
0xa: {  	[smem:$0x3FB0] =	sst s2  }
0xb: {  	[smem:$0x3FB1] =	sst s3  }
0xc: {  	[smem:$0x3FB2] =	sst s4  }
0xd: {  	[smem:$0x3FB3] =	sst s5  }
0xe: {  	[smem:$0x3FB4] =	sst s6  }
0xf: {  	[smem:$0x3FB5] =	sst s7  }
0x10: {  	[smem:$0x3FB6] =	sst s8  }
0x11: {  	[smem:$0x3FB7] =	sst s9;
	s0 =	simm.s32 @!p0 $0x0  }
0x12: {  	s1 =	sld [smem:$0x3F9D];
	s0 =	simm.s32 @p0 $0x1  }
0x13: {  	[smem:$0x3FB8] =	sst s0;
	s0 =	simm.s32 @!p1 $0x0  }
0x14: {  	s2 =	sld [smem:$0x3F9C];
	s0 =	simm.s32 @p1 $0x1  }
0x15: {  	[smem:$0x3FB9] =	sst s0;
	s0 =	simm.s32 @!p2 $0x0  }
0x16: {  	s3 =	sld [smem:$0x3FDB];
	s0 =	simm.s32 @p2 $0x1  }
0x17: {  	s4 =	simm.s32 $0x1BF5;
	[smem:$0x3FBB] =	sst s0  }
0x18: {  	s0 =	sld [smem:$0x3F9E];
	_ =	swait.ge [sflag:s4], $0x0  }
0x19: {  	s7 =	sld [smem:$0x3F9F]  }
0x1a: {  	s8 =	sadd.s32 $0xFFFFE003, lr  }
0x1b: {  	s9 =	sadd.s32 $0xFFFFFEF7, lr;
	s5 =	simm.s32 $0xFFFFFFFF;
	p2 =	slt.u32 s8, $0xFFFFF086  }
0x1c: {  	p1 =	slt.u32 s9, $0xF7A;
	s5 =	simm.s32 @!p2 $0x0  }
0x1d: {  	s5 =	simm.s32 @p1 $0x1;
	p0 =	seq.s32 s7, s2  }
0x1e: {  	s7 =	smul.u32 @!p0 $0xF7A, s2;
	p2 =	seq.s32 @!p0 s5, $0x0  }
0x1f: {  	s9 =	smul.u32 $0xF7A, s1;
	s8 =	simm.s32 @!p0 $0x1BF5;
	p2 =	por !p2, p0  }
0x20: {  	[sflag:s8] =	ssyncset.s32 @!p0 $0xFFFFF086;
	s6 =	sadd.s32 @!p0 s3, s7;
	s7 =	simm.s32 @!p0 $0x108  }
0x21: {  	s3 =	sadd.s32 s3, s9;
	s6 =	sadd.s32 @!p0 $0x88, s6;
	s7 =	simm.s32 @p2 $0x1082  }
0x22: {  	[simem:s7], [sflag:s8] =	dma.local @!p0 [hbm:s6], $0xF7A  }
0x23: {  	s9 =	sor.u32 $0xD0000000, s2;
	s6 =	simm.s32 $0x108;
	_ =	swait.ge @!p0 [sflag:s8], $0x0  }
0x24: {  	s3 =	sadd.s32 $0x88, s3;
	s6 =	simm.s32 @!p1 $0x1082;
	[sflag:s4] =	ssyncset.s32 $0xFFFFF086  }
0x25: {  	[simem:s6], [sflag:s4] =	dma.local [hbm:s3], $0xF7A  }
0x26: {  	[smem:$0x3F9F] =	sst s1;
	(tag) =	ssettag s2;
	_ =	strace s9  }
0x27: {  	s1 =	sld [smem:$0x3FAF]  }
0x28: {  	s2 =	sld [smem:$0x3FB0]  }
0x29: {  	s4 =	sld [smem:$0x3FB2]  }
0x2a: {  	p0 =	seq.s32 s5, $0x0;
	s5 =	sld [smem:$0x3FB3]  }
0x2b: {  	s6 =	sld [smem:$0x3FB4]  }
0x2c: {  	s7 =	sld [smem:$0x3FB5]  }
0x2d: {  	s3 =	simm.s32 $0x108;
	s8 =	sld [smem:$0x3FB6]  }
0x2e: {  	s3 =	simm.s32 @!p0 $0x1082;
	s9 =	sld [smem:$0x3FB7]  }
0x2f: {  	lr =	sadd.s32 s0, s3;
	s0 =	sld [smem:$0x3FAE]  }
0x30: {  	s3 =	sld [smem:$0x3FB1]  }
0x31: {  	[smem:$0x3FBA] =	sst s10  }
0x32: {  	s10 =	sld [smem:$0x3FB8];
	_ =	sdelay $0x3  }
0x33: {  	p0 =	seq.s32 s10, $0x1;
	s10 =	sld [smem:$0x3FBA];
	_ =	sdelay $0x3  }
0x34: {  	[smem:$0x3FBA] =	sst s10  }
0x35: {  	s10 =	sld [smem:$0x3FB9];
	_ =	sdelay $0x3  }
0x36: {  	p1 =	seq.s32 s10, $0x1;
	s10 =	sld [smem:$0x3FBA];
	_ =	sdelay $0x3  }
0x37: {  	[smem:$0x3FBA] =	sst s10  }
0x38: {  	s10 =	sld [smem:$0x3FBB]  }
0x39: {  	_ = 	snop;
	(pc) =	sbr.ind lr, $3  }
0x3a: {  	_ = 	snop  }
0x3b: {  	_ = 	snop  }
0x3c: {  	p2 =	seq.s32 s10, $0x1;
	s10 =	sld [smem:$0x3FBA]  }
0x3d: {  	_ =	shalt  }
0x3e: {  	_ =	shalt  }
0x3f: {  	_ =	shalt  }
0x40: {  	_ =	shalt  }
0x41: {  	_ =	shalt  }
0x42: {  	_ =	shalt  }
0x43: {  	_ =	shalt  }
0x44: {  	_ =	shalt  }
0x45: {  	_ =	shalt  }
0x46: {  	_ =	shalt  }
0x47: {  	_ =	shalt  }
0x48: {  	_ =	shalt  }
0x49: {  	_ =	shalt  }
0x4a: {  	_ =	shalt  }
0x4b: {  	_ =	shalt  }
0x4c: {  	_ =	shalt  }
0x4d: {  	_ =	shalt  }
0x4e: {  	_ =	shalt  }
0x4f: {  	_ =	shalt  }
0x50: {  	_ =	shalt  }
0x51: {  	_ =	shalt  }
0x52: {  	_ =	shalt  }
0x53: {  	_ =	shalt  }
0x54: {  	_ =	shalt  }
0x55: {  	_ =	shalt  }
0x56: {  	_ =	shalt  }
0x57: {  	_ =	shalt  }
0x58: {  	_ =	shalt  }
0x59: {  	_ =	shalt  }
0x5a: {  	_ =	shalt  }
0x5b: {  	_ =	shalt  }
0x5c: {  	_ =	shalt  }
0x5d: {  	_ =	shalt  }
0x5e: {  	_ =	shalt  }
0x5f: {  	_ =	shalt  }
0x60: {  	_ =	shalt  }
0x61: {  	_ =	shalt  }
0x62: {  	_ =	shalt  }
0x63: {  	_ =	shalt  }
0x64: {  	_ =	shalt  }
0x65: {  	_ =	shalt  }
0x66: {  	_ =	shalt  }
0x67: {  	_ =	shalt  }
0x68: {  	_ =	shalt  }
0x69: {  	_ =	shalt  }
0x6a: {  	_ =	shalt  }
0x6b: {  	_ =	shalt  }
0x6c: {  	_ =	shalt  }
0x6d: {  	_ =	shalt  }
0x6e: {  	_ =	shalt  }
0x6f: {  	_ =	shalt  }
0x70: {  	_ =	shalt  }
0x71: {  	_ =	shalt  }
0x72: {  	_ =	shalt  }
0x73: {  	_ =	shalt  }
0x74: {  	_ =	shalt  }
0x75: {  	_ =	shalt  }
0x76: {  	_ =	shalt  }
0x77: {  	_ =	shalt  }
0x78: {  	_ =	shalt  }
0x79: {  	_ =	shalt  }
0x7a: {  	_ =	shalt  }
0x7b: {  	_ =	shalt  }
0x7c: {  	_ =	shalt  }
0x7d: {  	_ =	shalt  }
0x7e: {  	_ =	shalt  }
0x7f: {  	_ =	shalt  }
0x80: {  	_ =	shalt  }
0x81: {  	_ =	shalt  }
0x82: {  	_ =	shalt  }
0x83: {  	_ =	shalt  }
0x84: {  	_ =	shalt  }
0x85: {  	_ =	shalt  }
0x86: {  	_ =	shalt  }
0x87: {  	_ =	shalt  }
.Lfunc_end0:
.L_simem_size_0:
called_computation_lowered:
.L_overlay_start_0:
0x88: {  	s2 =	sld [smem:$0x3FD9]  }
0x89: {  	s3 =	sld [smem:$0x3FFE];
	_ =	sdelay $0x1  }
0x8a: {  	s1 =	srdreg.scid  }
0x8b: {  	s0 =	sand.u32 $0x1, s1  }
0x8c: {  	s17 =	sshll.u32 s0, $0xA;
	s2 =	sadd.s32 s3, s2  }
0x8d: {  	s2 =	sadd.s32 s2, s17  }
0x8e: {  	[smem:$0x3FC6] =	sst s2  }
0x8f: {  	_ = 	snop  }
0x90: {  	s2 =	sld [smem:$0x3FC9]  }
0x91: {  	s18 =	sld [smem:$0x3FD0];
	(tm) =	ssettm $0x1  }
0x92: {  	s4 =	sld [smem:$0x3FFB];
	_ =	sdelay $0x3  }
0x93: {  	_ =	strace s4  }
0x94: {  	s4 =	sld [smem:$0x3FFC];
	_ =	sdelay $0x3  }
0x95: {  	_ =	strace s4  }
0x96: {  	s4 =	sld [smem:$0x3FFD];
	_ =	sdelay $0x3  }
0x97: {  	_ =	strace s4  }
0x98: {  	_ =	strace $0x8FFFFFFF  }
0x99: {  	s19 =	sld [smem:$0x3FDB];
	_ =	sdelay $0x1  }
0x9a: {  	s5 =	simm.s32 $_scs_section_size  }
0x9b: {  	s6 =	simm.s32 $_size__tile_overlayer_lowered;
	s7 =	simm.s32 $_tile_overlayer_lowered  }
0x9c: {  	s22 =	simm.s32 $0x1BFF;
	s21 =	sshll.u32 s7, $0x1;
	s4 =	sadd.s32 s5, s19  }
0x9d: {  	s8 =	simm.s32 $0x0;
	s20 =	sshll.u32 s6, $0x1;
	s6 =	sadd.s32 s21, s4  }
0x9e: {  	[timem:s8], [sflag:s22] =	dma.local [hbm:s6], s20  }
0x9f: {  	_ =	swait.ge [sflag:s22], s20  }
0xa0: {  	s5 =	ssub.s32 $0x0, s20;
	[sflag:s22] =	ssyncset.done $0x0  }
0xa1: {  	[sflag:s22] =	ssyncadd.s32 s5;
	_ =	sdelay $0x1  }
0xa2: {  	s23 =	simm.s32 $0x1B8B  }
0xa3: {  	_ =	swait.ge [sflag:s23], $0x1  }
0xa4: {  	[sflag:s23] =	ssyncset.done $0x0  }
0xa5: {  	s25 =	simm.s32 $0x1B8E;
	s24 =	sld [smem:$0x3FFE];
	[sflag:s23] =	ssyncadd.s32 $0xFFFFFFFF  }
0xa6: {  	s26 =	simm.s32 $execute0_lowered;
	[smem:$0x3FD2] =	sst s25  }
0xa7: {  	s6 =	sshll.u32 s26, $0x1;
	_ =	strace $0x80000046;
	[dreg:$0x1] =	wrdreg $0xFFFFFFFF  }
0xa8: {  	s28 =	simm.s32 $_size_execute0_lowered;
	s4 =	sadd.s32 s4, s6;
	[dreg:$0x0] =	wrdreg $0x0  }
0xa9: {  	s6 =	sshll.u32 s28, $0x1;
	[dreg:$0x2] =	wrdreg s4  }
0xaa: {  	[dreg:$0x3] =	wrdreg s6  }
0xab: {  	[dreg:$0x4] =	wrdreg $0xC0  }
0xac: {  	_ =	task [dreg:s8], $0x5FFFF  }
0xad: {  	[dreg:$0x1] =	wrdreg $0xFFFFFFFF  }
0xae: {  	[dreg:$0x0] =	wrdreg $0x60  }
0xaf: {  	[dreg:$0x2] =	wrdreg s2  }
0xb0: {  	[dreg:$0x3] =	wrdreg s24  }
0xb1: {  	[dreg:$0x4] =	wrdreg s18  }
0xb2: {  	[dreg:$0x5] =	wrdreg $0x9  }
0xb3: {  	_ =	task.clear_ibuf [dreg:s8], $0x6FFFF;
	_ =	strace $0x90000046  }
0xb4: {  	s29 =	simm.s32 $0x9;
	_ =	strace $0x80000048  }
0xb5: {  	_ =	swait.ge [sflag:s29], $0x1  }
0xb6: {  	[sflag:s29] =	ssyncadd.s32 $0xFFFFFFFF  }
0xb7: {  	_ =	strace $0x90000048  }
0xb8: {  	_ =	sfence  }
0xb9: {  	s30 =	sld [smem:$0x0];
	_ =	sdelay $0x2  }
0xba: {  	s31 =	sshll.u32 s1, $0xD;
	s1 =	sshrl.u32 s1, $0x2  }
0xbb: {  	s3 =	sand.u32 $0x4000, s31;
	s1 =	sadd.s32 s1, s30  }
0xbc: {  	s0 =	sor.u32 s3, s0;
	s1 =	sshll.u32 s1, $0x11  }
0xbd: {  	s0 =	sor.u32 s1, s0  }
0xbe: {  	s0 =	sadd.s32 $0x8F2B, s0  }
0xbf: {  	[sflag:s0] =	ssyncadd.remote.s32 $0x1  }
0xc0: {  	_ =	sfence.sel $0xFFFF  }
0xc1: {  	[dreg:$0x0] =	wrdreg $0xFFFFFFFF;
	(pc) =	sbr.abs _section_cstart, $3  }
0xc2: {  	[dreg:$0x1] =	wrdreg $0xFFFFFFFF  }
0xc3: {  	_ =	task.clear_ibuf [dreg:s8], $0x2FFFF;
	_ =	strace $0x9FFFFFFF  }
0xc4: {  	(tm) =	ssettm $0x7FFFFFFF  }
0xc5: {  	_ =	shalt  }
tec
execute0_lowered:
.L_overlay_start_1:
0x0: {  	(tag) =	ssettag $0x1  }
0x1: {  	v0 =	vlaneseq.u32  }
0x2: {  	s0 =	rddreg [dreg:$0x0];
	v0 =	vmul.u32 $0x88, v0  }
0x3: {  	s2 =	rddreg [dreg:$0x1];
	v1 =	vimm.s32 $0x0;
	vm0 =	vcmask $0x300  }
0x4: {  	s1 =	rddreg [dreg:$0x2];
	v1 =	vsel vm0, $0x3, v1;
	v2 =	vadd.s32 $0x880, v0  }
0x5: {  	s3 =	srdreg.scid;
	s5 =	stileid.u32;
	s14 =	simm.s32 $0x80;
	v3 =	vadd.s32 $0x1100, v0;
	v4 =	vadd.s32 $0x1980, v0;
	v5 =	vor.u32 $0x1, v0  }
0x6: {  	s15 =	simm.s32 $0x6400;
	s16 =	simm.s32 $0x8400;
	s18 =	simm.s32 $0xA400;
	v6 =	vadd.s32 $0x881, v0;
	v7 =	vadd.s32 $0x1101, v0;
	v8 =	vadd.s32 $0x1981, v0  }
0x7: {  	s19 =	simm.s32 $0x1;
	s21 =	simm.s32 $0xE400;
	s22 =	simm.s32 $0x2;
	v9 =	vor.u32 $0x2, v0;
	v10 =	vadd.s32 $0x882, v0;
	v11 =	vadd.s32 $0x1102, v0  }
0x8: {  	s23 =	simm.s32 $0x10600;
	s4 =	sand.u32 $0x1, s3;
	s3 =	simm.s32 $0x0;
	v12 =	vadd.s32 $0x1982, v0;
	v13 =	vor.u32 $0x3, v0;
	v14 =	vadd.s32 $0x883, v0  }
0x9: {  	s5 =	sshll.u32 s5, $0xB;
	s9 =	sadd.s32 $0x10000, s1;
	s6 =	sshll.u32 s4, $0xA;
	v15 =	vadd.s32 $0x1103, v0;
	v16 =	vadd.s32 $0x1983, v0;
	v17 =	vor.u32 $0x4, v0  }
0xa: {  	[smem:$0x7FF] =	sst s3;
	s7 =	ssub.s32 $0x2, s4;
	s4 =	sor.u32 s6, s5;
	v18 =	vadd.s32 $0x884, v0;
	v19 =	vadd.s32 $0x1104, v0;
	v20 =	vadd.s32 $0x1984, v0  }
0xb: {  	_ =	strace $0x80000047;
	s29 =	sshrl.u32 s7, $0x1;
	v21 =	vor.u32 $0x5, v0;
	v22 =	vadd.s32 $0x885, v0;
	v23 =	vadd.s32 $0x1105, v0;
	s8 =	sshrl.u32 s4, $0x3  }
0xc: {  	s5 =	sadd.s32 $0x400, s2;
	v24 =	vadd.s32 $0x1985, v0;
	v25 =	vor.u32 $0x6, v0;
	v26 =	vadd.s32 $0x886, v0;
	s30 =	ssub.s32 s7, s29;
	s0 =	sadd.s32 s0, s8  }
0xd: {  	v27 =	vadd.s32 $0x1106, v0;
	v28 =	vadd.s32 $0x1986, v0;
	v29 =	vor.u32 $0x7, v0;
	s2 =	simm.s32 $0x0;
	s31 =	smax.u32 s30, $0x1;
	[dreg:$0x4] =	wrdreg s0  }
0xe: {  	v30 =	vadd.s32 $0x887, v0;
	v31 =	vadd.s32 $0x1107, v0;
	v32 =	vadd.s32 $0x1987, v0;
	s13 =	sadd.s32 s1, s8;
	s8 =	sadd.s32 $0x8000, s1;
	[dreg:$0x5] =	wrdreg s31  }
.LBB2_1:
0xf: {  	s0 =	rddreg [dreg:$0x4];
	s26 =	simm.s32 $0x400;
	s6 =	simm.s32 $0x8000  }
0x10: {  	[tilespmem:s3], [sflag:$0x3] =	stream.strided.gather [hbm4b:s0+s26], $0x6400, s6, s26, $0x38;
	[tilespmem:$0x12800] =	vst v63  }
0x11: {  	[dreg:$0x6] =	wrdreg s2;
	s6 =	simm.s32 $0x3  }
0x12: {  	_ =	swait.ge [sflag:s6], $0x6400  }
0x13: {  	[sflag:s6] =	ssyncset.done $0x0  }
0x14: {  	[sflag:s6] =	ssyncadd.s32 $0xFFFF9C00  }
0x15: {  	[tilespmem:s15], [sflag:$0x1] =	stream.indirect.gather [hbm4b:s5+s14], $0x40, s3, s14, $0xb8;
	[tilespmem:$0x12800] =	vst v63  }
0x16: {  	_ = 	snop  }
0x17: {  	[tilespmem:s16], [sflag:$0x1] =	stream.indirect.gather [hbm4b:s5+s14], $0x40, s14, s14, $0xb8;
	[tilespmem:$0x12800] =	vst v63  }
0x18: {  	s7 =	simm.s32 $0x100  }
0x19: {  	[tilespmem:s18], [sflag:$0x1] =	stream.indirect.gather [hbm4b:s5+s14], $0x40, s7, s14, $0xb8;
	[tilespmem:$0x12800] =	vst v63  }
0x1a: {  	s10 =	simm.s32 $0xE400  }
0x1b: {  	[hbm4b:s13+s3] =	stream.linear.scatter [tilespmem:s10], [sflag:$0x2], $0x80, $0x38;
	[tilespmem:$0x12800] =	vst v63  }
0x1c: {  	s11 =	simm.s32 $0xE488;
	s12 =	simm.s32 $0xE510;
	s26 =	sadd.s32 $0x10, s13  }
0x1d: {  	[hbm4b:s26+s3] =	stream.linear.scatter [tilespmem:s11], [sflag:$0x2], $0x80, $0x38;
	[tilespmem:$0x12800] =	vst v63  }
0x1e: {  	s28 =	sadd.s32 $0x20, s13;
	s17 =	simm.s32 $0xE598;
	s29 =	sadd.s32 $0x30, s13  }
0x1f: {  	[hbm4b:s28+s3] =	stream.linear.scatter [tilespmem:s12], [sflag:$0x2], $0x80, $0x38;
	[tilespmem:$0x12800] =	vst v63  }
0x20: {  	s20 =	simm.s32 $0xE620;
	s30 =	sadd.s32 $0x40, s13;
	s2 =	simm.s32 $0x440  }
0x21: {  	[hbm4b:s29+s3] =	stream.linear.scatter [tilespmem:s17], [sflag:$0x2], $0x80, $0x38;
	[tilespmem:$0x12800] =	vst v63  }
0x22: {  	s24 =	simm.s32 $0xE6A8;
	s31 =	sadd.s32 $0x50, s13;
	s25 =	simm.s32 $0xE730  }
0x23: {  	[hbm4b:s30+s3] =	stream.linear.scatter [tilespmem:s20], [sflag:$0x2], $0x80, $0x38;
	[tilespmem:$0x12800] =	vst v63  }
0x24: {  	s0 =	sadd.s32 $0x1000, s13;
	s6 =	simm.s32 $0x2200;
	s10 =	sadd.s32 $0x60, s13  }
0x25: {  	[hbm4b:s31+s3] =	stream.linear.scatter [tilespmem:s24], [sflag:$0x2], $0x80, $0x38;
	[tilespmem:$0x12800] =	vst v63  }
0x26: {  	s11 =	simm.s32 $0xE7B8;
	s12 =	simm.s32 $0x0;
	s17 =	sadd.s32 $0x10, s0  }
0x27: {  	[hbm4b:s10+s3] =	stream.linear.scatter [tilespmem:s25], [sflag:$0x2], $0x80, $0x38;
	[tilespmem:$0x12800] =	vst v63  }
0x28: {  	s20 =	smov.u32 s13;
	s10 =	sadd.s32 $0x70, s13;
	s25 =	simm.s32 $0x0  }
.LBB2_2:
0x29: {  	[hbm4b:s10+s12] =	stream.linear.scatter [tilespmem:s11], [sflag:$0x2], $0x80, $0x38;
	[tilespmem:$0x12800] =	vst v63  }
0x2a: {  	s10 =	smov.u32 s2;
	s2 =	smov.u32 s6;
	s13 =	smov.u32 s0  }
0x2b: {  	s11 =	sadd.s32 $0xE400, s10;
	s12 =	sadd.s32 $0xE488, s10;
	s24 =	sadd.s32 $0xE598, s10  }
0x2c: {  	[hbm4b:s0+s25] =	stream.linear.scatter [tilespmem:s11], [sflag:$0x2], $0x80, $0x38;
	[tilespmem:$0x12800] =	vst v63  }
0x2d: {  	s7 =	sadd.s32 $0x1100, s6;
	s2 =	sshra.s32 s2, $0x2;
	s11 =	sadd.s32 $0xE7B8, s10  }
0x2e: {  	[hbm4b:s17+s25] =	stream.linear.scatter [tilespmem:s12], [sflag:$0x2], $0x80, $0x38;
	[tilespmem:$0x12800] =	vst v63  }
0x2f: {  	p0 =	sne.s32 s6, $0x7700;
	s6 =	sadd.s32 $0xE510, s10;
	s12 =	sadd.s32 $0x20, s0  }
0x30: {  	[hbm4b:s12+s25] =	stream.linear.scatter [tilespmem:s6], [sflag:$0x2], $0x80, $0x38;
	[tilespmem:$0x12800] =	vst v63  }
0x31: {  	s6 =	sadd.s32 $0x30, s0;
	s12 =	smov.u32 s25  }
0x32: {  	[hbm4b:s6+s12] =	stream.linear.scatter [tilespmem:s24], [sflag:$0x2], $0x80, $0x38;
	[tilespmem:$0x12800] =	vst v63  }
0x33: {  	s17 =	sadd.s32 $0x40, s0;
	s25 =	simm.s32 $0x0;
	s6 =	sadd.s32 $0xE620, s10  }
0x34: {  	[hbm4b:s17+s12] =	stream.linear.scatter [tilespmem:s6], [sflag:$0x2], $0x80, $0x38;
	[tilespmem:$0x12800] =	vst v63  }
.Ltmp0:
0x35: {  	s6 =	sadd.s32 $0xE6A8, s10;
	s17 =	sadd.s32 $0x50, s0;
	(pc) =	sbr.rel @p0 .LBB2_2-.Ltmp0, $4  }
0x36: {  	[hbm4b:s17+s12] =	stream.linear.scatter [tilespmem:s6], [sflag:$0x2], $0x80, $0x38;
	[tilespmem:$0x12800] =	vst v63  }
0x37: {  	s0 =	sadd.s32 $0x1000, s0;
	s6 =	sadd.s32 $0xE730, s10;
	s10 =	sadd.s32 $0x60, s13  }
0x38: {  	[hbm4b:s10+s12] =	stream.linear.scatter [tilespmem:s6], [sflag:$0x2], $0x80, $0x38;
	[tilespmem:$0x12800] =	vst v63  }
0x39: {  	s17 =	sadd.s32 $0x10, s0;
	s10 =	sadd.s32 $0x70, s13;
	s6 =	smov.u32 s7  }
0x3a: {  	[hbm4b:s10+s12] =	stream.linear.scatter [tilespmem:s11], [sflag:$0x2], $0x80, $0x38;
	[tilespmem:$0x12800] =	vst v63  }
0x3b: {  	s6 =	sadd.s32 $0xE400, s2  }
0x3c: {  	[hbm4b:s0+s25] =	stream.linear.scatter [tilespmem:s6], [sflag:$0x2], $0x80, $0x38;
	[tilespmem:$0x12800] =	vst v63  }
0x3d: {  	s12 =	sadd.s32 $0xE488, s2  }
0x3e: {  	[hbm4b:s17+s25] =	stream.linear.scatter [tilespmem:s12], [sflag:$0x2], $0x80, $0x38;
	[tilespmem:$0x12800] =	vst v63  }
0x3f: {  	s13 =	sadd.s32 $0xE510, s2;
	s7 =	sadd.s32 $0x20, s0  }
0x40: {  	[hbm4b:s7+s25] =	stream.linear.scatter [tilespmem:s13], [sflag:$0x2], $0x80, $0x38;
	[tilespmem:$0x12800] =	vst v63  }
0x41: {  	s24 =	sadd.s32 $0x30, s0;
	s17 =	sadd.s32 $0xE598, s2  }
0x42: {  	[hbm4b:s24+s25] =	stream.linear.scatter [tilespmem:s17], [sflag:$0x2], $0x80, $0x38;
	[tilespmem:$0x12800] =	vst v63  }
0x43: {  	s10 =	sadd.s32 $0xE620, s2;
	s11 =	sadd.s32 $0x40, s0  }
0x44: {  	[hbm4b:s11+s25] =	stream.linear.scatter [tilespmem:s10], [sflag:$0x2], $0x80, $0x38;
	[tilespmem:$0x12800] =	vst v63  }
0x45: {  	s12 =	sadd.s32 $0xE6A8, s2;
	s13 =	sadd.s32 $0x50, s0  }
0x46: {  	[hbm4b:s13+s25] =	stream.linear.scatter [tilespmem:s12], [sflag:$0x2], $0x80, $0x38;
	[tilespmem:$0x12800] =	vst v63  }
0x47: {  	s17 =	sadd.s32 $0xE730, s2;
	s24 =	sadd.s32 $0x60, s0  }
0x48: {  	[hbm4b:s24+s25] =	stream.linear.scatter [tilespmem:s17], [sflag:$0x2], $0x80, $0x38;
	[tilespmem:$0x12800] =	vst v63  }
0x49: {  	s10 =	sadd.s32 $0xE7B8, s2;
	s11 =	sadd.s32 $0x70, s0  }
0x4a: {  	[hbm4b:s11+s25] =	stream.linear.scatter [tilespmem:s10], [sflag:$0x2], $0x80, $0x38;
	[tilespmem:$0x12800] =	vst v63  }
0x4b: {  	s12 =	simm.s32 $0x10600  }
0x4c: {  	[hbm4b:s20+s25] =	stream.linear.scatter [tilespmem:s12], [sflag:$0x2], $0x80, $0x38;
	[tilespmem:$0x12800] =	vst v63  }
0x4d: {  	s17 =	simm.s32 $0x10688  }
0x4e: {  	[hbm4b:s26+s25] =	stream.linear.scatter [tilespmem:s17], [sflag:$0x2], $0x80, $0x38;
	[tilespmem:$0x12800] =	vst v63  }
0x4f: {  	s24 =	simm.s32 $0x10710  }
0x50: {  	[hbm4b:s28+s25] =	stream.linear.scatter [tilespmem:s24], [sflag:$0x2], $0x80, $0x38;
	[tilespmem:$0x12800] =	vst v63  }
0x51: {  	s6 =	simm.s32 $0x2200;
	s26 =	simm.s32 $0x10798  }
0x52: {  	[hbm4b:s29+s25] =	stream.linear.scatter [tilespmem:s26], [sflag:$0x2], $0x80, $0x38;
	[tilespmem:$0x12800] =	vst v63  }
0x53: {  	s0 =	simm.s32 $0x440;
	s2 =	sadd.s32 $0x1000, s20;
	s28 =	simm.s32 $0x10820  }
0x54: {  	[hbm4b:s30+s25] =	stream.linear.scatter [tilespmem:s28], [sflag:$0x2], $0x80, $0x38;
	[tilespmem:$0x12800] =	vst v63  }
0x55: {  	s13 =	smov.u32 s20;
	s11 =	simm.s32 $0x109B8;
	s29 =	simm.s32 $0x108A8  }
0x56: {  	[hbm4b:s31+s25] =	stream.linear.scatter [tilespmem:s29], [sflag:$0x2], $0x80, $0x38;
	[tilespmem:$0x12800] =	vst v63  }
0x57: {  	s10 =	sadd.s32 $0x70, s20;
	s30 =	simm.s32 $0x10930;
	s31 =	sadd.s32 $0x60, s20  }
0x58: {  	[hbm4b:s31+s25] =	stream.linear.scatter [tilespmem:s30], [sflag:$0x2], $0x80, $0x38;
	[tilespmem:$0x12800] =	vst v63  }
.LBB2_4:
0x59: {  	[hbm4b:s10+s25] =	stream.linear.scatter [tilespmem:s11], [sflag:$0x2], $0x80, $0x38;
	[tilespmem:$0x12800] =	vst v63  }
0x5a: {  	s7 =	smov.u32 s0;
	s0 =	smov.u32 s6  }
0x5b: {  	s12 =	sadd.s32 $0x1100, s6;
	s0 =	sshra.s32 s0, $0x2;
	s10 =	sadd.s32 $0x10600, s7  }
0x5c: {  	[hbm4b:s2+s25] =	stream.linear.scatter [tilespmem:s10], [sflag:$0x2], $0x80, $0x38;
	[tilespmem:$0x12800] =	vst v63  }
0x5d: {  	p0 =	sne.s32 s6, $0x7700;
	s6 =	sadd.s32 $0x10688, s7;
	s10 =	sadd.s32 $0x10, s2  }
0x5e: {  	[hbm4b:s10+s25] =	stream.linear.scatter [tilespmem:s6], [sflag:$0x2], $0x80, $0x38;
	[tilespmem:$0x12800] =	vst v63  }
0x5f: {  	s6 =	sadd.s32 $0x10710, s7;
	s10 =	sadd.s32 $0x20, s2  }
0x60: {  	[hbm4b:s10+s25] =	stream.linear.scatter [tilespmem:s6], [sflag:$0x2], $0x80, $0x38;
	[tilespmem:$0x12800] =	vst v63  }
0x61: {  	s6 =	sadd.s32 $0x10798, s7;
	s10 =	sadd.s32 $0x30, s2  }
0x62: {  	[hbm4b:s10+s25] =	stream.linear.scatter [tilespmem:s6], [sflag:$0x2], $0x80, $0x38;
	[tilespmem:$0x12800] =	vst v63  }
0x63: {  	s6 =	sadd.s32 $0x10820, s7;
	s10 =	sadd.s32 $0x40, s2  }
0x64: {  	[hbm4b:s10+s25] =	stream.linear.scatter [tilespmem:s6], [sflag:$0x2], $0x80, $0x38;
	[tilespmem:$0x12800] =	vst v63  }
.Ltmp1:
0x65: {  	s6 =	sadd.s32 $0x108A8, s7;
	s10 =	sadd.s32 $0x50, s2;
	(pc) =	sbr.rel @p0 .LBB2_4-.Ltmp1, $4  }
0x66: {  	[hbm4b:s10+s25] =	stream.linear.scatter [tilespmem:s6], [sflag:$0x2], $0x80, $0x38;
	[tilespmem:$0x12800] =	vst v63  }
0x67: {  	s11 =	sadd.s32 $0x109B8, s7;
	s6 =	sadd.s32 $0x10930, s7;
	s10 =	sadd.s32 $0x60, s2  }
0x68: {  	[hbm4b:s10+s25] =	stream.linear.scatter [tilespmem:s6], [sflag:$0x2], $0x80, $0x38;
	[tilespmem:$0x12800] =	vst v63  }
0x69: {  	s10 =	sadd.s32 $0x70, s2;
	s2 =	sadd.s32 $0x1000, s2;
	s6 =	smov.u32 s12  }
0x6a: {  	[hbm4b:s10+s25] =	stream.linear.scatter [tilespmem:s11], [sflag:$0x2], $0x80, $0x38;
	[tilespmem:$0x12800] =	vst v63  }
0x6b: {  	s6 =	sadd.s32 $0x10600, s0  }
0x6c: {  	[hbm4b:s2+s25] =	stream.linear.scatter [tilespmem:s6], [sflag:$0x2], $0x80, $0x38;
	[tilespmem:$0x12800] =	vst v63  }
0x6d: {  	s31 =	sadd.s32 $0x10688, s0;
	s7 =	sadd.s32 $0x10, s2  }
0x6e: {  	[hbm4b:s7+s25] =	stream.linear.scatter [tilespmem:s31], [sflag:$0x2], $0x80, $0x38;
	[tilespmem:$0x12800] =	vst v63  }
0x6f: {  	s10 =	sadd.s32 $0x20, s2;
	s7 =	sadd.s32 $0x10710, s0  }
0x70: {  	[hbm4b:s10+s25] =	stream.linear.scatter [tilespmem:s7], [sflag:$0x2], $0x80, $0x38;
	[tilespmem:$0x12800] =	vst v63  }
0x71: {  	s11 =	sadd.s32 $0x10798, s0;
	s12 =	sadd.s32 $0x30, s2  }
0x72: {  	[hbm4b:s12+s25] =	stream.linear.scatter [tilespmem:s11], [sflag:$0x2], $0x80, $0x38;
	[tilespmem:$0x12800] =	vst v63  }
0x73: {  	s17 =	sadd.s32 $0x10820, s0;
	s20 =	sadd.s32 $0x40, s2  }
0x74: {  	[hbm4b:s20+s25] =	stream.linear.scatter [tilespmem:s17], [sflag:$0x2], $0x80, $0x38;
	[tilespmem:$0x12800] =	vst v63  }
0x75: {  	s24 =	sadd.s32 $0x108A8, s0;
	s26 =	sadd.s32 $0x50, s2  }
0x76: {  	[hbm4b:s26+s25] =	stream.linear.scatter [tilespmem:s24], [sflag:$0x2], $0x80, $0x38;
	[tilespmem:$0x12800] =	vst v63  }
0x77: {  	s28 =	sadd.s32 $0x10930, s0;
	s29 =	sadd.s32 $0x60, s2  }
0x78: {  	[hbm4b:s29+s25] =	stream.linear.scatter [tilespmem:s28], [sflag:$0x2], $0x80, $0x38;
	[tilespmem:$0x12800] =	vst v63  }
0x79: {  	s30 =	sadd.s32 $0x109B8, s0;
	s31 =	sadd.s32 $0x70, s2;
	s17 =	simm.s32 $0xC400  }
0x7a: {  	[hbm4b:s31+s25] =	stream.linear.scatter [tilespmem:s30], [sflag:$0x2], $0x80, $0x38;
	[tilespmem:$0x12800] =	vst v63  }
.LBB2_6:
0x7b: {  	s0 =	simm.s32 $0x0;
	s31 =	simm.s32 $0x1;
	s2 =	simm.s32 $0x2  }
0x7c: {  	s6 =	simm.s32 $0x3;
	s10 =	simm.s32 $0x7;
	s12 =	simm.s32 $0x5;
	v33 =	vmov s0;
	v34 =	vmov s31;
	v35 =	vmov s2  }
0x7d: {  	v36 =	vmov s6;
	s6 =	simm.s32 $0x4;
	v38 =	vmov s10;
	v39 =	vmov s12  }
0x7e: {  	s26 =	sshllo.u32 s25, $0x2;
	s31 =	simm.s32 $0x6;
	v33 =	vshrl.u32 v33, $0x3;
	v37 =	vmov s6;
	v38 =	vshrl.u32 v38, $0x3  }
0x7f: {  	_ =	swait.ge [sflag:s19], $0x2000;
	s7 =	sshll.u32 s25, $0x9;
	s11 =	sshll.u32 s26, $0x7;
	v40 =	vmov s31;
	v34 =	vshrl.u32 v34, $0x3;
	v35 =	vshrl.u32 v35, $0x3  }
0x80: {  	[sflag:s19] =	ssyncset.done $0x0;
	s24 =	sand.u32 $0x7C00, s7;
	s20 =	sand.u32 $0x380, s11;
	v36 =	vshrl.u32 v36, $0x3;
	v55 =	vshrl.u32 v39, $0x3;
	v38 =	vshll.u32 v38, v1  }
0x81: {  	s29 =	simm.s32 $0x6500;
	[sflag:s19] =	ssyncadd.s32 $0xFFFFE000;
	v33 =	vshll.u32 v33, v1;
	s2 =	sor.u32 s20, s24;
	v37 =	vshrl.u32 v37, $0x3;
	v38 =	vbroadcast v38, $0x0  }
0x82: {  	v34 =	vshll.u32 v34, v1;
	v51 =	vshll.u32 v35, v1;
	[tilespmem:s17], [sflag:$0x1] =	stream.indirect.gather [hbm4b:s5+s14], $0x40, s2, s14, $0xb8;
	v33 =	vbroadcast v33, $0x0;
	[tilespmem:$0x12800] =	vst v63  }
0x83: {  	v52 =	vshll.u32 v36, v1;
	v47 =	vbroadcast v34, $0x0;
	v41 =	vld [tilespmem:s29+$0xC0];
	v42 =	vadd.s32 v29, v38  }
0x84: {  	v36 =	vshll.u32 v55, v1;
	v53 =	vbroadcast v51, $0x0;
	v43 =	vld [tilespmem:s29+$0xFFFFFF00];
	v44 =	vadd.s32 v0, v33  }
0x85: {  	v40 =	vshrl.u32 v40, $0x3;
	v35 =	vbroadcast v52, $0x0;
	v45 =	vld [tilespmem:s29+$0xFFFFFF40];
	v46 =	vadd.s32 v5, v47  }
0x86: {  	v54 =	vshll.u32 v37, v1;
	v37 =	vbroadcast v36, $0x0;
	v48 =	vld [tilespmem:s29+$0xFFFFFF80];
	v49 =	vadd.s32 v9, v53  }
0x87: {  	v56 =	vshll.u32 v40, v1;
	v34 =	vbroadcast v54, $0x0;
	v39 =	vld [tilespmem:s29+$0xFFFFFFC0];
	v50 =	vadd.s32 v13, v35  }
0x88: {  	v36 =	vbroadcast v56, $0x0;
	v59 =	vld [tilespmem:s29+$0x40];
	v60 =	vadd.s32 v21, v37;
	[tilespmem:v42+s21+$0x0] =	vst.idx.msk $0xffff, v41  }
0x89: {  	v51 =	vld [tilespmem:s29+$0x0];
	v52 =	vadd.s32 v17, v34;
	[tilespmem:v44+s21+$0x0] =	vst.idx.msk $0xffff, v43  }
0x8a: {  	v61 =	vld [tilespmem:s29+$0x80];
	v62 =	vadd.s32 v25, v36;
	[tilespmem:v46+s21+$0x0] =	vst.idx.msk $0xffff, v45  }
0x8b: {  	v58 =	vadd.s32 v30, v38;
	[tilespmem:v49+s21+$0x0] =	vst.idx.msk $0xffff, v48;
	v57 =	vld [tilespmem:s29+$0xD0]  }
0x8c: {  	v63 =	vadd.s32 v6, v47;
	[tilespmem:v50+s21+$0x0] =	vst.idx.msk $0xffff, v39;
	v46 =	vld [tilespmem:s29+$0xFFFFFF50]  }
0x8d: {  	v55 =	vadd.s32 v10, v53;
	[tilespmem:v60+s21+$0x0] =	vst.idx.msk $0xffff, v59;
	v54 =	vld [tilespmem:s29+$0xFFFFFF90]  }
0x8e: {  	v56 =	vadd.s32 v14, v35;
	[tilespmem:v52+s21+$0x0] =	vst.idx.msk $0xffff, v51;
	v50 =	vld [tilespmem:s29+$0xFFFFFFD0]  }
0x8f: {  	v45 =	vadd.s32 v22, v37;
	[tilespmem:v62+s21+$0x0] =	vst.idx.msk $0xffff, v61;
	v44 =	vld [tilespmem:s29+$0x50]  }
0x90: {  	v59 =	vadd.s32 v18, v34;
	[tilespmem:v58+s21+$0x0] =	vst.idx.msk $0xffff, v57;
	v58 =	vld [tilespmem:s29+$0x10]  }
0x91: {  	v57 =	vadd.s32 v31, v38;
	[tilespmem:v63+s21+$0x0] =	vst.idx.msk $0xffff, v46;
	v40 =	vld [tilespmem:s29+$0xE0]  }
0x92: {  	v60 =	vadd.s32 v26, v36;
	[tilespmem:v55+s21+$0x0] =	vst.idx.msk $0xffff, v54;
	v63 =	vld [tilespmem:s29+$0x90]  }
0x93: {  	v61 =	vld [tilespmem:s29+$0xFFFFFF10];
	v62 =	vadd.s32 v2, v33;
	[tilespmem:v56+s21+$0x0] =	vst.idx.msk $0xffff, v50  }
0x94: {  	v51 =	vadd.s32 v7, v47;
	[tilespmem:v45+s21+$0x0] =	vst.idx.msk $0xffff, v44;
	v50 =	vld [tilespmem:s29+$0xFFFFFF60]  }
0x95: {  	v56 =	vadd.s32 v11, v53;
	v55 =	vld [tilespmem:s29+$0xFFFFFFA0];
	[tilespmem:v59+s21+$0x0] =	vst.idx.msk $0xffff, v58  }
0x96: {  	v58 =	vadd.s32 v15, v35;
	[tilespmem:v57+s21+$0x0] =	vst.idx.msk $0xffff, v40;
	v57 =	vld [tilespmem:s29+$0xFFFFFFE0]  }
0x97: {  	[tilespmem:v60+s21+$0x0] =	vst.idx.msk $0xffff, v63;
	v60 =	vadd.s32 v19, v34;
	v59 =	vld [tilespmem:s29+$0x20]  }
0x98: {  	v38 =	vadd.s32 v32, v38;
	[tilespmem:v62+s21+$0x0] =	vst.idx.msk $0xffff, v61;
	v54 =	vld [tilespmem:s29+$0xF0]  }
0x99: {  	s7 =	simm.s32 $0x8;
	s10 =	simm.s32 $0x9;
	v41 =	vadd.s32 v23, v37;
	v43 =	vadd.s32 v27, v36;
	[tilespmem:v51+s21+$0x0] =	vst.idx.msk $0xffff, v50;
	v40 =	vld [tilespmem:s29+$0x60]  }
0x9a: {  	s12 =	simm.s32 $0xB;
	s20 =	simm.s32 $0xC;
	v48 =	vadd.s32 v3, v33;
	v52 =	vmov s10;
	v63 =	vmov s7;
	v42 =	vld [tilespmem:s29+$0xA0];
	[tilespmem:v56+s21+$0x0] =	vst.idx.msk $0xffff, v55  }
0x9b: {  	s31 =	simm.s32 $0xE;
	v44 =	vmov s12;
	v46 =	vmov s20;
	v45 =	vld [tilespmem:s29+$0xFFFFFF20];
	v39 =	vshrl.u32 v63, $0x3;
	[tilespmem:v58+s21+$0x0] =	vst.idx.msk $0xffff, v57  }
0x9c: {  	s11 =	simm.s32 $0xA;
	s24 =	simm.s32 $0xD;
	v51 =	vadd.s32 v8, v47;
	v49 =	vld [tilespmem:s29+$0xFFFFFF70];
	v47 =	vshll.u32 v39, v1;
	v39 =	vmov s31;
	[tilespmem:v60+s21+$0x0] =	vst.idx.msk $0xffff, v59  }
0x9d: {  	s28 =	sshll.u32 s25, $0x2;
	s30 =	simm.s32 $0x10;
	s0 =	simm.s32 $0xF;
	v53 =	vadd.s32 v12, v53;
	v50 =	vld [tilespmem:s29+$0xFFFFFFB0];
	[tilespmem:v38+s21+$0x0] =	vst.idx.msk $0xffff, v54;
	v54 =	vmov s11;
	v38 =	vmov s24  }
.LBB2_7:
0x9e: {  	p0 =	slt.u32 s30, $0x78;
	v52 =	vshrl.u32 v52, $0x3;
	v55 =	vmov s0;
	v56 =	vld [tilespmem:s29+$0xFFFFFFF0];
	v35 =	vadd.s32 v16, v35;
	[tilespmem:v41+s21+$0x0] =	vst.idx.msk $0xffff, v40  }
0x9f: {  	v40 =	vshrl.u32 v54, $0x3;
	v34 =	vadd.s32 v20, v34;
	v41 =	vshrl.u32 v55, $0x3;
	v54 =	vld [tilespmem:s29+$0x30];
	[tilespmem:v43+s21+$0x0] =	vst.idx.msk $0xffff, v42  }
0xa0: {  	v37 =	vadd.s32 v24, v37;
	v42 =	vshrl.u32 v44, $0x3;
	v41 =	vshll.u32 v41, v1;
	[tilespmem:v48+s21+$0x0] =	vst.idx.msk $0xffff, v45;
	v43 =	vld [tilespmem:s29+$0x70]  }
0xa1: {  	v36 =	vadd.s32 v28, v36;
	v44 =	vshrl.u32 v46, $0x3;
	v41 =	vbroadcast v41, $0x0;
	[tilespmem:v51+s21+$0x0] =	vst.idx.msk $0xffff, v49;
	v45 =	vld [tilespmem:s29+$0xB0]  }
0xa2: {  	v46 =	vshll.u32 v52, v1;
	v49 =	vadd.s32 v4, v33;
	v33 =	vbroadcast v47, $0x0;
	v48 =	vld [tilespmem:s29+$0xFFFFFF30];
	[tilespmem:v53+s21+$0x0] =	vst.idx.msk $0xffff, v50;
	s29 =	sadd.s32 $0x200, s29  }
0xa3: {  	v40 =	vshll.u32 v40, v1;
	v47 =	vbroadcast v46, $0x0;
	v46 =	vld [tilespmem:s29+$0xC0];
	v50 =	vadd.s32 v29, v41;
	[tilespmem:v35+s21+$0x0] =	vst.idx.msk $0xffff, v56  }
0xa4: {  	v53 =	vbroadcast v40, $0x0;
	v52 =	vadd.s32 v0, v33;
	v35 =	vshll.u32 v42, v1;
	v51 =	vld [tilespmem:s29+$0xFFFFFF00];
	[tilespmem:v34+s21+$0x0] =	vst.idx.msk $0xffff, v54  }
0xa5: {  	v42 =	vadd.s32 v5, v47;
	v35 =	vbroadcast v35, $0x0;
	v34 =	vshll.u32 v44, v1;
	v40 =	vld [tilespmem:s29+$0xFFFFFF40];
	[tilespmem:v37+s21+$0x0] =	vst.idx.msk $0xffff, v43  }
0xa6: {  	v44 =	vadd.s32 v9, v53;
	v34 =	vbroadcast v34, $0x0;
	v37 =	vshrl.u32 v38, $0x3;
	v43 =	vld [tilespmem:s29+$0xFFFFFF80];
	[tilespmem:v36+s21+$0x0] =	vst.idx.msk $0xffff, v45  }
0xa7: {  	v39 =	vshrl.u32 v39, $0x3;
	v45 =	vadd.s32 v13, v35;
	v36 =	vshll.u32 v37, v1;
	v38 =	vld [tilespmem:s29+$0xFFFFFFC0];
	[tilespmem:v49+s21+$0x0] =	vst.idx.msk $0xffff, v48  }
0xa8: {  	v49 =	vadd.s32 v17, v34;
	v37 =	vbroadcast v36, $0x0;
	v36 =	vshll.u32 v39, v1;
	v48 =	vld [tilespmem:s29+$0x0];
	[tilespmem:v50+s21+$0x0] =	vst.idx.msk $0xffff, v46  }
0xa9: {  	v36 =	vbroadcast v36, $0x0;
	v46 =	vadd.s32 v30, v41;
	[tilespmem:v52+s21+$0x0] =	vst.idx.msk $0xffff, v51;
	v39 =	vld [tilespmem:s29+$0xD0]  }
0xaa: {  	[tilespmem:v42+s21+$0x0] =	vst.idx.msk $0xffff, v40;
	v40 =	vld [tilespmem:s29+$0x40];
	v42 =	vadd.s32 v21, v37  }
0xab: {  	[tilespmem:v44+s21+$0x0] =	vst.idx.msk $0xffff, v43;
	v43 =	vld [tilespmem:s29+$0x80];
	v44 =	vadd.s32 v25, v36  }
0xac: {  	v51 =	vadd.s32 v6, v47;
	v50 =	vld [tilespmem:s29+$0xFFFFFF50];
	[tilespmem:v45+s21+$0x0] =	vst.idx.msk $0xffff, v38  }
0xad: {  	v45 =	vadd.s32 v10, v53;
	v38 =	vld [tilespmem:s29+$0xFFFFFF90];
	[tilespmem:v49+s21+$0x0] =	vst.idx.msk $0xffff, v48  }
0xae: {  	v49 =	vadd.s32 v14, v35;
	v48 =	vld [tilespmem:s29+$0xFFFFFFD0];
	[tilespmem:v46+s21+$0x0] =	vst.idx.msk $0xffff, v39  }
0xaf: {  	[tilespmem:v42+s21+$0x0] =	vst.idx.msk $0xffff, v40;
	v39 =	vld [tilespmem:s29+$0xE0];
	v40 =	vadd.s32 v31, v41  }
0xb0: {  	v46 =	vadd.s32 v18, v34;
	v42 =	vld [tilespmem:s29+$0x10];
	[tilespmem:v44+s21+$0x0] =	vst.idx.msk $0xffff, v43  }
0xb1: {  	v44 =	vadd.s32 v22, v37;
	[tilespmem:v51+s21+$0x0] =	vst.idx.msk $0xffff, v50;
	v43 =	vld [tilespmem:s29+$0x50]  }
0xb2: {  	[tilespmem:v45+s21+$0x0] =	vst.idx.msk $0xffff, v38;
	v38 =	vld [tilespmem:s29+$0x90];
	v45 =	vadd.s32 v26, v36  }
0xb3: {  	v51 =	vadd.s32 v2, v33;
	v50 =	vld [tilespmem:s29+$0xFFFFFF10];
	[tilespmem:v49+s21+$0x0] =	vst.idx.msk $0xffff, v48  }
0xb4: {  	v49 =	vadd.s32 v7, v47;
	v48 =	vld [tilespmem:s29+$0xFFFFFF60];
	[tilespmem:v40+s21+$0x0] =	vst.idx.msk $0xffff, v39  }
0xb5: {  	[tilespmem:v46+s21+$0x0] =	vst.idx.msk $0xffff, v42;
	v39 =	vld [tilespmem:s29+$0xF0];
	v46 =	vadd.s32 v32, v41  }
0xb6: {  	v56 =	vadd.s32 v11, v53;
	v55 =	vld [tilespmem:s29+$0xFFFFFFA0];
	[tilespmem:v44+s21+$0x0] =	vst.idx.msk $0xffff, v43  }
0xb7: {  	v58 =	vadd.s32 v15, v35;
	v57 =	vld [tilespmem:s29+$0xFFFFFFE0];
	[tilespmem:v45+s21+$0x0] =	vst.idx.msk $0xffff, v38  }
0xb8: {  	v60 =	vadd.s32 v19, v34;
	[tilespmem:v51+s21+$0x0] =	vst.idx.msk $0xffff, v50;
	v59 =	vld [tilespmem:s29+$0x20]  }
.Ltmp2:
0xb9: {  	s0 =	sadd.s32 $0x1, s30;
	v41 =	vadd.s32 v23, v37;
	v38 =	vmov s30;
	[tilespmem:v49+s21+$0x0] =	vst.idx.msk $0xffff, v48;
	v40 =	vld [tilespmem:s29+$0x60];
	(pc) =	sbr.rel @p0 .LBB2_7-.Ltmp2, $4  }
0xba: {  	s2 =	sadd.s32 $0x3, s30;
	v52 =	vmov s0;
	s0 =	sadd.s32 $0x2, s30;
	v43 =	vadd.s32 v27, v36;
	v50 =	vshrl.u32 v38, $0x3;
	v42 =	vld [tilespmem:s29+$0xA0];
	[tilespmem:v46+s21+$0x0] =	vst.idx.msk $0xffff, v39  }
0xbb: {  	v54 =	vmov s0;
	s0 =	sadd.s32 $0x4, s30;
	v44 =	vmov s2;
	s2 =	sadd.s32 $0x5, s30;
	v48 =	vadd.s32 v3, v33;
	v45 =	vld [tilespmem:s29+$0xFFFFFF20];
	[tilespmem:v56+s21+$0x0] =	vst.idx.msk $0xffff, v55  }
0xbc: {  	v38 =	vmov s2;
	v51 =	vadd.s32 v8, v47;
	v46 =	vmov s0;
	s0 =	sadd.s32 $0x6, s30;
	v49 =	vld [tilespmem:s29+$0xFFFFFF70];
	[tilespmem:v58+s21+$0x0] =	vst.idx.msk $0xffff, v57  }
0xbd: {  	v53 =	vadd.s32 v12, v53;
	v47 =	vshll.u32 v50, v1;
	v39 =	vmov s0;
	s0 =	sadd.s32 $0x7, s30;
	s30 =	sadd.s32 $0x8, s30;
	v50 =	vld [tilespmem:s29+$0xFFFFFFB0];
	[tilespmem:v60+s21+$0x0] =	vst.idx.msk $0xffff, v59  }
0xbe: {  	_ =	sdelay $0x2  }
0xbf: {  	v52 =	vshrl.u32 v52, $0x3  }
0xc0: {  	v55 =	vmov s0;
	v56 =	vld [tilespmem:s29+$0xFFFFFFF0];
	v35 =	vadd.s32 v16, v35;
	[tilespmem:v41+s21+$0x0] =	vst.idx.msk $0xffff, v40;
	v57 =	vshrl.u32 v54, $0x3  }
0xc1: {  	v59 =	vld [tilespmem:s29+$0x30];
	v34 =	vadd.s32 v20, v34;
	v60 =	vshrl.u32 v44, $0x3;
	v58 =	vshrl.u32 v55, $0x3;
	[tilespmem:v43+s21+$0x0] =	vst.idx.msk $0xffff, v42  }
0xc2: {  	v37 =	vadd.s32 v24, v37;
	v62 =	vshrl.u32 v46, $0x3;
	v61 =	vld [tilespmem:s29+$0x70];
	v41 =	vshll.u32 v58, v1;
	[tilespmem:v48+s21+$0x0] =	vst.idx.msk $0xffff, v45  }
0xc3: {  	v36 =	vadd.s32 v28, v36;
	v46 =	vbroadcast v47, $0x0;
	v63 =	vld [tilespmem:s29+$0xB0];
	v41 =	vbroadcast v41, $0x0;
	[tilespmem:v51+s21+$0x0] =	vst.idx.msk $0xffff, v49  }
0xc4: {  	v33 =	vadd.s32 v4, v33;
	v38 =	vshrl.u32 v38, $0x3;
	v55 =	vshll.u32 v52, v1;
	v48 =	vld [tilespmem:s29+$0xFFFFFF30];
	s29 =	sadd.s32 $0x200, s29;
	[tilespmem:v53+s21+$0x0] =	vst.idx.msk $0xffff, v50  }
0xc5: {  	v40 =	vshll.u32 v57, v1;
	v47 =	vbroadcast v55, $0x0;
	v49 =	vld [tilespmem:s29+$0xC0];
	v50 =	vadd.s32 v29, v41;
	[tilespmem:v35+s21+$0x0] =	vst.idx.msk $0xffff, v56  }
0xc6: {  	v42 =	vshll.u32 v60, v1;
	v40 =	vbroadcast v40, $0x0;
	v35 =	vld [tilespmem:s29+$0xFFFFFF00];
	v56 =	vadd.s32 v0, v46;
	[tilespmem:v34+s21+$0x0] =	vst.idx.msk $0xffff, v59  }
0xc7: {  	v44 =	vshll.u32 v62, v1;
	v42 =	vbroadcast v42, $0x0;
	v57 =	vld [tilespmem:s29+$0xFFFFFF40];
	v58 =	vadd.s32 v5, v47;
	[tilespmem:v37+s21+$0x0] =	vst.idx.msk $0xffff, v61  }
0xc8: {  	v38 =	vshll.u32 v38, v1;
	v44 =	vbroadcast v44, $0x0;
	v60 =	vadd.s32 v9, v40;
	v59 =	vld [tilespmem:s29+$0xFFFFFF80];
	[tilespmem:v36+s21+$0x0] =	vst.idx.msk $0xffff, v63  }
0xc9: {  	v38 =	vbroadcast v38, $0x0;
	v62 =	vadd.s32 v13, v42;
	v61 =	vld [tilespmem:s29+$0xFFFFFFC0];
	[tilespmem:v33+s21+$0x0] =	vst.idx.msk $0xffff, v48  }
0xca: {  	v39 =	vshrl.u32 v39, $0x3;
	v63 =	vadd.s32 v17, v44;
	v33 =	vld [tilespmem:s29+$0x0];
	[tilespmem:v50+s21+$0x0] =	vst.idx.msk $0xffff, v49  }
0xcb: {  	v39 =	vshll.u32 v39, v1;
	v34 =	vld [tilespmem:s29+$0x40];
	[tilespmem:v56+s21+$0x0] =	vst.idx.msk $0xffff, v35;
	v56 =	vadd.s32 v21, v38  }
0xcc: {  	[tilespmem:v58+s21+$0x0] =	vst.idx.msk $0xffff, v57;
	v35 =	vbroadcast v39, $0x0;
	v49 =	vadd.s32 v30, v41;
	v39 =	vld [tilespmem:s29+$0xD0]  }
0xcd: {  	[tilespmem:v60+s21+$0x0] =	vst.idx.msk $0xffff, v59;
	v59 =	vld [tilespmem:s29+$0xFFFFFF50];
	v60 =	vadd.s32 v6, v47  }
0xce: {  	v57 =	vld [tilespmem:s29+$0x80];
	[tilespmem:v62+s21+$0x0] =	vst.idx.msk $0xffff, v61;
	v58 =	vadd.s32 v25, v35  }
0xcf: {  	v61 =	vld [tilespmem:s29+$0xFFFFFF90];
	v62 =	vadd.s32 v10, v40;
	[tilespmem:v63+s21+$0x0] =	vst.idx.msk $0xffff, v33  }
0xd0: {  	v33 =	vld [tilespmem:s29+$0xFFFFFFD0];
	v63 =	vadd.s32 v14, v42;
	[tilespmem:v56+s21+$0x0] =	vst.idx.msk $0xffff, v34  }
0xd1: {  	v56 =	vadd.s32 v18, v44;
	[tilespmem:v49+s21+$0x0] =	vst.idx.msk $0xffff, v39;
	v49 =	vld [tilespmem:s29+$0x10]  }
0xd2: {  	[tilespmem:v60+s21+$0x0] =	vst.idx.msk $0xffff, v59;
	v39 =	vadd.s32 v31, v41;
	v34 =	vld [tilespmem:s29+$0xE0]  }
0xd3: {  	[tilespmem:v58+s21+$0x0] =	vst.idx.msk $0xffff, v57;
	v57 =	vld [tilespmem:s29+$0x50];
	v58 =	vadd.s32 v22, v38  }
0xd4: {  	[tilespmem:v62+s21+$0x0] =	vst.idx.msk $0xffff, v61;
	v61 =	vld [tilespmem:s29+$0xFFFFFF10];
	v62 =	vadd.s32 v2, v46  }
0xd5: {  	v60 =	vadd.s32 v26, v35;
	v59 =	vld [tilespmem:s29+$0x90];
	[tilespmem:v63+s21+$0x0] =	vst.idx.msk $0xffff, v33  }
0xd6: {  	v55 =	vadd.s32 v11, v40;
	v54 =	vadd.s32 v32, v41;
	v41 =	vld [tilespmem:s29+$0xFFFFFFA0];
	[tilespmem:v56+s21+$0x0] =	vst.idx.msk $0xffff, v49  }
0xd7: {  	v53 =	vadd.s32 v7, v47;
	v63 =	vld [tilespmem:s29+$0xFFFFFF60];
	[tilespmem:v39+s21+$0x0] =	vst.idx.msk $0xffff, v34  }
0xd8: {  	v56 =	vld [tilespmem:s29+$0xFFFFFFE0];
	[tilespmem:v58+s21+$0x0] =	vst.idx.msk $0xffff, v57;
	v57 =	vadd.s32 v15, v42  }
0xd9: {  	[tilespmem:v62+s21+$0x0] =	vst.idx.msk $0xffff, v61;
	v34 =	vld [tilespmem:s29+$0xF0]  }
0xda: {  	v58 =	vld [tilespmem:s29+$0x20];
	[tilespmem:v60+s21+$0x0] =	vst.idx.msk $0xffff, v59;
	v59 =	vadd.s32 v19, v44  }
0xdb: {  	v61 =	vadd.s32 v23, v38;
	[tilespmem:v55+s21+$0x0] =	vst.idx.msk $0xffff, v41;
	v60 =	vld [tilespmem:s29+$0x60]  }
0xdc: {  	[tilespmem:v53+s21+$0x0] =	vst.idx.msk $0xffff, v63;
	v63 =	vadd.s32 v27, v35;
	v62 =	vld [tilespmem:s29+$0xA0]  }
0xdd: {  	v47 =	vadd.s32 v8, v47;
	v55 =	vld [tilespmem:s29+$0xFFFFFF70];
	[tilespmem:v57+s21+$0x0] =	vst.idx.msk $0xffff, v56  }
0xde: {  	v53 =	vld [tilespmem:s29+$0xFFFFFF20];
	[tilespmem:v54+s21+$0x0] =	vst.idx.msk $0xffff, v34;
	v54 =	vadd.s32 v3, v46  }
0xdf: {  	v40 =	vadd.s32 v12, v40;
	v56 =	vld [tilespmem:s29+$0xFFFFFFB0];
	[tilespmem:v59+s21+$0x0] =	vst.idx.msk $0xffff, v58  }
0xe0: {  	v42 =	vadd.s32 v16, v42;
	v57 =	vld [tilespmem:s29+$0xFFFFFFF0];
	[tilespmem:v61+s21+$0x0] =	vst.idx.msk $0xffff, v60  }
0xe1: {  	v59 =	vadd.s32 v20, v44;
	v58 =	vld [tilespmem:s29+$0x30];
	[tilespmem:v63+s21+$0x0] =	vst.idx.msk $0xffff, v62  }
0xe2: {  	v38 =	vadd.s32 v24, v38;
	v60 =	vld [tilespmem:s29+$0x70];
	[tilespmem:v47+s21+$0x0] =	vst.idx.msk $0xffff, v55  }
0xe3: {  	v35 =	vadd.s32 v28, v35;
	v61 =	vld [tilespmem:s29+$0xB0];
	[tilespmem:v54+s21+$0x0] =	vst.idx.msk $0xffff, v53  }
0xe4: {  	v63 =	vadd.s32 v4, v46;
	[tilespmem:v40+s21+$0x0] =	vst.idx.msk $0xffff, v56;
	v62 =	vld [tilespmem:s29+$0xFFFFFF30]  }
0xe5: {  	[tilespmem:v42+s21+$0x0] =	vst.idx.msk $0xffff, v57  }
0xe6: {  	[tilespmem:v59+s21+$0x0] =	vst.idx.msk $0xffff, v58  }
0xe7: {  	[tilespmem:v38+s21+$0x0] =	vst.idx.msk $0xffff, v60  }
0xe8: {  	[tilespmem:v35+s21+$0x0] =	vst.idx.msk $0xffff, v61  }
0xe9: {  	s12 =	sshll.u32 s25, $0x14;
	[tilespmem:v63+s21+$0x0] =	vst.idx.msk $0xffff, v62  }
0xea: {  	s0 =	sor.u32 s4, s12;
	_ =	swait.ge [sflag:s22], $0x2000  }
0xeb: {  	s29 =	sshrl.u32 s0, $0x3;
	[sflag:s22] =	ssyncset.done $0x0  }
0xec: {  	s20 =	simm.s32 $0xE400;
	s2 =	sadd.s32 s1, s29;
	[sflag:s22] =	ssyncadd.s32 $0xFFFFE000  }
0xed: {  	[hbm4b:s2+s3] =	stream.linear.scatter [tilespmem:s20], [sflag:$0x2], $0x80, $0x38;
	[tilespmem:$0x12800] =	vst v63  }
0xee: {  	s24 =	simm.s32 $0xE488;
	s6 =	sadd.s32 $0x10, s2  }
0xef: {  	[hbm4b:s6+s3] =	stream.linear.scatter [tilespmem:s24], [sflag:$0x2], $0x80, $0x38;
	[tilespmem:$0x12800] =	vst v63  }
0xf0: {  	s30 =	simm.s32 $0xE510;
	s7 =	simm.s32 $0xE598;
	s31 =	sadd.s32 $0x20, s2  }
0xf1: {  	[hbm4b:s31+s3] =	stream.linear.scatter [tilespmem:s30], [sflag:$0x2], $0x80, $0x38;
	[tilespmem:$0x12800] =	vst v63  }
0xf2: {  	s11 =	simm.s32 $0xE620;
	s0 =	simm.s32 $0x440;
	s10 =	sadd.s32 $0x30, s2  }
0xf3: {  	[hbm4b:s10+s3] =	stream.linear.scatter [tilespmem:s7], [sflag:$0x2], $0x80, $0x38;
	[tilespmem:$0x12800] =	vst v63  }
0xf4: {  	s12 =	sadd.s32 $0x40, s2;
	s20 =	simm.s32 $0xE6A8;
	s24 =	sadd.s32 $0x50, s2  }
0xf5: {  	[hbm4b:s12+s3] =	stream.linear.scatter [tilespmem:s11], [sflag:$0x2], $0x80, $0x38;
	[tilespmem:$0x12800] =	vst v63  }
0xf6: {  	s6 =	simm.s32 $0x2200;
	s30 =	simm.s32 $0xE730;
	s31 =	sadd.s32 $0x60, s2  }
0xf7: {  	[hbm4b:s24+s3] =	stream.linear.scatter [tilespmem:s20], [sflag:$0x2], $0x80, $0x38;
	[tilespmem:$0x12800] =	vst v63  }
0xf8: {  	s10 =	sadd.s32 $0x70, s2;
	s2 =	sadd.s32 $0x1000, s2;
	s11 =	simm.s32 $0xE7B8  }
0xf9: {  	[hbm4b:s31+s3] =	stream.linear.scatter [tilespmem:s30], [sflag:$0x2], $0x80, $0x38;
	[tilespmem:$0x12800] =	vst v63  }
.LBB2_9:
0xfa: {  	[hbm4b:s10+s3] =	stream.linear.scatter [tilespmem:s11], [sflag:$0x2], $0x80, $0x38;
	[tilespmem:$0x12800] =	vst v63  }
0xfb: {  	s7 =	smov.u32 s0;
	s0 =	smov.u32 s6  }
0xfc: {  	s12 =	sadd.s32 $0x1100, s6;
	s0 =	sshra.s32 s0, $0x2;
	s10 =	sadd.s32 $0xE400, s7  }
0xfd: {  	[hbm4b:s2+s3] =	stream.linear.scatter [tilespmem:s10], [sflag:$0x2], $0x80, $0x38;
	[tilespmem:$0x12800] =	vst v63  }
0xfe: {  	p0 =	sne.s32 s6, $0x7700;
	s6 =	sadd.s32 $0xE488, s7;
	s10 =	sadd.s32 $0x10, s2  }
0xff: {  	[hbm4b:s10+s3] =	stream.linear.scatter [tilespmem:s6], [sflag:$0x2], $0x80, $0x38;
	[tilespmem:$0x12800] =	vst v63  }
0x100: {  	s6 =	sadd.s32 $0xE510, s7;
	s10 =	sadd.s32 $0x20, s2  }
0x101: {  	[hbm4b:s10+s3] =	stream.linear.scatter [tilespmem:s6], [sflag:$0x2], $0x80, $0x38;
	[tilespmem:$0x12800] =	vst v63  }
0x102: {  	s6 =	sadd.s32 $0xE598, s7;
	s10 =	sadd.s32 $0x30, s2  }
0x103: {  	[hbm4b:s10+s3] =	stream.linear.scatter [tilespmem:s6], [sflag:$0x2], $0x80, $0x38;
	[tilespmem:$0x12800] =	vst v63  }
0x104: {  	s6 =	sadd.s32 $0xE620, s7;
	s10 =	sadd.s32 $0x40, s2  }
0x105: {  	[hbm4b:s10+s3] =	stream.linear.scatter [tilespmem:s6], [sflag:$0x2], $0x80, $0x38;
	[tilespmem:$0x12800] =	vst v63  }
.Ltmp3:
0x106: {  	s6 =	sadd.s32 $0xE6A8, s7;
	s10 =	sadd.s32 $0x50, s2;
	(pc) =	sbr.rel @p0 .LBB2_9-.Ltmp3, $4  }
0x107: {  	[hbm4b:s10+s3] =	stream.linear.scatter [tilespmem:s6], [sflag:$0x2], $0x80, $0x38;
	[tilespmem:$0x12800] =	vst v63  }
0x108: {  	s11 =	sadd.s32 $0xE7B8, s7;
	s6 =	sadd.s32 $0xE730, s7;
	s10 =	sadd.s32 $0x60, s2  }
0x109: {  	[hbm4b:s10+s3] =	stream.linear.scatter [tilespmem:s6], [sflag:$0x2], $0x80, $0x38;
	[tilespmem:$0x12800] =	vst v63  }
0x10a: {  	s10 =	sadd.s32 $0x70, s2;
	s2 =	sadd.s32 $0x1000, s2;
	s6 =	smov.u32 s12  }
0x10b: {  	[hbm4b:s10+s3] =	stream.linear.scatter [tilespmem:s11], [sflag:$0x2], $0x80, $0x38;
	[tilespmem:$0x12800] =	vst v63  }
0x10c: {  	s6 =	sadd.s32 $0xE400, s0  }
0x10d: {  	[hbm4b:s2+s3] =	stream.linear.scatter [tilespmem:s6], [sflag:$0x2], $0x80, $0x38;
	[tilespmem:$0x12800] =	vst v63  }
0x10e: {  	s10 =	sadd.s32 $0xE488, s0;
	s7 =	sadd.s32 $0x10, s2  }
0x10f: {  	[hbm4b:s7+s3] =	stream.linear.scatter [tilespmem:s10], [sflag:$0x2], $0x80, $0x38;
	[tilespmem:$0x12800] =	vst v63  }
0x110: {  	s11 =	sadd.s32 $0xE510, s0;
	s12 =	sadd.s32 $0x20, s2;
	s20 =	sadd.s32 $0xE598, s0  }
0x111: {  	[hbm4b:s12+s3] =	stream.linear.scatter [tilespmem:s11], [sflag:$0x2], $0x80, $0x38;
	[tilespmem:$0x12800] =	vst v63  }
0x112: {  	s24 =	sadd.s32 $0x30, s2;
	s6 =	simm.s32 $0x3;
	s7 =	sadd.s32 $0xE620, s0  }
0x113: {  	[hbm4b:s24+s3] =	stream.linear.scatter [tilespmem:s20], [sflag:$0x2], $0x80, $0x38;
	[tilespmem:$0x12800] =	vst v63  }
0x114: {  	s10 =	sadd.s32 $0x40, s2;
	s11 =	sadd.s32 $0xE6A8, s0;
	s12 =	sadd.s32 $0x50, s2  }
0x115: {  	[hbm4b:s10+s3] =	stream.linear.scatter [tilespmem:s7], [sflag:$0x2], $0x80, $0x38;
	[tilespmem:$0x12800] =	vst v63  }
0x116: {  	s20 =	sadd.s32 $0xE730, s0;
	s24 =	sadd.s32 $0x60, s2;
	s10 =	sadd.s32 $0xE7B8, s0  }
0x117: {  	[hbm4b:s12+s3] =	stream.linear.scatter [tilespmem:s11], [sflag:$0x2], $0x80, $0x38;
	[tilespmem:$0x12800] =	vst v63  }
0x118: {  	v36 =	vmov s6;
	s7 =	simm.s32 $0x4;
	s11 =	sadd.s32 $0x70, s2;
	s12 =	simm.s32 $0x0  }
0x119: {  	v36 =	vshrl.u32 v36, $0x3;
	v37 =	vmov s7;
	[hbm4b:s24+s3] =	stream.linear.scatter [tilespmem:s20], [sflag:$0x2], $0x80, $0x38;
	[tilespmem:$0x12800] =	vst v63  }
0x11a: {  	v53 =	vshll.u32 v36, v1;
	v37 =	vshrl.u32 v37, $0x3;
	v33 =	vmov s12;
	s12 =	simm.s32 $0x5;
	s20 =	simm.s32 $0x1;
	s24 =	simm.s32 $0x2  }
0x11b: {  	v54 =	vshll.u32 v37, v1;
	v33 =	vshrl.u32 v33, $0x3;
	v39 =	vmov s12;
	[hbm4b:s11+s3] =	stream.linear.scatter [tilespmem:s10], [sflag:$0x2], $0x80, $0x38;
	[tilespmem:$0x12800] =	vst v63  }
0x11c: {  	v34 =	vmov s20;
	v35 =	vmov s24;
	v33 =	vshll.u32 v33, v1;
	s10 =	simm.s32 $0x7;
	s11 =	smin.u32 s28, $0xC3;
	_ =	swait.ge [sflag:s19], $0x2000  }
0x11d: {  	v55 =	vshrl.u32 v39, $0x3;
	v34 =	vshrl.u32 v34, $0x3;
	v38 =	vmov s10;
	s20 =	sshll.u32 s11, $0x7;
	[sflag:s19] =	ssyncset.done $0x0  }
0x11e: {  	s30 =	simm.s32 $0x85F0;
	v33 =	vbroadcast v33, $0x0;
	v34 =	vshll.u32 v34, v1;
	v38 =	vshrl.u32 v38, $0x3;
	s2 =	sadd.s32 $0x200, s20;
	[sflag:s19] =	ssyncadd.s32 $0xFFFFE000  }
0x11f: {  	v35 =	vshrl.u32 v35, $0x3;
	v45 =	vbroadcast v34, $0x0;
	v38 =	vshll.u32 v38, v1;
	[tilespmem:s15], [sflag:$0x1] =	stream.indirect.gather [hbm4b:s5+s14], $0x40, s2, s14, $0xb8;
	[tilespmem:$0x12800] =	vst v63  }
0x120: {  	s24 =	simm.s32 $0x6;
	v52 =	vshll.u32 v35, v1;
	v44 =	vadd.s32 v0, v33;
	v38 =	vbroadcast v38, $0x0;
	v43 =	vld [tilespmem:s30+$0xFFFFFE10]  }
0x121: {  	v40 =	vmov s24;
	v52 =	vbroadcast v52, $0x0;
	v47 =	vadd.s32 v5, v45;
	v46 =	vld [tilespmem:s30+$0xFFFFFE50]  }
0x122: {  	v36 =	vshll.u32 v55, v1;
	v35 =	vbroadcast v53, $0x0;
	v41 =	vld [tilespmem:s30+$0xFFFFFFD0];
	v42 =	vadd.s32 v29, v38  }
0x123: {  	v40 =	vshrl.u32 v40, $0x3;
	v34 =	vbroadcast v54, $0x0;
	v49 =	vadd.s32 v9, v52;
	v48 =	vld [tilespmem:s30+$0xFFFFFE90]  }
0x124: {  	v37 =	vbroadcast v36, $0x0;
	v56 =	vshll.u32 v40, v1;
	v50 =	vadd.s32 v13, v35;
	v39 =	vld [tilespmem:s30+$0xFFFFFED0]  }
0x125: {  	v36 =	vbroadcast v56, $0x0;
	v53 =	vadd.s32 v17, v34;
	v51 =	vld [tilespmem:s30+$0xFFFFFF10];
	[tilespmem:v44+s23+$0x0] =	vst.idx.msk $0xffff, v43  }
0x126: {  	v60 =	vadd.s32 v21, v37;
	v59 =	vld [tilespmem:s30+$0xFFFFFF50];
	[tilespmem:v47+s23+$0x0] =	vst.idx.msk $0xffff, v46  }
0x127: {  	v61 =	vld [tilespmem:s30+$0xFFFFFF90];
	v62 =	vadd.s32 v25, v36;
	[tilespmem:v42+s23+$0x0] =	vst.idx.msk $0xffff, v41  }
0x128: {  	v58 =	vadd.s32 v30, v38;
	[tilespmem:v49+s23+$0x0] =	vst.idx.msk $0xffff, v48;
	v57 =	vld [tilespmem:s30+$0xFFFFFFE0]  }
0x129: {  	v63 =	vadd.s32 v6, v45;
	[tilespmem:v50+s23+$0x0] =	vst.idx.msk $0xffff, v39;
	v47 =	vld [tilespmem:s30+$0xFFFFFE60]  }
0x12a: {  	v55 =	vadd.s32 v10, v52;
	[tilespmem:v53+s23+$0x0] =	vst.idx.msk $0xffff, v51;
	v54 =	vld [tilespmem:s30+$0xFFFFFEA0]  }
0x12b: {  	v56 =	vadd.s32 v14, v35;
	[tilespmem:v60+s23+$0x0] =	vst.idx.msk $0xffff, v59;
	v50 =	vld [tilespmem:s30+$0xFFFFFEE0]  }
0x12c: {  	[tilespmem:v62+s23+$0x0] =	vst.idx.msk $0xffff, v61;
	v46 =	vadd.s32 v22, v37;
	v44 =	vld [tilespmem:s30+$0xFFFFFF60]  }
0x12d: {  	v59 =	vadd.s32 v18, v34;
	[tilespmem:v58+s23+$0x0] =	vst.idx.msk $0xffff, v57;
	v58 =	vld [tilespmem:s30+$0xFFFFFF20]  }
0x12e: {  	[tilespmem:v63+s23+$0x0] =	vst.idx.msk $0xffff, v47;
	v57 =	vadd.s32 v31, v38;
	v40 =	vld [tilespmem:s30+$0xFFFFFFF0]  }
0x12f: {  	v60 =	vadd.s32 v26, v36;
	[tilespmem:v55+s23+$0x0] =	vst.idx.msk $0xffff, v54;
	v63 =	vld [tilespmem:s30+$0xFFFFFFA0]  }
0x130: {  	v62 =	vadd.s32 v2, v33;
	v61 =	vld [tilespmem:s30+$0xFFFFFE20];
	[tilespmem:v56+s23+$0x0] =	vst.idx.msk $0xffff, v50  }
0x131: {  	v51 =	vadd.s32 v7, v45;
	[tilespmem:v46+s23+$0x0] =	vst.idx.msk $0xffff, v44;
	v50 =	vld [tilespmem:s30+$0xFFFFFE70]  }
0x132: {  	v56 =	vadd.s32 v11, v52;
	v55 =	vld [tilespmem:s30+$0xFFFFFEB0];
	[tilespmem:v59+s23+$0x0] =	vst.idx.msk $0xffff, v58  }
0x133: {  	v58 =	vadd.s32 v15, v35;
	[tilespmem:v57+s23+$0x0] =	vst.idx.msk $0xffff, v40;
	v57 =	vld [tilespmem:s30+$0xFFFFFEF0]  }
0x134: {  	[tilespmem:v60+s23+$0x0] =	vst.idx.msk $0xffff, v63;
	v60 =	vadd.s32 v19, v34;
	v59 =	vld [tilespmem:s30+$0xFFFFFF30]  }
0x135: {  	s7 =	simm.s32 $0x9;
	[tilespmem:v62+s23+$0x0] =	vst.idx.msk $0xffff, v61;
	v38 =	vadd.s32 v32, v38;
	v54 =	vld [tilespmem:s30+$0x0]  }
0x136: {  	s6 =	simm.s32 $0x8;
	v53 =	vmov s7;
	v41 =	vadd.s32 v23, v37;
	[tilespmem:v51+s23+$0x0] =	vst.idx.msk $0xffff, v50;
	v40 =	vld [tilespmem:s30+$0xFFFFFF70]  }
0x137: {  	s12 =	simm.s32 $0xC;
	s11 =	simm.s32 $0xB;
	v43 =	vadd.s32 v27, v36;
	v48 =	vadd.s32 v3, v33;
	v63 =	vmov s6;
	v42 =	vld [tilespmem:s30+$0xFFFFFFB0];
	[tilespmem:v56+s23+$0x0] =	vst.idx.msk $0xffff, v55  }
0x138: {  	s24 =	simm.s32 $0xE;
	v44 =	vmov s11;
	v47 =	vmov s12;
	v46 =	vld [tilespmem:s30+$0xFFFFFE30];
	v39 =	vshrl.u32 v63, $0x3;
	[tilespmem:v58+s23+$0x0] =	vst.idx.msk $0xffff, v57  }
0x139: {  	s10 =	simm.s32 $0xA;
	s20 =	simm.s32 $0xD;
	v51 =	vadd.s32 v8, v45;
	v49 =	vld [tilespmem:s30+$0xFFFFFE80];
	v45 =	vshll.u32 v39, v1;
	v39 =	vmov s24;
	[tilespmem:v60+s23+$0x0] =	vst.idx.msk $0xffff, v59  }
0x13a: {  	s31 =	simm.s32 $0x10;
	s0 =	simm.s32 $0xF;
	v52 =	vadd.s32 v12, v52;
	v50 =	vld [tilespmem:s30+$0xFFFFFEC0];
	[tilespmem:v38+s23+$0x0] =	vst.idx.msk $0xffff, v54;
	v54 =	vmov s10;
	v38 =	vmov s20  }
.LBB2_11:
0x13b: {  	p0 =	slt.u32 s31, $0x78;
	v53 =	vshrl.u32 v53, $0x3;
	v55 =	vmov s0;
	v56 =	vld [tilespmem:s30+$0xFFFFFF00];
	v35 =	vadd.s32 v16, v35;
	[tilespmem:v41+s23+$0x0] =	vst.idx.msk $0xffff, v40  }
0x13c: {  	v40 =	vshrl.u32 v54, $0x3;
	v34 =	vadd.s32 v20, v34;
	v41 =	vshrl.u32 v55, $0x3;
	v54 =	vld [tilespmem:s30+$0xFFFFFF40];
	[tilespmem:v43+s23+$0x0] =	vst.idx.msk $0xffff, v42  }
0x13d: {  	v37 =	vadd.s32 v24, v37;
	v42 =	vshrl.u32 v44, $0x3;
	v41 =	vshll.u32 v41, v1;
	[tilespmem:v48+s23+$0x0] =	vst.idx.msk $0xffff, v46;
	v43 =	vld [tilespmem:s30+$0xFFFFFF80]  }
0x13e: {  	v36 =	vadd.s32 v28, v36;
	v44 =	vshrl.u32 v47, $0x3;
	v41 =	vbroadcast v41, $0x0;
	[tilespmem:v51+s23+$0x0] =	vst.idx.msk $0xffff, v49;
	v46 =	vld [tilespmem:s30+$0xFFFFFFC0]  }
0x13f: {  	v47 =	vshll.u32 v53, v1;
	v49 =	vadd.s32 v4, v33;
	v33 =	vbroadcast v45, $0x0;
	v48 =	vld [tilespmem:s30+$0xFFFFFE40];
	[tilespmem:v52+s23+$0x0] =	vst.idx.msk $0xffff, v50;
	s30 =	sadd.s32 $0x200, s30  }
0x140: {  	v40 =	vshll.u32 v40, v1;
	v45 =	vbroadcast v47, $0x0;
	v47 =	vld [tilespmem:s30+$0xFFFFFFD0];
	v50 =	vadd.s32 v29, v41;
	[tilespmem:v35+s23+$0x0] =	vst.idx.msk $0xffff, v56  }
0x141: {  	v55 =	vbroadcast v40, $0x0;
	v52 =	vadd.s32 v0, v33;
	v35 =	vshll.u32 v42, v1;
	v51 =	vld [tilespmem:s30+$0xFFFFFE10];
	[tilespmem:v34+s23+$0x0] =	vst.idx.msk $0xffff, v54  }
0x142: {  	v42 =	vadd.s32 v5, v45;
	v35 =	vbroadcast v35, $0x0;
	v34 =	vshll.u32 v44, v1;
	v40 =	vld [tilespmem:s30+$0xFFFFFE50];
	[tilespmem:v37+s23+$0x0] =	vst.idx.msk $0xffff, v43  }
0x143: {  	v44 =	vadd.s32 v9, v55;
	v34 =	vbroadcast v34, $0x0;
	v37 =	vshrl.u32 v38, $0x3;
	v43 =	vld [tilespmem:s30+$0xFFFFFE90];
	[tilespmem:v36+s23+$0x0] =	vst.idx.msk $0xffff, v46  }
0x144: {  	v39 =	vshrl.u32 v39, $0x3;
	v46 =	vadd.s32 v13, v35;
	v36 =	vshll.u32 v37, v1;
	v38 =	vld [tilespmem:s30+$0xFFFFFED0];
	[tilespmem:v49+s23+$0x0] =	vst.idx.msk $0xffff, v48  }
0x145: {  	v49 =	vadd.s32 v17, v34;
	v37 =	vbroadcast v36, $0x0;
	v36 =	vshll.u32 v39, v1;
	v48 =	vld [tilespmem:s30+$0xFFFFFF10];
	[tilespmem:v50+s23+$0x0] =	vst.idx.msk $0xffff, v47  }
0x146: {  	v36 =	vbroadcast v36, $0x0;
	v47 =	vadd.s32 v30, v41;
	[tilespmem:v52+s23+$0x0] =	vst.idx.msk $0xffff, v51;
	v39 =	vld [tilespmem:s30+$0xFFFFFFE0]  }
0x147: {  	[tilespmem:v42+s23+$0x0] =	vst.idx.msk $0xffff, v40;
	v40 =	vld [tilespmem:s30+$0xFFFFFF50];
	v42 =	vadd.s32 v21, v37  }
0x148: {  	[tilespmem:v44+s23+$0x0] =	vst.idx.msk $0xffff, v43;
	v43 =	vld [tilespmem:s30+$0xFFFFFF90];
	v44 =	vadd.s32 v25, v36  }
0x149: {  	v51 =	vadd.s32 v6, v45;
	v50 =	vld [tilespmem:s30+$0xFFFFFE60];
	[tilespmem:v46+s23+$0x0] =	vst.idx.msk $0xffff, v38  }
0x14a: {  	v46 =	vadd.s32 v10, v55;
	v38 =	vld [tilespmem:s30+$0xFFFFFEA0];
	[tilespmem:v49+s23+$0x0] =	vst.idx.msk $0xffff, v48  }
0x14b: {  	v49 =	vadd.s32 v14, v35;
	v48 =	vld [tilespmem:s30+$0xFFFFFEE0];
	[tilespmem:v47+s23+$0x0] =	vst.idx.msk $0xffff, v39  }
0x14c: {  	[tilespmem:v42+s23+$0x0] =	vst.idx.msk $0xffff, v40;
	v39 =	vld [tilespmem:s30+$0xFFFFFFF0];
	v40 =	vadd.s32 v31, v41  }
0x14d: {  	v47 =	vadd.s32 v18, v34;
	v42 =	vld [tilespmem:s30+$0xFFFFFF20];
	[tilespmem:v44+s23+$0x0] =	vst.idx.msk $0xffff, v43  }
0x14e: {  	v44 =	vadd.s32 v22, v37;
	[tilespmem:v51+s23+$0x0] =	vst.idx.msk $0xffff, v50;
	v43 =	vld [tilespmem:s30+$0xFFFFFF60]  }
0x14f: {  	[tilespmem:v46+s23+$0x0] =	vst.idx.msk $0xffff, v38;
	v38 =	vld [tilespmem:s30+$0xFFFFFFA0];
	v46 =	vadd.s32 v26, v36  }
0x150: {  	v51 =	vadd.s32 v2, v33;
	v50 =	vld [tilespmem:s30+$0xFFFFFE20];
	[tilespmem:v49+s23+$0x0] =	vst.idx.msk $0xffff, v48  }
0x151: {  	v49 =	vadd.s32 v7, v45;
	v48 =	vld [tilespmem:s30+$0xFFFFFE70];
	[tilespmem:v40+s23+$0x0] =	vst.idx.msk $0xffff, v39  }
0x152: {  	[tilespmem:v47+s23+$0x0] =	vst.idx.msk $0xffff, v42;
	v39 =	vld [tilespmem:s30+$0x0];
	v47 =	vadd.s32 v32, v41  }
0x153: {  	v56 =	vadd.s32 v11, v55;
	v52 =	vld [tilespmem:s30+$0xFFFFFEB0];
	[tilespmem:v44+s23+$0x0] =	vst.idx.msk $0xffff, v43  }
0x154: {  	v58 =	vadd.s32 v15, v35;
	v57 =	vld [tilespmem:s30+$0xFFFFFEF0];
	[tilespmem:v46+s23+$0x0] =	vst.idx.msk $0xffff, v38  }
0x155: {  	v60 =	vadd.s32 v19, v34;
	[tilespmem:v51+s23+$0x0] =	vst.idx.msk $0xffff, v50;
	v59 =	vld [tilespmem:s30+$0xFFFFFF30]  }
.Ltmp4:
0x156: {  	s0 =	sadd.s32 $0x1, s31;
	v41 =	vadd.s32 v23, v37;
	v38 =	vmov s31;
	[tilespmem:v49+s23+$0x0] =	vst.idx.msk $0xffff, v48;
	v40 =	vld [tilespmem:s30+$0xFFFFFF70];
	(pc) =	sbr.rel @p0 .LBB2_11-.Ltmp4, $4  }
0x157: {  	s2 =	sadd.s32 $0x3, s31;
	v53 =	vmov s0;
	s0 =	sadd.s32 $0x2, s31;
	v43 =	vadd.s32 v27, v36;
	v50 =	vshrl.u32 v38, $0x3;
	v42 =	vld [tilespmem:s30+$0xFFFFFFB0];
	[tilespmem:v47+s23+$0x0] =	vst.idx.msk $0xffff, v39  }
0x158: {  	v54 =	vmov s0;
	s0 =	sadd.s32 $0x4, s31;
	v44 =	vmov s2;
	s2 =	sadd.s32 $0x5, s31;
	v48 =	vadd.s32 v3, v33;
	v46 =	vld [tilespmem:s30+$0xFFFFFE30];
	[tilespmem:v56+s23+$0x0] =	vst.idx.msk $0xffff, v52  }
0x159: {  	v38 =	vmov s2;
	v51 =	vadd.s32 v8, v45;
	v47 =	vmov s0;
	s0 =	sadd.s32 $0x6, s31;
	v49 =	vld [tilespmem:s30+$0xFFFFFE80];
	[tilespmem:v58+s23+$0x0] =	vst.idx.msk $0xffff, v57  }
0x15a: {  	v45 =	vshll.u32 v50, v1;
	v39 =	vmov s0;
	s0 =	sadd.s32 $0x7, s31;
	s31 =	sadd.s32 $0x8, s31;
	v52 =	vadd.s32 v12, v55;
	v50 =	vld [tilespmem:s30+$0xFFFFFEC0];
	[tilespmem:v60+s23+$0x0] =	vst.idx.msk $0xffff, v59  }
0x15b: {  	_ =	sdelay $0x2  }
0x15c: {  	v53 =	vshrl.u32 v53, $0x3  }
0x15d: {  	v55 =	vmov s0;
	v56 =	vld [tilespmem:s30+$0xFFFFFF00];
	v35 =	vadd.s32 v16, v35;
	[tilespmem:v41+s23+$0x0] =	vst.idx.msk $0xffff, v40;
	v57 =	vshrl.u32 v54, $0x3  }
0x15e: {  	v59 =	vld [tilespmem:s30+$0xFFFFFF40];
	v34 =	vadd.s32 v20, v34;
	v60 =	vshrl.u32 v44, $0x3;
	v58 =	vshrl.u32 v55, $0x3;
	[tilespmem:v43+s23+$0x0] =	vst.idx.msk $0xffff, v42  }
0x15f: {  	v37 =	vadd.s32 v24, v37;
	v62 =	vshrl.u32 v47, $0x3;
	v61 =	vld [tilespmem:s30+$0xFFFFFF80];
	v41 =	vshll.u32 v58, v1;
	[tilespmem:v48+s23+$0x0] =	vst.idx.msk $0xffff, v46  }
0x160: {  	v36 =	vadd.s32 v28, v36;
	v45 =	vbroadcast v45, $0x0;
	v63 =	vld [tilespmem:s30+$0xFFFFFFC0];
	v41 =	vbroadcast v41, $0x0;
	[tilespmem:v51+s23+$0x0] =	vst.idx.msk $0xffff, v49  }
0x161: {  	v33 =	vadd.s32 v4, v33;
	s12 =	sadd.s32 $0x200, s30;
	v38 =	vshrl.u32 v38, $0x3;
	v55 =	vshll.u32 v53, v1;
	v48 =	vld [tilespmem:s30+$0xFFFFFE40];
	[tilespmem:v52+s23+$0x0] =	vst.idx.msk $0xffff, v50  }
0x162: {  	v40 =	vshll.u32 v57, v1;
	v47 =	vbroadcast v55, $0x0;
	v49 =	vld [tilespmem:s12+$0xFFFFFFD0];
	v50 =	vadd.s32 v29, v41;
	[tilespmem:v35+s23+$0x0] =	vst.idx.msk $0xffff, v56  }
0x163: {  	v42 =	vshll.u32 v60, v1;
	v40 =	vbroadcast v40, $0x0;
	v35 =	vld [tilespmem:s12+$0xFFFFFE10];
	v56 =	vadd.s32 v0, v45;
	[tilespmem:v34+s23+$0x0] =	vst.idx.msk $0xffff, v59  }
0x164: {  	v57 =	vld [tilespmem:s12+$0xFFFFFE50];
	v44 =	vshll.u32 v62, v1;
	v42 =	vbroadcast v42, $0x0;
	v58 =	vadd.s32 v5, v47;
	[tilespmem:v37+s23+$0x0] =	vst.idx.msk $0xffff, v61  }
0x165: {  	v38 =	vshll.u32 v38, v1;
	v44 =	vbroadcast v44, $0x0;
	v60 =	vadd.s32 v9, v40;
	v59 =	vld [tilespmem:s12+$0xFFFFFE90];
	[tilespmem:v36+s23+$0x0] =	vst.idx.msk $0xffff, v63  }
0x166: {  	v38 =	vbroadcast v38, $0x0;
	v62 =	vadd.s32 v13, v42;
	v61 =	vld [tilespmem:s12+$0xFFFFFED0];
	[tilespmem:v33+s23+$0x0] =	vst.idx.msk $0xffff, v48  }
0x167: {  	v39 =	vshrl.u32 v39, $0x3;
	v63 =	vadd.s32 v17, v44;
	v33 =	vld [tilespmem:s12+$0xFFFFFF10];
	[tilespmem:v50+s23+$0x0] =	vst.idx.msk $0xffff, v49  }
0x168: {  	v39 =	vshll.u32 v39, v1;
	v34 =	vld [tilespmem:s12+$0xFFFFFF50];
	[tilespmem:v56+s23+$0x0] =	vst.idx.msk $0xffff, v35;
	v56 =	vadd.s32 v21, v38  }
0x169: {  	[tilespmem:v58+s23+$0x0] =	vst.idx.msk $0xffff, v57;
	v35 =	vbroadcast v39, $0x0;
	v49 =	vadd.s32 v30, v41;
	v39 =	vld [tilespmem:s12+$0xFFFFFFE0]  }
0x16a: {  	[tilespmem:v60+s23+$0x0] =	vst.idx.msk $0xffff, v59;
	v59 =	vld [tilespmem:s12+$0xFFFFFE60];
	v60 =	vadd.s32 v6, v47  }
0x16b: {  	v57 =	vld [tilespmem:s12+$0xFFFFFF90];
	[tilespmem:v62+s23+$0x0] =	vst.idx.msk $0xffff, v61;
	v58 =	vadd.s32 v25, v35  }
0x16c: {  	v61 =	vld [tilespmem:s12+$0xFFFFFEA0];
	v62 =	vadd.s32 v10, v40;
	[tilespmem:v63+s23+$0x0] =	vst.idx.msk $0xffff, v33  }
0x16d: {  	v33 =	vld [tilespmem:s12+$0xFFFFFEE0];
	v63 =	vadd.s32 v14, v42;
	[tilespmem:v56+s23+$0x0] =	vst.idx.msk $0xffff, v34  }
0x16e: {  	v56 =	vadd.s32 v18, v44;
	[tilespmem:v49+s23+$0x0] =	vst.idx.msk $0xffff, v39;
	v49 =	vld [tilespmem:s12+$0xFFFFFF20]  }
0x16f: {  	[tilespmem:v60+s23+$0x0] =	vst.idx.msk $0xffff, v59;
	v39 =	vadd.s32 v31, v41;
	v34 =	vld [tilespmem:s12+$0xFFFFFFF0]  }
0x170: {  	[tilespmem:v58+s23+$0x0] =	vst.idx.msk $0xffff, v57;
	v57 =	vld [tilespmem:s12+$0xFFFFFF60];
	v58 =	vadd.s32 v22, v38  }
0x171: {  	[tilespmem:v62+s23+$0x0] =	vst.idx.msk $0xffff, v61;
	v61 =	vld [tilespmem:s12+$0xFFFFFE20];
	v62 =	vadd.s32 v2, v45  }
0x172: {  	v60 =	vadd.s32 v26, v35;
	v59 =	vld [tilespmem:s12+$0xFFFFFFA0];
	[tilespmem:v63+s23+$0x0] =	vst.idx.msk $0xffff, v33  }
0x173: {  	v55 =	vadd.s32 v11, v40;
	v54 =	vadd.s32 v32, v41;
	v41 =	vld [tilespmem:s12+$0xFFFFFEB0];
	[tilespmem:v56+s23+$0x0] =	vst.idx.msk $0xffff, v49  }
0x174: {  	v53 =	vadd.s32 v7, v47;
	v63 =	vld [tilespmem:s12+$0xFFFFFE70];
	[tilespmem:v39+s23+$0x0] =	vst.idx.msk $0xffff, v34  }
0x175: {  	v56 =	vld [tilespmem:s12+$0xFFFFFEF0];
	[tilespmem:v58+s23+$0x0] =	vst.idx.msk $0xffff, v57;
	v57 =	vadd.s32 v15, v42  }
0x176: {  	[tilespmem:v62+s23+$0x0] =	vst.idx.msk $0xffff, v61;
	v34 =	vld [tilespmem:s12+$0x0]  }
0x177: {  	v58 =	vld [tilespmem:s12+$0xFFFFFF30];
	[tilespmem:v60+s23+$0x0] =	vst.idx.msk $0xffff, v59;
	v59 =	vadd.s32 v19, v44  }
0x178: {  	v61 =	vadd.s32 v23, v38;
	[tilespmem:v55+s23+$0x0] =	vst.idx.msk $0xffff, v41;
	v60 =	vld [tilespmem:s12+$0xFFFFFF70]  }
0x179: {  	[tilespmem:v53+s23+$0x0] =	vst.idx.msk $0xffff, v63;
	v63 =	vadd.s32 v27, v35;
	v62 =	vld [tilespmem:s12+$0xFFFFFFB0]  }
0x17a: {  	v47 =	vadd.s32 v8, v47;
	v55 =	vld [tilespmem:s12+$0xFFFFFE80];
	[tilespmem:v57+s23+$0x0] =	vst.idx.msk $0xffff, v56  }
0x17b: {  	v53 =	vld [tilespmem:s12+$0xFFFFFE30];
	[tilespmem:v54+s23+$0x0] =	vst.idx.msk $0xffff, v34;
	v54 =	vadd.s32 v3, v45  }
0x17c: {  	v40 =	vadd.s32 v12, v40;
	v56 =	vld [tilespmem:s12+$0xFFFFFEC0];
	[tilespmem:v59+s23+$0x0] =	vst.idx.msk $0xffff, v58  }
0x17d: {  	v42 =	vadd.s32 v16, v42;
	v57 =	vld [tilespmem:s12+$0xFFFFFF00];
	[tilespmem:v61+s23+$0x0] =	vst.idx.msk $0xffff, v60  }
0x17e: {  	v59 =	vadd.s32 v20, v44;
	v58 =	vld [tilespmem:s12+$0xFFFFFF40];
	[tilespmem:v63+s23+$0x0] =	vst.idx.msk $0xffff, v62  }
0x17f: {  	v38 =	vadd.s32 v24, v38;
	v60 =	vld [tilespmem:s12+$0xFFFFFF80];
	[tilespmem:v47+s23+$0x0] =	vst.idx.msk $0xffff, v55  }
0x180: {  	v35 =	vadd.s32 v28, v35;
	v61 =	vld [tilespmem:s12+$0xFFFFFFC0];
	[tilespmem:v54+s23+$0x0] =	vst.idx.msk $0xffff, v53  }
0x181: {  	v63 =	vadd.s32 v4, v45;
	[tilespmem:v40+s23+$0x0] =	vst.idx.msk $0xffff, v56;
	v62 =	vld [tilespmem:s12+$0xFFFFFE40]  }
0x182: {  	[tilespmem:v42+s23+$0x0] =	vst.idx.msk $0xffff, v57  }
0x183: {  	[tilespmem:v59+s23+$0x0] =	vst.idx.msk $0xffff, v58  }
0x184: {  	[tilespmem:v38+s23+$0x0] =	vst.idx.msk $0xffff, v60  }
0x185: {  	[tilespmem:v35+s23+$0x0] =	vst.idx.msk $0xffff, v61  }
0x186: {  	[tilespmem:v63+s23+$0x0] =	vst.idx.msk $0xffff, v62  }
0x187: {  	_ =	swait.ge [sflag:s22], $0x2000  }
0x188: {  	[sflag:s22] =	ssyncset.done $0x0  }
0x189: {  	s2 =	sadd.s32 s29, s8;
	s20 =	simm.s32 $0x10600;
	[sflag:s22] =	ssyncadd.s32 $0xFFFFE000  }
0x18a: {  	[hbm4b:s2+s3] =	stream.linear.scatter [tilespmem:s20], [sflag:$0x2], $0x80, $0x38;
	[tilespmem:$0x12800] =	vst v63  }
0x18b: {  	s24 =	simm.s32 $0x10688;
	s6 =	sadd.s32 $0x10, s2  }
0x18c: {  	[hbm4b:s6+s3] =	stream.linear.scatter [tilespmem:s24], [sflag:$0x2], $0x80, $0x38;
	[tilespmem:$0x12800] =	vst v63  }
0x18d: {  	s7 =	simm.s32 $0x10798;
	s31 =	sadd.s32 $0x20, s2;
	s30 =	simm.s32 $0x10710  }
0x18e: {  	[hbm4b:s31+s3] =	stream.linear.scatter [tilespmem:s30], [sflag:$0x2], $0x80, $0x38;
	[tilespmem:$0x12800] =	vst v63  }
0x18f: {  	s11 =	simm.s32 $0x10820;
	s0 =	simm.s32 $0x440;
	s10 =	sadd.s32 $0x30, s2  }
0x190: {  	[hbm4b:s10+s3] =	stream.linear.scatter [tilespmem:s7], [sflag:$0x2], $0x80, $0x38;
	[tilespmem:$0x12800] =	vst v63  }
0x191: {  	s12 =	sadd.s32 $0x40, s2;
	s20 =	simm.s32 $0x108A8;
	s24 =	sadd.s32 $0x50, s2  }
0x192: {  	[hbm4b:s12+s3] =	stream.linear.scatter [tilespmem:s11], [sflag:$0x2], $0x80, $0x38;
	[tilespmem:$0x12800] =	vst v63  }
0x193: {  	s6 =	simm.s32 $0x2200;
	s30 =	simm.s32 $0x10930;
	s31 =	sadd.s32 $0x60, s2  }
0x194: {  	[hbm4b:s24+s3] =	stream.linear.scatter [tilespmem:s20], [sflag:$0x2], $0x80, $0x38;
	[tilespmem:$0x12800] =	vst v63  }
0x195: {  	s10 =	sadd.s32 $0x70, s2;
	s2 =	sadd.s32 $0x1000, s2;
	s11 =	simm.s32 $0x109B8  }
0x196: {  	[hbm4b:s31+s3] =	stream.linear.scatter [tilespmem:s30], [sflag:$0x2], $0x80, $0x38;
	[tilespmem:$0x12800] =	vst v63  }
.LBB2_13:
0x197: {  	[hbm4b:s10+s3] =	stream.linear.scatter [tilespmem:s11], [sflag:$0x2], $0x80, $0x38;
	[tilespmem:$0x12800] =	vst v63  }
0x198: {  	s7 =	smov.u32 s0;
	s0 =	smov.u32 s6  }
0x199: {  	s12 =	sadd.s32 $0x1100, s6;
	s0 =	sshra.s32 s0, $0x2;
	s10 =	sadd.s32 $0x10600, s7  }
0x19a: {  	[hbm4b:s2+s3] =	stream.linear.scatter [tilespmem:s10], [sflag:$0x2], $0x80, $0x38;
	[tilespmem:$0x12800] =	vst v63  }
0x19b: {  	p0 =	sne.s32 s6, $0x7700;
	s6 =	sadd.s32 $0x10688, s7;
	s10 =	sadd.s32 $0x10, s2  }
0x19c: {  	[hbm4b:s10+s3] =	stream.linear.scatter [tilespmem:s6], [sflag:$0x2], $0x80, $0x38;
	[tilespmem:$0x12800] =	vst v63  }
0x19d: {  	s6 =	sadd.s32 $0x10710, s7;
	s10 =	sadd.s32 $0x20, s2  }
0x19e: {  	[hbm4b:s10+s3] =	stream.linear.scatter [tilespmem:s6], [sflag:$0x2], $0x80, $0x38;
	[tilespmem:$0x12800] =	vst v63  }
0x19f: {  	s6 =	sadd.s32 $0x10798, s7;
	s10 =	sadd.s32 $0x30, s2  }
0x1a0: {  	[hbm4b:s10+s3] =	stream.linear.scatter [tilespmem:s6], [sflag:$0x2], $0x80, $0x38;
	[tilespmem:$0x12800] =	vst v63  }
0x1a1: {  	s6 =	sadd.s32 $0x10820, s7;
	s10 =	sadd.s32 $0x40, s2  }
0x1a2: {  	[hbm4b:s10+s3] =	stream.linear.scatter [tilespmem:s6], [sflag:$0x2], $0x80, $0x38;
	[tilespmem:$0x12800] =	vst v63  }
.Ltmp5:
0x1a3: {  	s6 =	sadd.s32 $0x108A8, s7;
	s10 =	sadd.s32 $0x50, s2;
	(pc) =	sbr.rel @p0 .LBB2_13-.Ltmp5, $4  }
0x1a4: {  	[hbm4b:s10+s3] =	stream.linear.scatter [tilespmem:s6], [sflag:$0x2], $0x80, $0x38;
	[tilespmem:$0x12800] =	vst v63  }
0x1a5: {  	s11 =	sadd.s32 $0x109B8, s7;
	s6 =	sadd.s32 $0x10930, s7;
	s10 =	sadd.s32 $0x60, s2  }
0x1a6: {  	[hbm4b:s10+s3] =	stream.linear.scatter [tilespmem:s6], [sflag:$0x2], $0x80, $0x38;
	[tilespmem:$0x12800] =	vst v63  }
0x1a7: {  	s10 =	sadd.s32 $0x70, s2;
	s2 =	sadd.s32 $0x1000, s2;
	s6 =	smov.u32 s12  }
0x1a8: {  	[hbm4b:s10+s3] =	stream.linear.scatter [tilespmem:s11], [sflag:$0x2], $0x80, $0x38;
	[tilespmem:$0x12800] =	vst v63  }
0x1a9: {  	s6 =	sadd.s32 $0x10600, s0  }
0x1aa: {  	[hbm4b:s2+s3] =	stream.linear.scatter [tilespmem:s6], [sflag:$0x2], $0x80, $0x38;
	[tilespmem:$0x12800] =	vst v63  }
0x1ab: {  	s10 =	sadd.s32 $0x10688, s0;
	s7 =	sadd.s32 $0x10, s2  }
0x1ac: {  	[hbm4b:s7+s3] =	stream.linear.scatter [tilespmem:s10], [sflag:$0x2], $0x80, $0x38;
	[tilespmem:$0x12800] =	vst v63  }
0x1ad: {  	s11 =	sadd.s32 $0x10710, s0;
	s12 =	sadd.s32 $0x20, s2;
	s20 =	sadd.s32 $0x10798, s0  }
0x1ae: {  	[hbm4b:s12+s3] =	stream.linear.scatter [tilespmem:s11], [sflag:$0x2], $0x80, $0x38;
	[tilespmem:$0x12800] =	vst v63  }
0x1af: {  	s24 =	sadd.s32 $0x30, s2;
	s6 =	simm.s32 $0x3;
	s7 =	sadd.s32 $0x10820, s0  }
0x1b0: {  	[hbm4b:s24+s3] =	stream.linear.scatter [tilespmem:s20], [sflag:$0x2], $0x80, $0x38;
	[tilespmem:$0x12800] =	vst v63  }
0x1b1: {  	s10 =	sadd.s32 $0x40, s2;
	s11 =	sadd.s32 $0x108A8, s0;
	s12 =	sadd.s32 $0x50, s2  }
0x1b2: {  	[hbm4b:s10+s3] =	stream.linear.scatter [tilespmem:s7], [sflag:$0x2], $0x80, $0x38;
	[tilespmem:$0x12800] =	vst v63  }
0x1b3: {  	s20 =	sadd.s32 $0x10930, s0;
	s24 =	sadd.s32 $0x60, s2;
	s10 =	sadd.s32 $0x109B8, s0  }
0x1b4: {  	[hbm4b:s12+s3] =	stream.linear.scatter [tilespmem:s11], [sflag:$0x2], $0x80, $0x38;
	[tilespmem:$0x12800] =	vst v63  }
0x1b5: {  	v36 =	vmov s6;
	s7 =	simm.s32 $0x4;
	s11 =	sadd.s32 $0x70, s2;
	s12 =	simm.s32 $0x0  }
0x1b6: {  	v36 =	vshrl.u32 v36, $0x3;
	v37 =	vmov s7;
	[hbm4b:s24+s3] =	stream.linear.scatter [tilespmem:s20], [sflag:$0x2], $0x80, $0x38;
	[tilespmem:$0x12800] =	vst v63  }
0x1b7: {  	v53 =	vshll.u32 v36, v1;
	v37 =	vshrl.u32 v37, $0x3;
	v33 =	vmov s12;
	s12 =	simm.s32 $0x5;
	s20 =	simm.s32 $0x1;
	s24 =	simm.s32 $0x2  }
0x1b8: {  	v54 =	vshll.u32 v37, v1;
	v33 =	vshrl.u32 v33, $0x3;
	v39 =	vmov s12;
	[hbm4b:s11+s3] =	stream.linear.scatter [tilespmem:s10], [sflag:$0x2], $0x80, $0x38;
	[tilespmem:$0x12800] =	vst v63  }
0x1b9: {  	v34 =	vmov s20;
	v35 =	vmov s24;
	v33 =	vshll.u32 v33, v1;
	s10 =	simm.s32 $0x7;
	s11 =	smin.u32 s28, $0xC2;
	_ =	swait.ge [sflag:s19], $0x2000  }
0x1ba: {  	v55 =	vshrl.u32 v39, $0x3;
	v34 =	vshrl.u32 v34, $0x3;
	v38 =	vmov s10;
	s20 =	sshll.u32 s11, $0x7;
	[sflag:s19] =	ssyncset.done $0x0  }
0x1bb: {  	s30 =	simm.s32 $0xA5F0;
	v33 =	vbroadcast v33, $0x0;
	v34 =	vshll.u32 v34, v1;
	v38 =	vshrl.u32 v38, $0x3;
	s2 =	sadd.s32 $0x280, s20;
	[sflag:s19] =	ssyncadd.s32 $0xFFFFE000  }
0x1bc: {  	v35 =	vshrl.u32 v35, $0x3;
	v45 =	vbroadcast v34, $0x0;
	v38 =	vshll.u32 v38, v1;
	[tilespmem:s16], [sflag:$0x1] =	stream.indirect.gather [hbm4b:s5+s14], $0x40, s2, s14, $0xb8;
	[tilespmem:$0x12800] =	vst v63  }
0x1bd: {  	s24 =	simm.s32 $0x6;
	v52 =	vshll.u32 v35, v1;
	v44 =	vadd.s32 v0, v33;
	v38 =	vbroadcast v38, $0x0;
	v43 =	vld [tilespmem:s30+$0xFFFFFE10]  }
0x1be: {  	v40 =	vmov s24;
	v52 =	vbroadcast v52, $0x0;
	v47 =	vadd.s32 v5, v45;
	v46 =	vld [tilespmem:s30+$0xFFFFFE50]  }
0x1bf: {  	v36 =	vshll.u32 v55, v1;
	v35 =	vbroadcast v53, $0x0;
	v41 =	vld [tilespmem:s30+$0xFFFFFFD0];
	v42 =	vadd.s32 v29, v38  }
0x1c0: {  	v40 =	vshrl.u32 v40, $0x3;
	v34 =	vbroadcast v54, $0x0;
	v49 =	vadd.s32 v9, v52;
	v48 =	vld [tilespmem:s30+$0xFFFFFE90]  }
0x1c1: {  	v37 =	vbroadcast v36, $0x0;
	v56 =	vshll.u32 v40, v1;
	v50 =	vadd.s32 v13, v35;
	v39 =	vld [tilespmem:s30+$0xFFFFFED0]  }
0x1c2: {  	v36 =	vbroadcast v56, $0x0;
	v53 =	vadd.s32 v17, v34;
	v51 =	vld [tilespmem:s30+$0xFFFFFF10];
	[tilespmem:v44+s21+$0x0] =	vst.idx.msk $0xffff, v43  }
0x1c3: {  	v60 =	vadd.s32 v21, v37;
	v59 =	vld [tilespmem:s30+$0xFFFFFF50];
	[tilespmem:v47+s21+$0x0] =	vst.idx.msk $0xffff, v46  }
0x1c4: {  	v61 =	vld [tilespmem:s30+$0xFFFFFF90];
	v62 =	vadd.s32 v25, v36;
	[tilespmem:v42+s21+$0x0] =	vst.idx.msk $0xffff, v41  }
0x1c5: {  	v58 =	vadd.s32 v30, v38;
	[tilespmem:v49+s21+$0x0] =	vst.idx.msk $0xffff, v48;
	v57 =	vld [tilespmem:s30+$0xFFFFFFE0]  }
0x1c6: {  	v63 =	vadd.s32 v6, v45;
	[tilespmem:v50+s21+$0x0] =	vst.idx.msk $0xffff, v39;
	v47 =	vld [tilespmem:s30+$0xFFFFFE60]  }
0x1c7: {  	v55 =	vadd.s32 v10, v52;
	[tilespmem:v53+s21+$0x0] =	vst.idx.msk $0xffff, v51;
	v54 =	vld [tilespmem:s30+$0xFFFFFEA0]  }
0x1c8: {  	v56 =	vadd.s32 v14, v35;
	[tilespmem:v60+s21+$0x0] =	vst.idx.msk $0xffff, v59;
	v50 =	vld [tilespmem:s30+$0xFFFFFEE0]  }
0x1c9: {  	[tilespmem:v62+s21+$0x0] =	vst.idx.msk $0xffff, v61;
	v46 =	vadd.s32 v22, v37;
	v44 =	vld [tilespmem:s30+$0xFFFFFF60]  }
0x1ca: {  	v59 =	vadd.s32 v18, v34;
	[tilespmem:v58+s21+$0x0] =	vst.idx.msk $0xffff, v57;
	v58 =	vld [tilespmem:s30+$0xFFFFFF20]  }
0x1cb: {  	[tilespmem:v63+s21+$0x0] =	vst.idx.msk $0xffff, v47;
	v57 =	vadd.s32 v31, v38;
	v40 =	vld [tilespmem:s30+$0xFFFFFFF0]  }
0x1cc: {  	v60 =	vadd.s32 v26, v36;
	[tilespmem:v55+s21+$0x0] =	vst.idx.msk $0xffff, v54;
	v63 =	vld [tilespmem:s30+$0xFFFFFFA0]  }
0x1cd: {  	v62 =	vadd.s32 v2, v33;
	v61 =	vld [tilespmem:s30+$0xFFFFFE20];
	[tilespmem:v56+s21+$0x0] =	vst.idx.msk $0xffff, v50  }
0x1ce: {  	v51 =	vadd.s32 v7, v45;
	[tilespmem:v46+s21+$0x0] =	vst.idx.msk $0xffff, v44;
	v50 =	vld [tilespmem:s30+$0xFFFFFE70]  }
0x1cf: {  	v56 =	vadd.s32 v11, v52;
	v55 =	vld [tilespmem:s30+$0xFFFFFEB0];
	[tilespmem:v59+s21+$0x0] =	vst.idx.msk $0xffff, v58  }
0x1d0: {  	v58 =	vadd.s32 v15, v35;
	[tilespmem:v57+s21+$0x0] =	vst.idx.msk $0xffff, v40;
	v57 =	vld [tilespmem:s30+$0xFFFFFEF0]  }
0x1d1: {  	[tilespmem:v60+s21+$0x0] =	vst.idx.msk $0xffff, v63;
	v60 =	vadd.s32 v19, v34;
	v59 =	vld [tilespmem:s30+$0xFFFFFF30]  }
0x1d2: {  	s7 =	simm.s32 $0x9;
	[tilespmem:v62+s21+$0x0] =	vst.idx.msk $0xffff, v61;
	v38 =	vadd.s32 v32, v38;
	v54 =	vld [tilespmem:s30+$0x0]  }
0x1d3: {  	s6 =	simm.s32 $0x8;
	v53 =	vmov s7;
	v41 =	vadd.s32 v23, v37;
	[tilespmem:v51+s21+$0x0] =	vst.idx.msk $0xffff, v50;
	v40 =	vld [tilespmem:s30+$0xFFFFFF70]  }
0x1d4: {  	s12 =	simm.s32 $0xC;
	s11 =	simm.s32 $0xB;
	v43 =	vadd.s32 v27, v36;
	v48 =	vadd.s32 v3, v33;
	v63 =	vmov s6;
	v42 =	vld [tilespmem:s30+$0xFFFFFFB0];
	[tilespmem:v56+s21+$0x0] =	vst.idx.msk $0xffff, v55  }
0x1d5: {  	s24 =	simm.s32 $0xE;
	v44 =	vmov s11;
	v47 =	vmov s12;
	v46 =	vld [tilespmem:s30+$0xFFFFFE30];
	v39 =	vshrl.u32 v63, $0x3;
	[tilespmem:v58+s21+$0x0] =	vst.idx.msk $0xffff, v57  }
0x1d6: {  	s10 =	simm.s32 $0xA;
	s20 =	simm.s32 $0xD;
	v51 =	vadd.s32 v8, v45;
	v49 =	vld [tilespmem:s30+$0xFFFFFE80];
	v45 =	vshll.u32 v39, v1;
	v39 =	vmov s24;
	[tilespmem:v60+s21+$0x0] =	vst.idx.msk $0xffff, v59  }
0x1d7: {  	s31 =	simm.s32 $0x10;
	s0 =	simm.s32 $0xF;
	v52 =	vadd.s32 v12, v52;
	v50 =	vld [tilespmem:s30+$0xFFFFFEC0];
	[tilespmem:v38+s21+$0x0] =	vst.idx.msk $0xffff, v54;
	v54 =	vmov s10;
	v38 =	vmov s20  }
.LBB2_15:
0x1d8: {  	p0 =	slt.u32 s31, $0x78;
	v53 =	vshrl.u32 v53, $0x3;
	v55 =	vmov s0;
	v56 =	vld [tilespmem:s30+$0xFFFFFF00];
	v35 =	vadd.s32 v16, v35;
	[tilespmem:v41+s21+$0x0] =	vst.idx.msk $0xffff, v40  }
0x1d9: {  	v40 =	vshrl.u32 v54, $0x3;
	v34 =	vadd.s32 v20, v34;
	v41 =	vshrl.u32 v55, $0x3;
	v54 =	vld [tilespmem:s30+$0xFFFFFF40];
	[tilespmem:v43+s21+$0x0] =	vst.idx.msk $0xffff, v42  }
0x1da: {  	v37 =	vadd.s32 v24, v37;
	v42 =	vshrl.u32 v44, $0x3;
	v41 =	vshll.u32 v41, v1;
	[tilespmem:v48+s21+$0x0] =	vst.idx.msk $0xffff, v46;
	v43 =	vld [tilespmem:s30+$0xFFFFFF80]  }
0x1db: {  	v36 =	vadd.s32 v28, v36;
	v44 =	vshrl.u32 v47, $0x3;
	v41 =	vbroadcast v41, $0x0;
	[tilespmem:v51+s21+$0x0] =	vst.idx.msk $0xffff, v49;
	v46 =	vld [tilespmem:s30+$0xFFFFFFC0]  }
0x1dc: {  	v47 =	vshll.u32 v53, v1;
	v49 =	vadd.s32 v4, v33;
	v33 =	vbroadcast v45, $0x0;
	v48 =	vld [tilespmem:s30+$0xFFFFFE40];
	[tilespmem:v52+s21+$0x0] =	vst.idx.msk $0xffff, v50;
	s30 =	sadd.s32 $0x200, s30  }
0x1dd: {  	v40 =	vshll.u32 v40, v1;
	v45 =	vbroadcast v47, $0x0;
	v47 =	vld [tilespmem:s30+$0xFFFFFFD0];
	v50 =	vadd.s32 v29, v41;
	[tilespmem:v35+s21+$0x0] =	vst.idx.msk $0xffff, v56  }
0x1de: {  	v55 =	vbroadcast v40, $0x0;
	v52 =	vadd.s32 v0, v33;
	v35 =	vshll.u32 v42, v1;
	v51 =	vld [tilespmem:s30+$0xFFFFFE10];
	[tilespmem:v34+s21+$0x0] =	vst.idx.msk $0xffff, v54  }
0x1df: {  	v42 =	vadd.s32 v5, v45;
	v35 =	vbroadcast v35, $0x0;
	v34 =	vshll.u32 v44, v1;
	v40 =	vld [tilespmem:s30+$0xFFFFFE50];
	[tilespmem:v37+s21+$0x0] =	vst.idx.msk $0xffff, v43  }
0x1e0: {  	v44 =	vadd.s32 v9, v55;
	v34 =	vbroadcast v34, $0x0;
	v37 =	vshrl.u32 v38, $0x3;
	v43 =	vld [tilespmem:s30+$0xFFFFFE90];
	[tilespmem:v36+s21+$0x0] =	vst.idx.msk $0xffff, v46  }
0x1e1: {  	v39 =	vshrl.u32 v39, $0x3;
	v46 =	vadd.s32 v13, v35;
	v36 =	vshll.u32 v37, v1;
	v38 =	vld [tilespmem:s30+$0xFFFFFED0];
	[tilespmem:v49+s21+$0x0] =	vst.idx.msk $0xffff, v48  }
0x1e2: {  	v49 =	vadd.s32 v17, v34;
	v37 =	vbroadcast v36, $0x0;
	v36 =	vshll.u32 v39, v1;
	v48 =	vld [tilespmem:s30+$0xFFFFFF10];
	[tilespmem:v50+s21+$0x0] =	vst.idx.msk $0xffff, v47  }
0x1e3: {  	v36 =	vbroadcast v36, $0x0;
	v47 =	vadd.s32 v30, v41;
	[tilespmem:v52+s21+$0x0] =	vst.idx.msk $0xffff, v51;
	v39 =	vld [tilespmem:s30+$0xFFFFFFE0]  }
0x1e4: {  	[tilespmem:v42+s21+$0x0] =	vst.idx.msk $0xffff, v40;
	v40 =	vld [tilespmem:s30+$0xFFFFFF50];
	v42 =	vadd.s32 v21, v37  }
0x1e5: {  	[tilespmem:v44+s21+$0x0] =	vst.idx.msk $0xffff, v43;
	v43 =	vld [tilespmem:s30+$0xFFFFFF90];
	v44 =	vadd.s32 v25, v36  }
0x1e6: {  	v51 =	vadd.s32 v6, v45;
	v50 =	vld [tilespmem:s30+$0xFFFFFE60];
	[tilespmem:v46+s21+$0x0] =	vst.idx.msk $0xffff, v38  }
0x1e7: {  	v46 =	vadd.s32 v10, v55;
	v38 =	vld [tilespmem:s30+$0xFFFFFEA0];
	[tilespmem:v49+s21+$0x0] =	vst.idx.msk $0xffff, v48  }
0x1e8: {  	v49 =	vadd.s32 v14, v35;
	v48 =	vld [tilespmem:s30+$0xFFFFFEE0];
	[tilespmem:v47+s21+$0x0] =	vst.idx.msk $0xffff, v39  }
0x1e9: {  	[tilespmem:v42+s21+$0x0] =	vst.idx.msk $0xffff, v40;
	v39 =	vld [tilespmem:s30+$0xFFFFFFF0];
	v40 =	vadd.s32 v31, v41  }
0x1ea: {  	v47 =	vadd.s32 v18, v34;
	v42 =	vld [tilespmem:s30+$0xFFFFFF20];
	[tilespmem:v44+s21+$0x0] =	vst.idx.msk $0xffff, v43  }
0x1eb: {  	v44 =	vadd.s32 v22, v37;
	[tilespmem:v51+s21+$0x0] =	vst.idx.msk $0xffff, v50;
	v43 =	vld [tilespmem:s30+$0xFFFFFF60]  }
0x1ec: {  	[tilespmem:v46+s21+$0x0] =	vst.idx.msk $0xffff, v38;
	v38 =	vld [tilespmem:s30+$0xFFFFFFA0];
	v46 =	vadd.s32 v26, v36  }
0x1ed: {  	v51 =	vadd.s32 v2, v33;
	v50 =	vld [tilespmem:s30+$0xFFFFFE20];
	[tilespmem:v49+s21+$0x0] =	vst.idx.msk $0xffff, v48  }
0x1ee: {  	v49 =	vadd.s32 v7, v45;
	v48 =	vld [tilespmem:s30+$0xFFFFFE70];
	[tilespmem:v40+s21+$0x0] =	vst.idx.msk $0xffff, v39  }
0x1ef: {  	[tilespmem:v47+s21+$0x0] =	vst.idx.msk $0xffff, v42;
	v39 =	vld [tilespmem:s30+$0x0];
	v47 =	vadd.s32 v32, v41  }
0x1f0: {  	v56 =	vadd.s32 v11, v55;
	v52 =	vld [tilespmem:s30+$0xFFFFFEB0];
	[tilespmem:v44+s21+$0x0] =	vst.idx.msk $0xffff, v43  }
0x1f1: {  	v58 =	vadd.s32 v15, v35;
	v57 =	vld [tilespmem:s30+$0xFFFFFEF0];
	[tilespmem:v46+s21+$0x0] =	vst.idx.msk $0xffff, v38  }
0x1f2: {  	v60 =	vadd.s32 v19, v34;
	[tilespmem:v51+s21+$0x0] =	vst.idx.msk $0xffff, v50;
	v59 =	vld [tilespmem:s30+$0xFFFFFF30]  }
.Ltmp6:
0x1f3: {  	s0 =	sadd.s32 $0x1, s31;
	v41 =	vadd.s32 v23, v37;
	v38 =	vmov s31;
	[tilespmem:v49+s21+$0x0] =	vst.idx.msk $0xffff, v48;
	v40 =	vld [tilespmem:s30+$0xFFFFFF70];
	(pc) =	sbr.rel @p0 .LBB2_15-.Ltmp6, $4  }
0x1f4: {  	s2 =	sadd.s32 $0x3, s31;
	v53 =	vmov s0;
	s0 =	sadd.s32 $0x2, s31;
	v43 =	vadd.s32 v27, v36;
	v50 =	vshrl.u32 v38, $0x3;
	v42 =	vld [tilespmem:s30+$0xFFFFFFB0];
	[tilespmem:v47+s21+$0x0] =	vst.idx.msk $0xffff, v39  }
0x1f5: {  	v54 =	vmov s0;
	s0 =	sadd.s32 $0x4, s31;
	v44 =	vmov s2;
	s2 =	sadd.s32 $0x5, s31;
	v48 =	vadd.s32 v3, v33;
	v46 =	vld [tilespmem:s30+$0xFFFFFE30];
	[tilespmem:v56+s21+$0x0] =	vst.idx.msk $0xffff, v52  }
0x1f6: {  	v38 =	vmov s2;
	v51 =	vadd.s32 v8, v45;
	v47 =	vmov s0;
	s0 =	sadd.s32 $0x6, s31;
	v49 =	vld [tilespmem:s30+$0xFFFFFE80];
	[tilespmem:v58+s21+$0x0] =	vst.idx.msk $0xffff, v57  }
0x1f7: {  	v45 =	vshll.u32 v50, v1;
	v39 =	vmov s0;
	s0 =	sadd.s32 $0x7, s31;
	s31 =	sadd.s32 $0x8, s31;
	v52 =	vadd.s32 v12, v55;
	v50 =	vld [tilespmem:s30+$0xFFFFFEC0];
	[tilespmem:v60+s21+$0x0] =	vst.idx.msk $0xffff, v59  }
0x1f8: {  	_ =	sdelay $0x2  }
0x1f9: {  	v53 =	vshrl.u32 v53, $0x3  }
0x1fa: {  	v55 =	vmov s0;
	v56 =	vld [tilespmem:s30+$0xFFFFFF00];
	v35 =	vadd.s32 v16, v35;
	[tilespmem:v41+s21+$0x0] =	vst.idx.msk $0xffff, v40;
	v57 =	vshrl.u32 v54, $0x3  }
0x1fb: {  	v59 =	vld [tilespmem:s30+$0xFFFFFF40];
	v34 =	vadd.s32 v20, v34;
	v60 =	vshrl.u32 v44, $0x3;
	v58 =	vshrl.u32 v55, $0x3;
	[tilespmem:v43+s21+$0x0] =	vst.idx.msk $0xffff, v42  }
0x1fc: {  	v37 =	vadd.s32 v24, v37;
	v62 =	vshrl.u32 v47, $0x3;
	v61 =	vld [tilespmem:s30+$0xFFFFFF80];
	v41 =	vshll.u32 v58, v1;
	[tilespmem:v48+s21+$0x0] =	vst.idx.msk $0xffff, v46  }
0x1fd: {  	v36 =	vadd.s32 v28, v36;
	v45 =	vbroadcast v45, $0x0;
	v63 =	vld [tilespmem:s30+$0xFFFFFFC0];
	v41 =	vbroadcast v41, $0x0;
	[tilespmem:v51+s21+$0x0] =	vst.idx.msk $0xffff, v49  }
0x1fe: {  	v33 =	vadd.s32 v4, v33;
	s24 =	sadd.s32 $0x200, s30;
	v38 =	vshrl.u32 v38, $0x3;
	v55 =	vshll.u32 v53, v1;
	v48 =	vld [tilespmem:s30+$0xFFFFFE40];
	[tilespmem:v52+s21+$0x0] =	vst.idx.msk $0xffff, v50  }
0x1ff: {  	v40 =	vshll.u32 v57, v1;
	v47 =	vbroadcast v55, $0x0;
	v49 =	vld [tilespmem:s24+$0xFFFFFFD0];
	v50 =	vadd.s32 v29, v41;
	[tilespmem:v35+s21+$0x0] =	vst.idx.msk $0xffff, v56  }
0x200: {  	v42 =	vshll.u32 v60, v1;
	v40 =	vbroadcast v40, $0x0;
	v35 =	vld [tilespmem:s24+$0xFFFFFE10];
	v56 =	vadd.s32 v0, v45;
	[tilespmem:v34+s21+$0x0] =	vst.idx.msk $0xffff, v59  }
0x201: {  	v57 =	vld [tilespmem:s24+$0xFFFFFE50];
	v44 =	vshll.u32 v62, v1;
	v42 =	vbroadcast v42, $0x0;
	v58 =	vadd.s32 v5, v47;
	[tilespmem:v37+s21+$0x0] =	vst.idx.msk $0xffff, v61  }
0x202: {  	v38 =	vshll.u32 v38, v1;
	v44 =	vbroadcast v44, $0x0;
	v60 =	vadd.s32 v9, v40;
	v59 =	vld [tilespmem:s24+$0xFFFFFE90];
	[tilespmem:v36+s21+$0x0] =	vst.idx.msk $0xffff, v63  }
0x203: {  	v38 =	vbroadcast v38, $0x0;
	v62 =	vadd.s32 v13, v42;
	v61 =	vld [tilespmem:s24+$0xFFFFFED0];
	[tilespmem:v33+s21+$0x0] =	vst.idx.msk $0xffff, v48  }
0x204: {  	v39 =	vshrl.u32 v39, $0x3;
	v63 =	vadd.s32 v17, v44;
	v33 =	vld [tilespmem:s24+$0xFFFFFF10];
	[tilespmem:v50+s21+$0x0] =	vst.idx.msk $0xffff, v49  }
0x205: {  	v39 =	vshll.u32 v39, v1;
	v34 =	vld [tilespmem:s24+$0xFFFFFF50];
	[tilespmem:v56+s21+$0x0] =	vst.idx.msk $0xffff, v35;
	v56 =	vadd.s32 v21, v38  }
0x206: {  	[tilespmem:v58+s21+$0x0] =	vst.idx.msk $0xffff, v57;
	v35 =	vbroadcast v39, $0x0;
	v49 =	vadd.s32 v30, v41;
	v39 =	vld [tilespmem:s24+$0xFFFFFFE0]  }
0x207: {  	[tilespmem:v60+s21+$0x0] =	vst.idx.msk $0xffff, v59;
	v59 =	vld [tilespmem:s24+$0xFFFFFE60];
	v60 =	vadd.s32 v6, v47  }
0x208: {  	v57 =	vld [tilespmem:s24+$0xFFFFFF90];
	[tilespmem:v62+s21+$0x0] =	vst.idx.msk $0xffff, v61;
	v58 =	vadd.s32 v25, v35  }
0x209: {  	v61 =	vld [tilespmem:s24+$0xFFFFFEA0];
	v62 =	vadd.s32 v10, v40;
	[tilespmem:v63+s21+$0x0] =	vst.idx.msk $0xffff, v33  }
0x20a: {  	v33 =	vld [tilespmem:s24+$0xFFFFFEE0];
	v63 =	vadd.s32 v14, v42;
	[tilespmem:v56+s21+$0x0] =	vst.idx.msk $0xffff, v34  }
0x20b: {  	v56 =	vadd.s32 v18, v44;
	[tilespmem:v49+s21+$0x0] =	vst.idx.msk $0xffff, v39;
	v49 =	vld [tilespmem:s24+$0xFFFFFF20]  }
0x20c: {  	[tilespmem:v60+s21+$0x0] =	vst.idx.msk $0xffff, v59;
	v39 =	vadd.s32 v31, v41;
	v34 =	vld [tilespmem:s24+$0xFFFFFFF0]  }
0x20d: {  	[tilespmem:v58+s21+$0x0] =	vst.idx.msk $0xffff, v57;
	v57 =	vld [tilespmem:s24+$0xFFFFFF60];
	v58 =	vadd.s32 v22, v38  }
0x20e: {  	[tilespmem:v62+s21+$0x0] =	vst.idx.msk $0xffff, v61;
	v61 =	vld [tilespmem:s24+$0xFFFFFE20];
	v62 =	vadd.s32 v2, v45  }
0x20f: {  	v60 =	vadd.s32 v26, v35;
	v59 =	vld [tilespmem:s24+$0xFFFFFFA0];
	[tilespmem:v63+s21+$0x0] =	vst.idx.msk $0xffff, v33  }
0x210: {  	v55 =	vadd.s32 v11, v40;
	v54 =	vadd.s32 v32, v41;
	v41 =	vld [tilespmem:s24+$0xFFFFFEB0];
	[tilespmem:v56+s21+$0x0] =	vst.idx.msk $0xffff, v49  }
0x211: {  	v53 =	vadd.s32 v7, v47;
	v63 =	vld [tilespmem:s24+$0xFFFFFE70];
	[tilespmem:v39+s21+$0x0] =	vst.idx.msk $0xffff, v34  }
0x212: {  	v56 =	vld [tilespmem:s24+$0xFFFFFEF0];
	[tilespmem:v58+s21+$0x0] =	vst.idx.msk $0xffff, v57;
	v57 =	vadd.s32 v15, v42  }
0x213: {  	[tilespmem:v62+s21+$0x0] =	vst.idx.msk $0xffff, v61;
	v34 =	vld [tilespmem:s24+$0x0]  }
0x214: {  	v58 =	vld [tilespmem:s24+$0xFFFFFF30];
	[tilespmem:v60+s21+$0x0] =	vst.idx.msk $0xffff, v59;
	v59 =	vadd.s32 v19, v44  }
0x215: {  	v61 =	vadd.s32 v23, v38;
	[tilespmem:v55+s21+$0x0] =	vst.idx.msk $0xffff, v41;
	v60 =	vld [tilespmem:s24+$0xFFFFFF70]  }
0x216: {  	[tilespmem:v53+s21+$0x0] =	vst.idx.msk $0xffff, v63;
	v63 =	vadd.s32 v27, v35;
	v62 =	vld [tilespmem:s24+$0xFFFFFFB0]  }
0x217: {  	v47 =	vadd.s32 v8, v47;
	v55 =	vld [tilespmem:s24+$0xFFFFFE80];
	[tilespmem:v57+s21+$0x0] =	vst.idx.msk $0xffff, v56  }
0x218: {  	v53 =	vld [tilespmem:s24+$0xFFFFFE30];
	[tilespmem:v54+s21+$0x0] =	vst.idx.msk $0xffff, v34;
	v54 =	vadd.s32 v3, v45  }
0x219: {  	v40 =	vadd.s32 v12, v40;
	v56 =	vld [tilespmem:s24+$0xFFFFFEC0];
	[tilespmem:v59+s21+$0x0] =	vst.idx.msk $0xffff, v58  }
0x21a: {  	v42 =	vadd.s32 v16, v42;
	v57 =	vld [tilespmem:s24+$0xFFFFFF00];
	[tilespmem:v61+s21+$0x0] =	vst.idx.msk $0xffff, v60  }
0x21b: {  	v59 =	vadd.s32 v20, v44;
	v58 =	vld [tilespmem:s24+$0xFFFFFF40];
	[tilespmem:v63+s21+$0x0] =	vst.idx.msk $0xffff, v62  }
0x21c: {  	v38 =	vadd.s32 v24, v38;
	v60 =	vld [tilespmem:s24+$0xFFFFFF80];
	[tilespmem:v47+s21+$0x0] =	vst.idx.msk $0xffff, v55  }
0x21d: {  	v35 =	vadd.s32 v28, v35;
	v61 =	vld [tilespmem:s24+$0xFFFFFFC0];
	[tilespmem:v54+s21+$0x0] =	vst.idx.msk $0xffff, v53  }
0x21e: {  	v63 =	vadd.s32 v4, v45;
	[tilespmem:v40+s21+$0x0] =	vst.idx.msk $0xffff, v56;
	v62 =	vld [tilespmem:s24+$0xFFFFFE40]  }
0x21f: {  	[tilespmem:v42+s21+$0x0] =	vst.idx.msk $0xffff, v57  }
0x220: {  	[tilespmem:v59+s21+$0x0] =	vst.idx.msk $0xffff, v58  }
0x221: {  	[tilespmem:v38+s21+$0x0] =	vst.idx.msk $0xffff, v60  }
0x222: {  	[tilespmem:v35+s21+$0x0] =	vst.idx.msk $0xffff, v61  }
0x223: {  	[tilespmem:v63+s21+$0x0] =	vst.idx.msk $0xffff, v62  }
0x224: {  	_ =	swait.ge [sflag:s22], $0x2000  }
0x225: {  	[sflag:s22] =	ssyncset.done $0x0  }
0x226: {  	s2 =	sadd.s32 s29, s9;
	s30 =	simm.s32 $0xE400;
	[sflag:s22] =	ssyncadd.s32 $0xFFFFE000  }
0x227: {  	[hbm4b:s2+s3] =	stream.linear.scatter [tilespmem:s30], [sflag:$0x2], $0x80, $0x38;
	[tilespmem:$0x12800] =	vst v63  }
0x228: {  	s31 =	simm.s32 $0xE488;
	s6 =	sadd.s32 $0x10, s2  }
0x229: {  	[hbm4b:s6+s3] =	stream.linear.scatter [tilespmem:s31], [sflag:$0x2], $0x80, $0x38;
	[tilespmem:$0x12800] =	vst v63  }
0x22a: {  	s10 =	simm.s32 $0xE598;
	s7 =	sadd.s32 $0x20, s2;
	s6 =	simm.s32 $0xE510  }
0x22b: {  	[hbm4b:s7+s3] =	stream.linear.scatter [tilespmem:s6], [sflag:$0x2], $0x80, $0x38;
	[tilespmem:$0x12800] =	vst v63  }
0x22c: {  	s12 =	simm.s32 $0xE620;
	s0 =	simm.s32 $0x440;
	s11 =	sadd.s32 $0x30, s2  }
0x22d: {  	[hbm4b:s11+s3] =	stream.linear.scatter [tilespmem:s10], [sflag:$0x2], $0x80, $0x38;
	[tilespmem:$0x12800] =	vst v63  }
0x22e: {  	s20 =	sadd.s32 $0x40, s2;
	s29 =	sadd.s32 $0x50, s2;
	s24 =	simm.s32 $0xE6A8  }
0x22f: {  	[hbm4b:s20+s3] =	stream.linear.scatter [tilespmem:s12], [sflag:$0x2], $0x80, $0x38;
	[tilespmem:$0x12800] =	vst v63  }
0x230: {  	s30 =	simm.s32 $0xE730;
	s31 =	sadd.s32 $0x60, s2;
	s6 =	simm.s32 $0x2200  }
0x231: {  	[hbm4b:s29+s3] =	stream.linear.scatter [tilespmem:s24], [sflag:$0x2], $0x80, $0x38;
	[tilespmem:$0x12800] =	vst v63  }
0x232: {  	s11 =	simm.s32 $0xE7B8;
	s10 =	sadd.s32 $0x70, s2;
	s2 =	sadd.s32 $0x1000, s2  }
0x233: {  	[hbm4b:s31+s3] =	stream.linear.scatter [tilespmem:s30], [sflag:$0x2], $0x80, $0x38;
	[tilespmem:$0x12800] =	vst v63  }
.LBB2_17:
0x234: {  	[hbm4b:s10+s3] =	stream.linear.scatter [tilespmem:s11], [sflag:$0x2], $0x80, $0x38;
	[tilespmem:$0x12800] =	vst v63  }
0x235: {  	s7 =	smov.u32 s0;
	s0 =	smov.u32 s6  }
0x236: {  	s12 =	sadd.s32 $0x1100, s6;
	s0 =	sshra.s32 s0, $0x2;
	s10 =	sadd.s32 $0xE400, s7  }
0x237: {  	[hbm4b:s2+s3] =	stream.linear.scatter [tilespmem:s10], [sflag:$0x2], $0x80, $0x38;
	[tilespmem:$0x12800] =	vst v63  }
0x238: {  	p0 =	sne.s32 s6, $0x7700;
	s6 =	sadd.s32 $0xE488, s7;
	s10 =	sadd.s32 $0x10, s2  }
0x239: {  	[hbm4b:s10+s3] =	stream.linear.scatter [tilespmem:s6], [sflag:$0x2], $0x80, $0x38;
	[tilespmem:$0x12800] =	vst v63  }
0x23a: {  	s6 =	sadd.s32 $0xE510, s7;
	s10 =	sadd.s32 $0x20, s2  }
0x23b: {  	[hbm4b:s10+s3] =	stream.linear.scatter [tilespmem:s6], [sflag:$0x2], $0x80, $0x38;
	[tilespmem:$0x12800] =	vst v63  }
0x23c: {  	s6 =	sadd.s32 $0xE598, s7;
	s10 =	sadd.s32 $0x30, s2  }
0x23d: {  	[hbm4b:s10+s3] =	stream.linear.scatter [tilespmem:s6], [sflag:$0x2], $0x80, $0x38;
	[tilespmem:$0x12800] =	vst v63  }
0x23e: {  	s6 =	sadd.s32 $0xE620, s7;
	s10 =	sadd.s32 $0x40, s2  }
0x23f: {  	[hbm4b:s10+s3] =	stream.linear.scatter [tilespmem:s6], [sflag:$0x2], $0x80, $0x38;
	[tilespmem:$0x12800] =	vst v63  }
.Ltmp7:
0x240: {  	s6 =	sadd.s32 $0xE6A8, s7;
	s10 =	sadd.s32 $0x50, s2;
	(pc) =	sbr.rel @p0 .LBB2_17-.Ltmp7, $4  }
0x241: {  	[hbm4b:s10+s3] =	stream.linear.scatter [tilespmem:s6], [sflag:$0x2], $0x80, $0x38;
	[tilespmem:$0x12800] =	vst v63  }
0x242: {  	s11 =	sadd.s32 $0xE7B8, s7;
	s6 =	sadd.s32 $0xE730, s7;
	s10 =	sadd.s32 $0x60, s2  }
0x243: {  	[hbm4b:s10+s3] =	stream.linear.scatter [tilespmem:s6], [sflag:$0x2], $0x80, $0x38;
	[tilespmem:$0x12800] =	vst v63  }
0x244: {  	s10 =	sadd.s32 $0x70, s2;
	s2 =	sadd.s32 $0x1000, s2;
	s6 =	smov.u32 s12  }
0x245: {  	[hbm4b:s10+s3] =	stream.linear.scatter [tilespmem:s11], [sflag:$0x2], $0x80, $0x38;
	[tilespmem:$0x12800] =	vst v63  }
0x246: {  	s6 =	sadd.s32 $0xE400, s0  }
0x247: {  	[hbm4b:s2+s3] =	stream.linear.scatter [tilespmem:s6], [sflag:$0x2], $0x80, $0x38;
	[tilespmem:$0x12800] =	vst v63  }
0x248: {  	s12 =	sadd.s32 $0xE488, s0;
	s7 =	sadd.s32 $0x10, s2  }
0x249: {  	[hbm4b:s7+s3] =	stream.linear.scatter [tilespmem:s12], [sflag:$0x2], $0x80, $0x38;
	[tilespmem:$0x12800] =	vst v63  }
0x24a: {  	s20 =	sadd.s32 $0xE510, s0;
	s24 =	sadd.s32 $0x20, s2  }
0x24b: {  	[hbm4b:s24+s3] =	stream.linear.scatter [tilespmem:s20], [sflag:$0x2], $0x80, $0x38;
	[tilespmem:$0x12800] =	vst v63  }
0x24c: {  	s30 =	sadd.s32 $0xE598, s0;
	s31 =	sadd.s32 $0x30, s2;
	s10 =	sadd.s32 $0xE620, s0  }
0x24d: {  	[hbm4b:s31+s3] =	stream.linear.scatter [tilespmem:s30], [sflag:$0x2], $0x80, $0x38;
	[tilespmem:$0x12800] =	vst v63  }
0x24e: {  	s11 =	sadd.s32 $0x40, s2;
	s6 =	sadd.s32 $0x70, s2;
	s7 =	simm.s32 $0x0  }
0x24f: {  	[hbm4b:s11+s3] =	stream.linear.scatter [tilespmem:s10], [sflag:$0x2], $0x80, $0x38;
	[tilespmem:$0x12800] =	vst v63  }
0x250: {  	s12 =	sadd.s32 $0xE6A8, s0;
	v33 =	vmov s7;
	s7 =	simm.s32 $0x6;
	s20 =	sadd.s32 $0x50, s2  }
0x251: {  	v33 =	vshrl.u32 v33, $0x3;
	[hbm4b:s20+s3] =	stream.linear.scatter [tilespmem:s12], [sflag:$0x2], $0x80, $0x38;
	[tilespmem:$0x12800] =	vst v63  }
0x252: {  	s24 =	sadd.s32 $0xE730, s0;
	v33 =	vshll.u32 v33, v1;
	s30 =	sadd.s32 $0x60, s2;
	s31 =	sadd.s32 $0xE7B8, s0  }
0x253: {  	v40 =	vmov s7;
	v33 =	vbroadcast v33, $0x0;
	[hbm4b:s30+s3] =	stream.linear.scatter [tilespmem:s24], [sflag:$0x2], $0x80, $0x38;
	[tilespmem:$0x12800] =	vst v63  }
0x254: {  	v40 =	vshrl.u32 v40, $0x3;
	s10 =	simm.s32 $0x1;
	s11 =	simm.s32 $0x2;
	s24 =	simm.s32 $0x7  }
0x255: {  	v44 =	vadd.s32 v0, v33;
	v34 =	vmov s10;
	v38 =	vmov s24;
	[hbm4b:s6+s3] =	stream.linear.scatter [tilespmem:s31], [sflag:$0x2], $0x80, $0x38;
	[tilespmem:$0x12800] =	vst v63  }
0x256: {  	v35 =	vmov s11;
	s12 =	simm.s32 $0x3;
	v34 =	vshrl.u32 v34, $0x3;
	s30 =	smin.u32 s28, $0xC1;
	v38 =	vshrl.u32 v38, $0x3;
	_ =	swait.ge [sflag:s19], $0x2000  }
0x257: {  	s20 =	simm.s32 $0x4;
	v35 =	vshrl.u32 v35, $0x3;
	v36 =	vmov s12;
	s6 =	sshll.u32 s30, $0x7;
	v38 =	vshll.u32 v38, v1;
	[sflag:s19] =	ssyncset.done $0x0  }
0x258: {  	v37 =	vmov s20;
	v34 =	vshll.u32 v34, v1;
	s28 =	simm.s32 $0xC5F0;
	s2 =	sadd.s32 $0x300, s6;
	v38 =	vbroadcast v38, $0x0;
	[sflag:s19] =	ssyncadd.s32 $0xFFFFE000  }
0x259: {  	v52 =	vshll.u32 v35, v1;
	v36 =	vshrl.u32 v36, $0x3;
	v37 =	vshrl.u32 v37, $0x3;
	[tilespmem:s18], [sflag:$0x1] =	stream.indirect.gather [hbm4b:s5+s14], $0x40, s2, s14, $0xb8;
	[tilespmem:$0x12800] =	vst v63  }
0x25a: {  	v45 =	vbroadcast v34, $0x0;
	v52 =	vbroadcast v52, $0x0;
	s31 =	simm.s32 $0x5;
	v42 =	vadd.s32 v29, v38;
	v41 =	vld [tilespmem:s28+$0xFFFFFFD0]  }
0x25b: {  	v53 =	vshll.u32 v36, v1;
	v54 =	vshll.u32 v37, v1;
	v39 =	vmov s31;
	v43 =	vld [tilespmem:s28+$0xFFFFFE10]  }
0x25c: {  	v47 =	vadd.s32 v5, v45;
	v35 =	vbroadcast v53, $0x0;
	v55 =	vshrl.u32 v39, $0x3;
	v46 =	vld [tilespmem:s28+$0xFFFFFE50]  }
0x25d: {  	v49 =	vadd.s32 v9, v52;
	v34 =	vbroadcast v54, $0x0;
	v36 =	vshll.u32 v55, v1;
	v48 =	vld [tilespmem:s28+$0xFFFFFE90]  }
0x25e: {  	v56 =	vshll.u32 v40, v1;
	v50 =	vadd.s32 v13, v35;
	v37 =	vbroadcast v36, $0x0;
	v39 =	vld [tilespmem:s28+$0xFFFFFED0]  }
0x25f: {  	v53 =	vadd.s32 v17, v34;
	v36 =	vbroadcast v56, $0x0;
	v51 =	vld [tilespmem:s28+$0xFFFFFF10];
	[tilespmem:v42+s23+$0x0] =	vst.idx.msk $0xffff, v41  }
0x260: {  	v59 =	vld [tilespmem:s28+$0xFFFFFF50];
	v60 =	vadd.s32 v21, v37;
	[tilespmem:v44+s23+$0x0] =	vst.idx.msk $0xffff, v43  }
0x261: {  	v61 =	vld [tilespmem:s28+$0xFFFFFF90];
	v62 =	vadd.s32 v25, v36;
	[tilespmem:v47+s23+$0x0] =	vst.idx.msk $0xffff, v46  }
0x262: {  	v58 =	vadd.s32 v30, v38;
	[tilespmem:v49+s23+$0x0] =	vst.idx.msk $0xffff, v48;
	v57 =	vld [tilespmem:s28+$0xFFFFFFE0]  }
0x263: {  	v63 =	vadd.s32 v6, v45;
	[tilespmem:v50+s23+$0x0] =	vst.idx.msk $0xffff, v39;
	v47 =	vld [tilespmem:s28+$0xFFFFFE60]  }
0x264: {  	v55 =	vadd.s32 v10, v52;
	[tilespmem:v53+s23+$0x0] =	vst.idx.msk $0xffff, v51;
	v54 =	vld [tilespmem:s28+$0xFFFFFEA0]  }
0x265: {  	v56 =	vadd.s32 v14, v35;
	v50 =	vld [tilespmem:s28+$0xFFFFFEE0];
	[tilespmem:v60+s23+$0x0] =	vst.idx.msk $0xffff, v59  }
0x266: {  	[tilespmem:v62+s23+$0x0] =	vst.idx.msk $0xffff, v61;
	v61 =	vld [tilespmem:s28+$0xFFFFFE20];
	v62 =	vadd.s32 v2, v33  }
0x267: {  	v59 =	vadd.s32 v18, v34;
	[tilespmem:v58+s23+$0x0] =	vst.idx.msk $0xffff, v57;
	v58 =	vld [tilespmem:s28+$0xFFFFFF20]  }
0x268: {  	v57 =	vadd.s32 v31, v38;
	[tilespmem:v63+s23+$0x0] =	vst.idx.msk $0xffff, v47;
	v40 =	vld [tilespmem:s28+$0xFFFFFFF0]  }
0x269: {  	v60 =	vadd.s32 v26, v36;
	[tilespmem:v55+s23+$0x0] =	vst.idx.msk $0xffff, v54;
	v63 =	vld [tilespmem:s28+$0xFFFFFFA0]  }
0x26a: {  	v46 =	vadd.s32 v22, v37;
	v44 =	vld [tilespmem:s28+$0xFFFFFF60];
	[tilespmem:v56+s23+$0x0] =	vst.idx.msk $0xffff, v50  }
0x26b: {  	v51 =	vadd.s32 v7, v45;
	[tilespmem:v62+s23+$0x0] =	vst.idx.msk $0xffff, v61;
	v50 =	vld [tilespmem:s28+$0xFFFFFE70]  }
0x26c: {  	v56 =	vadd.s32 v11, v52;
	v55 =	vld [tilespmem:s28+$0xFFFFFEB0];
	[tilespmem:v59+s23+$0x0] =	vst.idx.msk $0xffff, v58  }
0x26d: {  	v58 =	vadd.s32 v15, v35;
	[tilespmem:v57+s23+$0x0] =	vst.idx.msk $0xffff, v40;
	v57 =	vld [tilespmem:s28+$0xFFFFFEF0]  }
0x26e: {  	[tilespmem:v60+s23+$0x0] =	vst.idx.msk $0xffff, v63;
	v60 =	vadd.s32 v19, v34;
	v59 =	vld [tilespmem:s28+$0xFFFFFF30]  }
0x26f: {  	s11 =	simm.s32 $0x9;
	v38 =	vadd.s32 v32, v38;
	[tilespmem:v46+s23+$0x0] =	vst.idx.msk $0xffff, v44;
	v54 =	vld [tilespmem:s28+$0x0]  }
0x270: {  	s10 =	simm.s32 $0x8;
	v41 =	vadd.s32 v23, v37;
	v53 =	vmov s11;
	[tilespmem:v51+s23+$0x0] =	vst.idx.msk $0xffff, v50;
	v40 =	vld [tilespmem:s28+$0xFFFFFF70]  }
0x271: {  	s20 =	simm.s32 $0xB;
	s24 =	simm.s32 $0xC;
	v43 =	vadd.s32 v27, v36;
	v48 =	vadd.s32 v3, v33;
	v63 =	vmov s10;
	v42 =	vld [tilespmem:s28+$0xFFFFFFB0];
	[tilespmem:v56+s23+$0x0] =	vst.idx.msk $0xffff, v55  }
0x272: {  	s31 =	simm.s32 $0xE;
	v47 =	vmov s24;
	v44 =	vmov s20;
	v46 =	vld [tilespmem:s28+$0xFFFFFE30];
	v39 =	vshrl.u32 v63, $0x3;
	[tilespmem:v58+s23+$0x0] =	vst.idx.msk $0xffff, v57  }
0x273: {  	s12 =	simm.s32 $0xA;
	s30 =	simm.s32 $0xD;
	v51 =	vadd.s32 v8, v45;
	v49 =	vld [tilespmem:s28+$0xFFFFFE80];
	v45 =	vshll.u32 v39, v1;
	v39 =	vmov s31;
	[tilespmem:v60+s23+$0x0] =	vst.idx.msk $0xffff, v59  }
0x274: {  	s29 =	simm.s32 $0x10;
	s0 =	simm.s32 $0xF;
	v52 =	vadd.s32 v12, v52;
	v50 =	vld [tilespmem:s28+$0xFFFFFEC0];
	[tilespmem:v38+s23+$0x0] =	vst.idx.msk $0xffff, v54;
	v54 =	vmov s12;
	v38 =	vmov s30  }
.LBB2_19:
0x275: {  	p0 =	slt.u32 s29, $0x78;
	v53 =	vshrl.u32 v53, $0x3;
	v55 =	vmov s0;
	v56 =	vld [tilespmem:s28+$0xFFFFFF00];
	v35 =	vadd.s32 v16, v35;
	[tilespmem:v41+s23+$0x0] =	vst.idx.msk $0xffff, v40  }
0x276: {  	v40 =	vshrl.u32 v54, $0x3;
	v34 =	vadd.s32 v20, v34;
	v41 =	vshrl.u32 v55, $0x3;
	v54 =	vld [tilespmem:s28+$0xFFFFFF40];
	[tilespmem:v43+s23+$0x0] =	vst.idx.msk $0xffff, v42  }
0x277: {  	v37 =	vadd.s32 v24, v37;
	v42 =	vshrl.u32 v44, $0x3;
	v41 =	vshll.u32 v41, v1;
	[tilespmem:v48+s23+$0x0] =	vst.idx.msk $0xffff, v46;
	v43 =	vld [tilespmem:s28+$0xFFFFFF80]  }
0x278: {  	v36 =	vadd.s32 v28, v36;
	v44 =	vshrl.u32 v47, $0x3;
	v41 =	vbroadcast v41, $0x0;
	[tilespmem:v51+s23+$0x0] =	vst.idx.msk $0xffff, v49;
	v46 =	vld [tilespmem:s28+$0xFFFFFFC0]  }
0x279: {  	v47 =	vshll.u32 v53, v1;
	v49 =	vadd.s32 v4, v33;
	v33 =	vbroadcast v45, $0x0;
	v48 =	vld [tilespmem:s28+$0xFFFFFE40];
	[tilespmem:v52+s23+$0x0] =	vst.idx.msk $0xffff, v50;
	s28 =	sadd.s32 $0x200, s28  }
0x27a: {  	v40 =	vshll.u32 v40, v1;
	v45 =	vbroadcast v47, $0x0;
	v47 =	vld [tilespmem:s28+$0xFFFFFFD0];
	v50 =	vadd.s32 v29, v41;
	[tilespmem:v35+s23+$0x0] =	vst.idx.msk $0xffff, v56  }
0x27b: {  	v55 =	vbroadcast v40, $0x0;
	v52 =	vadd.s32 v0, v33;
	v35 =	vshll.u32 v42, v1;
	v51 =	vld [tilespmem:s28+$0xFFFFFE10];
	[tilespmem:v34+s23+$0x0] =	vst.idx.msk $0xffff, v54  }
0x27c: {  	v42 =	vadd.s32 v5, v45;
	v35 =	vbroadcast v35, $0x0;
	v34 =	vshll.u32 v44, v1;
	v40 =	vld [tilespmem:s28+$0xFFFFFE50];
	[tilespmem:v37+s23+$0x0] =	vst.idx.msk $0xffff, v43  }
0x27d: {  	v44 =	vadd.s32 v9, v55;
	v34 =	vbroadcast v34, $0x0;
	v37 =	vshrl.u32 v38, $0x3;
	v43 =	vld [tilespmem:s28+$0xFFFFFE90];
	[tilespmem:v36+s23+$0x0] =	vst.idx.msk $0xffff, v46  }
0x27e: {  	v39 =	vshrl.u32 v39, $0x3;
	v46 =	vadd.s32 v13, v35;
	v36 =	vshll.u32 v37, v1;
	v38 =	vld [tilespmem:s28+$0xFFFFFED0];
	[tilespmem:v49+s23+$0x0] =	vst.idx.msk $0xffff, v48  }
0x27f: {  	v49 =	vadd.s32 v17, v34;
	v37 =	vbroadcast v36, $0x0;
	v36 =	vshll.u32 v39, v1;
	v48 =	vld [tilespmem:s28+$0xFFFFFF10];
	[tilespmem:v50+s23+$0x0] =	vst.idx.msk $0xffff, v47  }
0x280: {  	v36 =	vbroadcast v36, $0x0;
	v47 =	vadd.s32 v30, v41;
	[tilespmem:v52+s23+$0x0] =	vst.idx.msk $0xffff, v51;
	v39 =	vld [tilespmem:s28+$0xFFFFFFE0]  }
0x281: {  	[tilespmem:v42+s23+$0x0] =	vst.idx.msk $0xffff, v40;
	v40 =	vld [tilespmem:s28+$0xFFFFFF50];
	v42 =	vadd.s32 v21, v37  }
0x282: {  	[tilespmem:v44+s23+$0x0] =	vst.idx.msk $0xffff, v43;
	v43 =	vld [tilespmem:s28+$0xFFFFFF90];
	v44 =	vadd.s32 v25, v36  }
0x283: {  	v51 =	vadd.s32 v6, v45;
	v50 =	vld [tilespmem:s28+$0xFFFFFE60];
	[tilespmem:v46+s23+$0x0] =	vst.idx.msk $0xffff, v38  }
0x284: {  	v46 =	vadd.s32 v10, v55;
	v38 =	vld [tilespmem:s28+$0xFFFFFEA0];
	[tilespmem:v49+s23+$0x0] =	vst.idx.msk $0xffff, v48  }
0x285: {  	v49 =	vadd.s32 v14, v35;
	v48 =	vld [tilespmem:s28+$0xFFFFFEE0];
	[tilespmem:v47+s23+$0x0] =	vst.idx.msk $0xffff, v39  }
0x286: {  	[tilespmem:v42+s23+$0x0] =	vst.idx.msk $0xffff, v40;
	v39 =	vld [tilespmem:s28+$0xFFFFFFF0];
	v40 =	vadd.s32 v31, v41  }
0x287: {  	v47 =	vadd.s32 v18, v34;
	v42 =	vld [tilespmem:s28+$0xFFFFFF20];
	[tilespmem:v44+s23+$0x0] =	vst.idx.msk $0xffff, v43  }
0x288: {  	v44 =	vadd.s32 v22, v37;
	[tilespmem:v51+s23+$0x0] =	vst.idx.msk $0xffff, v50;
	v43 =	vld [tilespmem:s28+$0xFFFFFF60]  }
0x289: {  	[tilespmem:v46+s23+$0x0] =	vst.idx.msk $0xffff, v38;
	v38 =	vld [tilespmem:s28+$0xFFFFFFA0];
	v46 =	vadd.s32 v26, v36  }
0x28a: {  	v51 =	vadd.s32 v2, v33;
	v50 =	vld [tilespmem:s28+$0xFFFFFE20];
	[tilespmem:v49+s23+$0x0] =	vst.idx.msk $0xffff, v48  }
0x28b: {  	v49 =	vadd.s32 v7, v45;
	v48 =	vld [tilespmem:s28+$0xFFFFFE70];
	[tilespmem:v40+s23+$0x0] =	vst.idx.msk $0xffff, v39  }
0x28c: {  	[tilespmem:v47+s23+$0x0] =	vst.idx.msk $0xffff, v42;
	v39 =	vld [tilespmem:s28+$0x0];
	v47 =	vadd.s32 v32, v41  }
0x28d: {  	v56 =	vadd.s32 v11, v55;
	v52 =	vld [tilespmem:s28+$0xFFFFFEB0];
	[tilespmem:v44+s23+$0x0] =	vst.idx.msk $0xffff, v43  }
0x28e: {  	v58 =	vadd.s32 v15, v35;
	v57 =	vld [tilespmem:s28+$0xFFFFFEF0];
	[tilespmem:v46+s23+$0x0] =	vst.idx.msk $0xffff, v38  }
0x28f: {  	v60 =	vadd.s32 v19, v34;
	[tilespmem:v51+s23+$0x0] =	vst.idx.msk $0xffff, v50;
	v59 =	vld [tilespmem:s28+$0xFFFFFF30]  }
.Ltmp8:
0x290: {  	s0 =	sadd.s32 $0x1, s29;
	v41 =	vadd.s32 v23, v37;
	v38 =	vmov s29;
	[tilespmem:v49+s23+$0x0] =	vst.idx.msk $0xffff, v48;
	v40 =	vld [tilespmem:s28+$0xFFFFFF70];
	(pc) =	sbr.rel @p0 .LBB2_19-.Ltmp8, $4  }
0x291: {  	s2 =	sadd.s32 $0x3, s29;
	v53 =	vmov s0;
	s0 =	sadd.s32 $0x2, s29;
	v43 =	vadd.s32 v27, v36;
	v50 =	vshrl.u32 v38, $0x3;
	v42 =	vld [tilespmem:s28+$0xFFFFFFB0];
	[tilespmem:v47+s23+$0x0] =	vst.idx.msk $0xffff, v39  }
0x292: {  	v54 =	vmov s0;
	s0 =	sadd.s32 $0x4, s29;
	v44 =	vmov s2;
	s2 =	sadd.s32 $0x5, s29;
	v48 =	vadd.s32 v3, v33;
	v46 =	vld [tilespmem:s28+$0xFFFFFE30];
	[tilespmem:v56+s23+$0x0] =	vst.idx.msk $0xffff, v52  }
0x293: {  	v38 =	vmov s2;
	v51 =	vadd.s32 v8, v45;
	v47 =	vmov s0;
	s0 =	sadd.s32 $0x6, s29;
	v49 =	vld [tilespmem:s28+$0xFFFFFE80];
	[tilespmem:v58+s23+$0x0] =	vst.idx.msk $0xffff, v57  }
0x294: {  	v45 =	vshll.u32 v50, v1;
	v39 =	vmov s0;
	s0 =	sadd.s32 $0x7, s29;
	s29 =	sadd.s32 $0x8, s29;
	v52 =	vadd.s32 v12, v55;
	v50 =	vld [tilespmem:s28+$0xFFFFFEC0];
	[tilespmem:v60+s23+$0x0] =	vst.idx.msk $0xffff, v59  }
0x295: {  	_ =	sdelay $0x2  }
0x296: {  	v53 =	vshrl.u32 v53, $0x3  }
0x297: {  	v55 =	vmov s0;
	v56 =	vld [tilespmem:s28+$0xFFFFFF00];
	v35 =	vadd.s32 v16, v35;
	[tilespmem:v41+s23+$0x0] =	vst.idx.msk $0xffff, v40;
	v57 =	vshrl.u32 v54, $0x3  }
0x298: {  	v59 =	vld [tilespmem:s28+$0xFFFFFF40];
	v34 =	vadd.s32 v20, v34;
	v60 =	vshrl.u32 v44, $0x3;
	v58 =	vshrl.u32 v55, $0x3;
	[tilespmem:v43+s23+$0x0] =	vst.idx.msk $0xffff, v42  }
0x299: {  	v37 =	vadd.s32 v24, v37;
	v62 =	vshrl.u32 v47, $0x3;
	v61 =	vld [tilespmem:s28+$0xFFFFFF80];
	v41 =	vshll.u32 v58, v1;
	[tilespmem:v48+s23+$0x0] =	vst.idx.msk $0xffff, v46  }
0x29a: {  	v36 =	vadd.s32 v28, v36;
	v45 =	vbroadcast v45, $0x0;
	v63 =	vld [tilespmem:s28+$0xFFFFFFC0];
	v41 =	vbroadcast v41, $0x0;
	[tilespmem:v51+s23+$0x0] =	vst.idx.msk $0xffff, v49  }
0x29b: {  	v33 =	vadd.s32 v4, v33;
	s0 =	sadd.s32 $0x200, s28;
	v38 =	vshrl.u32 v38, $0x3;
	v55 =	vshll.u32 v53, v1;
	v48 =	vld [tilespmem:s28+$0xFFFFFE40];
	[tilespmem:v52+s23+$0x0] =	vst.idx.msk $0xffff, v50  }
0x29c: {  	v40 =	vshll.u32 v57, v1;
	v47 =	vbroadcast v55, $0x0;
	v49 =	vld [tilespmem:s0+$0xFFFFFFD0];
	v50 =	vadd.s32 v29, v41;
	[tilespmem:v35+s23+$0x0] =	vst.idx.msk $0xffff, v56  }
0x29d: {  	v42 =	vshll.u32 v60, v1;
	v40 =	vbroadcast v40, $0x0;
	v35 =	vld [tilespmem:s0+$0xFFFFFE10];
	v56 =	vadd.s32 v0, v45;
	[tilespmem:v34+s23+$0x0] =	vst.idx.msk $0xffff, v59  }
0x29e: {  	v57 =	vld [tilespmem:s0+$0xFFFFFE50];
	v44 =	vshll.u32 v62, v1;
	v42 =	vbroadcast v42, $0x0;
	v58 =	vadd.s32 v5, v47;
	[tilespmem:v37+s23+$0x0] =	vst.idx.msk $0xffff, v61  }
0x29f: {  	v38 =	vshll.u32 v38, v1;
	v44 =	vbroadcast v44, $0x0;
	v60 =	vadd.s32 v9, v40;
	v59 =	vld [tilespmem:s0+$0xFFFFFE90];
	[tilespmem:v36+s23+$0x0] =	vst.idx.msk $0xffff, v63  }
0x2a0: {  	v38 =	vbroadcast v38, $0x0;
	v62 =	vadd.s32 v13, v42;
	v61 =	vld [tilespmem:s0+$0xFFFFFED0];
	[tilespmem:v33+s23+$0x0] =	vst.idx.msk $0xffff, v48  }
0x2a1: {  	v39 =	vshrl.u32 v39, $0x3;
	v63 =	vadd.s32 v17, v44;
	v33 =	vld [tilespmem:s0+$0xFFFFFF10];
	[tilespmem:v50+s23+$0x0] =	vst.idx.msk $0xffff, v49  }
0x2a2: {  	v39 =	vshll.u32 v39, v1;
	v34 =	vld [tilespmem:s0+$0xFFFFFF50];
	[tilespmem:v56+s23+$0x0] =	vst.idx.msk $0xffff, v35;
	v56 =	vadd.s32 v21, v38  }
0x2a3: {  	[tilespmem:v58+s23+$0x0] =	vst.idx.msk $0xffff, v57;
	v35 =	vbroadcast v39, $0x0;
	v49 =	vadd.s32 v30, v41;
	v39 =	vld [tilespmem:s0+$0xFFFFFFE0]  }
0x2a4: {  	[tilespmem:v60+s23+$0x0] =	vst.idx.msk $0xffff, v59;
	v59 =	vld [tilespmem:s0+$0xFFFFFE60];
	v60 =	vadd.s32 v6, v47  }
0x2a5: {  	v57 =	vld [tilespmem:s0+$0xFFFFFF90];
	[tilespmem:v62+s23+$0x0] =	vst.idx.msk $0xffff, v61;
	v58 =	vadd.s32 v25, v35  }
0x2a6: {  	v61 =	vld [tilespmem:s0+$0xFFFFFEA0];
	v62 =	vadd.s32 v10, v40;
	[tilespmem:v63+s23+$0x0] =	vst.idx.msk $0xffff, v33  }
0x2a7: {  	v33 =	vld [tilespmem:s0+$0xFFFFFEE0];
	v63 =	vadd.s32 v14, v42;
	[tilespmem:v56+s23+$0x0] =	vst.idx.msk $0xffff, v34  }
0x2a8: {  	v56 =	vadd.s32 v18, v44;
	[tilespmem:v49+s23+$0x0] =	vst.idx.msk $0xffff, v39;
	v49 =	vld [tilespmem:s0+$0xFFFFFF20]  }
0x2a9: {  	[tilespmem:v60+s23+$0x0] =	vst.idx.msk $0xffff, v59;
	v39 =	vadd.s32 v31, v41;
	v34 =	vld [tilespmem:s0+$0xFFFFFFF0]  }
0x2aa: {  	[tilespmem:v58+s23+$0x0] =	vst.idx.msk $0xffff, v57;
	v57 =	vld [tilespmem:s0+$0xFFFFFF60];
	v58 =	vadd.s32 v22, v38  }
0x2ab: {  	[tilespmem:v62+s23+$0x0] =	vst.idx.msk $0xffff, v61;
	v61 =	vld [tilespmem:s0+$0xFFFFFE20];
	v62 =	vadd.s32 v2, v45  }
0x2ac: {  	v60 =	vadd.s32 v26, v35;
	v59 =	vld [tilespmem:s0+$0xFFFFFFA0];
	[tilespmem:v63+s23+$0x0] =	vst.idx.msk $0xffff, v33  }
0x2ad: {  	v55 =	vadd.s32 v11, v40;
	v54 =	vadd.s32 v32, v41;
	v41 =	vld [tilespmem:s0+$0xFFFFFEB0];
	[tilespmem:v56+s23+$0x0] =	vst.idx.msk $0xffff, v49  }
0x2ae: {  	v53 =	vadd.s32 v7, v47;
	v63 =	vld [tilespmem:s0+$0xFFFFFE70];
	[tilespmem:v39+s23+$0x0] =	vst.idx.msk $0xffff, v34  }
0x2af: {  	v56 =	vld [tilespmem:s0+$0xFFFFFEF0];
	[tilespmem:v58+s23+$0x0] =	vst.idx.msk $0xffff, v57;
	v57 =	vadd.s32 v15, v42  }
0x2b0: {  	[tilespmem:v62+s23+$0x0] =	vst.idx.msk $0xffff, v61;
	v34 =	vld [tilespmem:s0+$0x0]  }
0x2b1: {  	v58 =	vld [tilespmem:s0+$0xFFFFFF30];
	[tilespmem:v60+s23+$0x0] =	vst.idx.msk $0xffff, v59;
	v59 =	vadd.s32 v19, v44  }
0x2b2: {  	v61 =	vadd.s32 v23, v38;
	[tilespmem:v55+s23+$0x0] =	vst.idx.msk $0xffff, v41;
	v60 =	vld [tilespmem:s0+$0xFFFFFF70]  }
0x2b3: {  	[tilespmem:v53+s23+$0x0] =	vst.idx.msk $0xffff, v63;
	v63 =	vadd.s32 v27, v35;
	v62 =	vld [tilespmem:s0+$0xFFFFFFB0]  }
0x2b4: {  	v47 =	vadd.s32 v8, v47;
	v55 =	vld [tilespmem:s0+$0xFFFFFE80];
	[tilespmem:v57+s23+$0x0] =	vst.idx.msk $0xffff, v56  }
0x2b5: {  	v53 =	vld [tilespmem:s0+$0xFFFFFE30];
	[tilespmem:v54+s23+$0x0] =	vst.idx.msk $0xffff, v34;
	v54 =	vadd.s32 v3, v45  }
0x2b6: {  	v40 =	vadd.s32 v12, v40;
	v56 =	vld [tilespmem:s0+$0xFFFFFEC0];
	[tilespmem:v59+s23+$0x0] =	vst.idx.msk $0xffff, v58  }
0x2b7: {  	v42 =	vadd.s32 v16, v42;
	v57 =	vld [tilespmem:s0+$0xFFFFFF00];
	[tilespmem:v61+s23+$0x0] =	vst.idx.msk $0xffff, v60  }
0x2b8: {  	v59 =	vadd.s32 v20, v44;
	v58 =	vld [tilespmem:s0+$0xFFFFFF40];
	[tilespmem:v63+s23+$0x0] =	vst.idx.msk $0xffff, v62  }
0x2b9: {  	v38 =	vadd.s32 v24, v38;
	v60 =	vld [tilespmem:s0+$0xFFFFFF80];
	[tilespmem:v47+s23+$0x0] =	vst.idx.msk $0xffff, v55  }
0x2ba: {  	v35 =	vadd.s32 v28, v35;
	v61 =	vld [tilespmem:s0+$0xFFFFFFC0];
	[tilespmem:v54+s23+$0x0] =	vst.idx.msk $0xffff, v53  }
0x2bb: {  	v63 =	vadd.s32 v4, v45;
	[tilespmem:v40+s23+$0x0] =	vst.idx.msk $0xffff, v56;
	v62 =	vld [tilespmem:s0+$0xFFFFFE40]  }
0x2bc: {  	[tilespmem:v42+s23+$0x0] =	vst.idx.msk $0xffff, v57  }
0x2bd: {  	[tilespmem:v59+s23+$0x0] =	vst.idx.msk $0xffff, v58  }
0x2be: {  	[tilespmem:v38+s23+$0x0] =	vst.idx.msk $0xffff, v60  }
0x2bf: {  	[tilespmem:v35+s23+$0x0] =	vst.idx.msk $0xffff, v61  }
0x2c0: {  	s2 =	sshll.u32 s26, $0x12;
	[tilespmem:v63+s23+$0x0] =	vst.idx.msk $0xffff, v62  }
0x2c1: {  	s0 =	sor.u32 s4, s2;
	_ =	swait.ge [sflag:s22], $0x2000  }
0x2c2: {  	s0 =	sshrl.u32 s0, $0x3;
	[sflag:s22] =	ssyncset.done $0x0  }
0x2c3: {  	s6 =	simm.s32 $0x10600;
	s2 =	sadd.s32 s1, s0;
	[sflag:s22] =	ssyncadd.s32 $0xFFFFE000  }
0x2c4: {  	[hbm4b:s2+s3] =	stream.linear.scatter [tilespmem:s6], [sflag:$0x2], $0x80, $0x38;
	[tilespmem:$0x12800] =	vst v63  }
0x2c5: {  	s7 =	simm.s32 $0x10688;
	s6 =	sadd.s32 $0x10, s2  }
0x2c6: {  	[hbm4b:s6+s3] =	stream.linear.scatter [tilespmem:s7], [sflag:$0x2], $0x80, $0x38;
	[tilespmem:$0x12800] =	vst v63  }
0x2c7: {  	s10 =	simm.s32 $0x10710;
	s12 =	simm.s32 $0x10798;
	s11 =	sadd.s32 $0x20, s2  }
0x2c8: {  	[hbm4b:s11+s3] =	stream.linear.scatter [tilespmem:s10], [sflag:$0x2], $0x80, $0x38;
	[tilespmem:$0x12800] =	vst v63  }
0x2c9: {  	s24 =	simm.s32 $0x10820;
	s30 =	simm.s32 $0x10930;
	s20 =	sadd.s32 $0x30, s2  }
0x2ca: {  	[hbm4b:s20+s3] =	stream.linear.scatter [tilespmem:s12], [sflag:$0x2], $0x80, $0x38;
	[tilespmem:$0x12800] =	vst v63  }
0x2cb: {  	s28 =	simm.s32 $0x108A8;
	s0 =	simm.s32 $0x440;
	s26 =	sadd.s32 $0x40, s2  }
0x2cc: {  	[hbm4b:s26+s3] =	stream.linear.scatter [tilespmem:s24], [sflag:$0x2], $0x80, $0x38;
	[tilespmem:$0x12800] =	vst v63  }
0x2cd: {  	s29 =	sadd.s32 $0x50, s2;
	s31 =	sadd.s32 $0x60, s2;
	s6 =	simm.s32 $0x2200  }
0x2ce: {  	[hbm4b:s29+s3] =	stream.linear.scatter [tilespmem:s28], [sflag:$0x2], $0x80, $0x38;
	[tilespmem:$0x12800] =	vst v63  }
0x2cf: {  	s11 =	simm.s32 $0x109B8;
	s10 =	sadd.s32 $0x70, s2;
	s2 =	sadd.s32 $0x1000, s2  }
0x2d0: {  	[hbm4b:s31+s3] =	stream.linear.scatter [tilespmem:s30], [sflag:$0x2], $0x80, $0x38;
	[tilespmem:$0x12800] =	vst v63  }
.LBB2_21:
0x2d1: {  	[hbm4b:s10+s3] =	stream.linear.scatter [tilespmem:s11], [sflag:$0x2], $0x80, $0x38;
	[tilespmem:$0x12800] =	vst v63  }
0x2d2: {  	s7 =	smov.u32 s0;
	s0 =	smov.u32 s6  }
0x2d3: {  	s12 =	sadd.s32 $0x1100, s6;
	s0 =	sshra.s32 s0, $0x2;
	s10 =	sadd.s32 $0x10600, s7  }
0x2d4: {  	[hbm4b:s2+s3] =	stream.linear.scatter [tilespmem:s10], [sflag:$0x2], $0x80, $0x38;
	[tilespmem:$0x12800] =	vst v63  }
0x2d5: {  	p0 =	sne.s32 s6, $0x7700;
	s6 =	sadd.s32 $0x10688, s7;
	s10 =	sadd.s32 $0x10, s2  }
0x2d6: {  	[hbm4b:s10+s3] =	stream.linear.scatter [tilespmem:s6], [sflag:$0x2], $0x80, $0x38;
	[tilespmem:$0x12800] =	vst v63  }
0x2d7: {  	s6 =	sadd.s32 $0x10710, s7;
	s10 =	sadd.s32 $0x20, s2  }
0x2d8: {  	[hbm4b:s10+s3] =	stream.linear.scatter [tilespmem:s6], [sflag:$0x2], $0x80, $0x38;
	[tilespmem:$0x12800] =	vst v63  }
0x2d9: {  	s6 =	sadd.s32 $0x10798, s7;
	s10 =	sadd.s32 $0x30, s2  }
0x2da: {  	[hbm4b:s10+s3] =	stream.linear.scatter [tilespmem:s6], [sflag:$0x2], $0x80, $0x38;
	[tilespmem:$0x12800] =	vst v63  }
0x2db: {  	s6 =	sadd.s32 $0x10820, s7;
	s10 =	sadd.s32 $0x40, s2  }
0x2dc: {  	[hbm4b:s10+s3] =	stream.linear.scatter [tilespmem:s6], [sflag:$0x2], $0x80, $0x38;
	[tilespmem:$0x12800] =	vst v63  }
.Ltmp9:
0x2dd: {  	s6 =	sadd.s32 $0x108A8, s7;
	s10 =	sadd.s32 $0x50, s2;
	(pc) =	sbr.rel @p0 .LBB2_21-.Ltmp9, $4  }
0x2de: {  	[hbm4b:s10+s3] =	stream.linear.scatter [tilespmem:s6], [sflag:$0x2], $0x80, $0x38;
	[tilespmem:$0x12800] =	vst v63  }
0x2df: {  	s11 =	sadd.s32 $0x109B8, s7;
	s6 =	sadd.s32 $0x10930, s7;
	s10 =	sadd.s32 $0x60, s2  }
0x2e0: {  	[hbm4b:s10+s3] =	stream.linear.scatter [tilespmem:s6], [sflag:$0x2], $0x80, $0x38;
	[tilespmem:$0x12800] =	vst v63  }
0x2e1: {  	s10 =	sadd.s32 $0x70, s2;
	s2 =	sadd.s32 $0x1000, s2;
	s6 =	smov.u32 s12  }
0x2e2: {  	[hbm4b:s10+s3] =	stream.linear.scatter [tilespmem:s11], [sflag:$0x2], $0x80, $0x38;
	[tilespmem:$0x12800] =	vst v63  }
0x2e3: {  	s6 =	sadd.s32 $0x10600, s0  }
0x2e4: {  	[hbm4b:s2+s3] =	stream.linear.scatter [tilespmem:s6], [sflag:$0x2], $0x80, $0x38;
	[tilespmem:$0x12800] =	vst v63  }
0x2e5: {  	s29 =	sadd.s32 $0x10688, s0;
	s7 =	sadd.s32 $0x10, s2  }
0x2e6: {  	[hbm4b:s7+s3] =	stream.linear.scatter [tilespmem:s29], [sflag:$0x2], $0x80, $0x38;
	[tilespmem:$0x12800] =	vst v63  }
0x2e7: {  	s30 =	sadd.s32 $0x10710, s0;
	s31 =	sadd.s32 $0x20, s2  }
0x2e8: {  	[hbm4b:s31+s3] =	stream.linear.scatter [tilespmem:s30], [sflag:$0x2], $0x80, $0x38;
	[tilespmem:$0x12800] =	vst v63  }
0x2e9: {  	s10 =	sadd.s32 $0x10798, s0;
	s11 =	sadd.s32 $0x30, s2  }
0x2ea: {  	[hbm4b:s11+s3] =	stream.linear.scatter [tilespmem:s10], [sflag:$0x2], $0x80, $0x38;
	[tilespmem:$0x12800] =	vst v63  }
0x2eb: {  	s12 =	sadd.s32 $0x10820, s0;
	s20 =	sadd.s32 $0x40, s2;
	s25 =	sadd.s32 $0x1, s25  }
0x2ec: {  	[hbm4b:s20+s3] =	stream.linear.scatter [tilespmem:s12], [sflag:$0x2], $0x80, $0x38;
	[tilespmem:$0x12800] =	vst v63  }
0x2ed: {  	s24 =	sadd.s32 $0x108A8, s0;
	s26 =	sadd.s32 $0x50, s2;
	p0 =	sne.s32 s25, $0x32  }
0x2ee: {  	[hbm4b:s26+s3] =	stream.linear.scatter [tilespmem:s24], [sflag:$0x2], $0x80, $0x38;
	[tilespmem:$0x12800] =	vst v63  }
.Ltmp10:
0x2ef: {  	_ = 	snop;
	(pc) =	sbr.rel @p0 .LBB2_6-.Ltmp10, $4  }
0x2f0: {  	s28 =	sadd.s32 $0x10930, s0;
	s29 =	sadd.s32 $0x60, s2  }
0x2f1: {  	[hbm4b:s29+s3] =	stream.linear.scatter [tilespmem:s28], [sflag:$0x2], $0x80, $0x38;
	[tilespmem:$0x12800] =	vst v63  }
0x2f2: {  	s30 =	sadd.s32 $0x109B8, s0;
	s31 =	sadd.s32 $0x70, s2  }
0x2f3: {  	[hbm4b:s31+s3] =	stream.linear.scatter [tilespmem:s30], [sflag:$0x2], $0x80, $0x38;
	[tilespmem:$0x12800] =	vst v63  }
0x2f4: {  	_ =	swait.ge [sflag:s22], $0x2000  }
0x2f5: {  	[sflag:s22] =	ssyncset.done $0x0  }
0x2f6: {  	[sflag:s22] =	ssyncadd.s32 $0xFFFFE000  }
0x2f7: {  	_ =	swait.ge [sflag:s22], $0x2000  }
0x2f8: {  	[sflag:s22] =	ssyncset.done $0x0  }
0x2f9: {  	[sflag:s22] =	ssyncadd.s32 $0xFFFFE000  }
0x2fa: {  	_ =	swait.ge [sflag:s19], $0x2000  }
0x2fb: {  	[sflag:s19] =	ssyncset.done $0x0  }
0x2fc: {  	[sflag:s19] =	ssyncadd.s32 $0xFFFFE000  }
0x2fd: {  	_ =	swait.ge [sflag:s19], $0x2000  }
0x2fe: {  	[sflag:s19] =	ssyncset.done $0x0  }
0x2ff: {  	[sflag:s19] =	ssyncadd.s32 $0xFFFFE000  }
0x300: {  	_ =	swait.ge [sflag:s19], $0x2000  }
0x301: {  	s2 =	rddreg [dreg:$0x6]  }
0x302: {  	s0 =	rddreg [dreg:$0x5];
	s2 =	sadd.s32 $0x1, s2  }
0x303: {  	p0 =	sne.s32 s2, s0  }
.Ltmp11:
0x304: {  	_ = 	snop;
	(pc) =	sbr.rel @p0 .LBB2_1-.Ltmp11, $3  }
0x305: {  	_ =	sdelay $0x1  }
0x306: {  	[sflag:s19] =	ssyncset.done $0x0  }
0x307: {  	[sflag:s19] =	ssyncadd.s32 $0xFFFFE000  }
0x308: {  	_ =	sfence.sel $0x180000  }
0x309: {  	[bflag:$0x0] =	sbarrier.arrive $0xFFFF  }
0x30a: {  	_ =	strace $0x90000047  }
0x30b: {  	s0 =	stileid.u32;
	[bflag:$0x2] =	sbarrier.arrive $0xFFFF  }
0x30c: {  	p0 =	sne.s32 s0, $0x0;
	s0 =	rddreg [dreg:$0x3]  }
0x30d: {  	s0 =	sadd.s32 @!p0 $0x100000, s0  }
0x30e: {  	[sflag:s0] =	ssyncadd.tile.s32 @!p0 $0x1;
	_ =	shalt  }
.Lfunc_end2:
_tile_overlayer_lowered:
.L_overlay_start_2:
0x30f: {  	(tag) =	ssettag $0x2  }
0x310: {  	s0 =	rddreg [dreg:$0x0];
	s2 =	stileid.u32  }
0x311: {  	s1 =	rddreg [dreg:$0x1];
	p0 =	sne.s32 s2, $0x0  }
0x312: {  	s3 =	rddreg [dreg:$0x2];
	[bflag:$0x3] =	sbarrier.arrive $0xFFFF;
	s2 =	simm.s32 @!p0 $0x1C03  }
0x313: {  	[timem:s3], [sflag:s2] =	dma.local @!p0 [hbm:s0], s1  }
0x314: {  	s0 =	simm.s32 @!p0 $0x3  }
0x315: {  	_ =	swait.ge @!p0 [sflag:s0], s1  }
0x316: {  	s1 =	ssub.s32 @!p0 $0x0, s1;
	[sflag:s0] =	ssyncset.done @!p0 $0x0  }
0x317: {  	[sflag:s0] =	ssyncadd.s32 @!p0 s1  }
0x318: {  	[bflag:$0x3] =	sbarrier.arrive $0xFFFF  }
0x319: {  	_ =	shalt  }

</sc_bundles>
